<compile_context>
chip_gen: v7x
topology: tpu7x:2x2x1
jax: 0.10.2.dev20260603
libtpu: 0.0.44.dev20260713+nightly
codegen_flags: <defaults>
</compile_context>

<pallas_src>
import jax
import jax.numpy as jnp
from jax import lax
from jax.experimental import pallas as pl
from jax.experimental.pallas import tpu as pltpu
from jax.experimental.pallas import tpu_sc as plsc

N_NODES = 10000
N_EDGES = 320000
IN_DIM = 128
HID_DIM = 64
OUT_DIM = 64

NC = 2
NS = 16
NW = NC * NS
NPAD = 10240
STRIP = NPAD // NS
K = 128
NSLOT = 8
NCHUNK = 80
NITER = NCHUNK // NSLOT
HSLOT = 6
HITER = NCHUNK // HSLOT
HREM = NCHUNK - HITER * HSLOT
EPT = N_EDGES // NW
EPT_PAD = K * NCHUNK
PAD_PER_TILE = EPT_PAD - EPT

HALF = NPAD // 2
HBLK = 1024
HGRID = HALF // HBLK

_SC_MESH = plsc.VectorSubcoreMesh(
    core_axis_name="c", subcore_axis_name="s", num_cores=NC, num_subcores=NS)


def _hist_body(colr_hbm, out_hbm, cbuf, ones_v, zb_v, deg_sh,
               s0, s1, s2, s3, s4, s5):
    cid = lax.axis_index("c")
    sid = lax.axis_index("s")
    tid = cid * NS + sid

    def zb(j, c):
        zb_v[pl.ds(j * 16, 16)] = jnp.zeros((16,), jnp.float32)
        return c
    lax.fori_loop(0, STRIP // 16, zb, 0)

    def ob(j, c):
        ones_v[pl.ds(j * 16, 16)] = jnp.ones((16,), jnp.float32)
        return c
    lax.fori_loop(0, K // 16, ob, 0)

    pltpu.sync_copy(colr_hbm.at[tid], cbuf)
    pltpu.sync_copy(zb_v, deg_sh.at[pl.ds(sid * STRIP, STRIP)])
    plsc.subcore_barrier()

    def drain(sem):
        pltpu.make_async_copy(colr_hbm.at[tid, 0], cbuf.at[0], sem).wait()

    sems = (s0, s1, s2, s3, s4, s5)

    def slot(i, j, sem):
        @pl.when(i > 0)
        def _():
            drain(sem)
        pltpu.async_copy(ones_v, deg_sh.at[cbuf.at[HSLOT * i + j]], sem,
                         add=True)

    def step(i, carry):
        for j in range(HSLOT):
            slot(i, j, sems[j])
        return carry
    lax.fori_loop(0, HITER, step, 0)
    for j in range(HREM):
        drain(sems[j])
        pltpu.async_copy(ones_v, deg_sh.at[cbuf.at[HITER * HSLOT + j]],
                         sems[j], add=True)
    for sem in sems:
        drain(sem)

    plsc.subcore_barrier()
    pltpu.sync_copy(deg_sh.at[pl.ds(sid * STRIP, STRIP)],
                    out_hbm.at[cid, pl.ds(sid * STRIP, STRIP)])


_hist_call = pl.kernel(
    _hist_body,
    out_type=jax.ShapeDtypeStruct((NC, NPAD), jnp.float32),
    mesh=_SC_MESH,
    scratch_types=[
        pltpu.VMEM((NCHUNK, K), jnp.int32),
        pltpu.VMEM((K,), jnp.float32),
        pltpu.VMEM((STRIP,), jnp.float32),
        pltpu.VMEM_SHARED((NPAD,), jnp.float32),
    ] + [pltpu.SemaphoreType.DMA] * HSLOT,
    compiler_params=pltpu.CompilerParams(use_tc_tiling_on_sc=False),
)


def _agg_body(s_hbm, rowr_hbm, colr_hbm, out_hbm, rbuf, cbuf,
              r0, r1, r2, r3, r4, r5, r6, r7, acc_sh,
              g0, g1, g2, g3, g4, g5, g6, g7,
              s0, s1, s2, s3, s4, s5, s6, s7):
    cid = lax.axis_index("c")
    sid = lax.axis_index("s")
    tid = cid * NS + sid

    def zr(r, _):
        def zj(j, c):
            r0[r, pl.ds(j * 16, 16)] = jnp.zeros((16,), jnp.float32)
            return c
        return lax.fori_loop(0, HID_DIM // 16, zj, _)
    lax.fori_loop(0, K, zr, 0)

    def zs(k, c):
        pltpu.sync_copy(r0, acc_sh.at[pl.ds(sid * STRIP + k * K, K)])
        return c
    lax.fori_loop(0, STRIP // K, zs, 0)

    pltpu.sync_copy(rowr_hbm.at[tid], rbuf)
    pltpu.sync_copy(colr_hbm.at[tid], cbuf)
    plsc.subcore_barrier()

    def gather(c, buf, sem):
        pltpu.async_copy(s_hbm.at[rbuf.at[c]], buf, sem)

    def gwait(c, buf, sem):
        pltpu.make_async_copy(s_hbm.at[rbuf.at[c]], buf, sem).wait()

    def scat(c, buf, sem):
        pltpu.async_copy(buf, acc_sh.at[cbuf.at[c]], sem, add=True)

    def sdrain(buf, sem):
        pltpu.make_async_copy(s_hbm.at[pl.ds(0, K)], buf, sem).wait()

    bufs = (r0, r1, r2, r3, r4, r5, r6, r7)
    gsems = (g0, g1, g2, g3, g4, g5, g6, g7)
    ssems = (s0, s1, s2, s3, s4, s5, s6, s7)

    for j in range(NSLOT):
        gather(j, bufs[j], gsems[j])

    def step(i, carry):
        a = NSLOT * i
        for j in range(NSLOT):
            gwait(a + j, bufs[j], gsems[j])
            scat(a + j, bufs[j], ssems[j])

        @pl.when(i + 1 < NITER)
        def _():
            for j in range(NSLOT):
                sdrain(bufs[j], ssems[j])
                gather(NSLOT * (i + 1) + j, bufs[j], gsems[j])
        return carry
    lax.fori_loop(0, NITER, step, 0)
    for j in range(NSLOT):
        sdrain(bufs[j], ssems[j])

    plsc.subcore_barrier()
    pltpu.sync_copy(acc_sh.at[pl.ds(sid * STRIP, STRIP)],
                    out_hbm.at[cid, pl.ds(sid * STRIP, STRIP)])


_agg_call = pl.kernel(
    _agg_body,
    out_type=jax.ShapeDtypeStruct((NC, NPAD, HID_DIM), jnp.float32),
    mesh=_SC_MESH,
    scratch_types=[
        pltpu.VMEM((NCHUNK, K), jnp.int32),
        pltpu.VMEM((NCHUNK, K), jnp.int32),
    ] + [pltpu.VMEM((K, HID_DIM), jnp.float32)] * NSLOT + [
        pltpu.VMEM_SHARED((NPAD, HID_DIM), jnp.float32),
    ] + [pltpu.SemaphoreType.DMA] * (2 * NSLOT),
    compiler_params=pltpu.CompilerParams(use_tc_tiling_on_sc=False),
)


def _dinvp(dlo_ref, dhi_ref):
    plo = dlo_ref[...]
    phi = dhi_ref[...]
    dlo = jnp.transpose(lax.rsqrt(2.0 + plo[0:1, :] + plo[1:2, :]), (1, 0))
    dhi = jnp.transpose(lax.rsqrt(2.0 + phi[0:1, :] + phi[1:2, :]), (1, 0))
    return jnp.concatenate(
        [jnp.broadcast_to(dlo, (HBLK, HID_DIM)),
         jnp.broadcast_to(dhi, (HBLK, HID_DIM))], axis=1)


def _tc1_body(xlo_ref, xhi_ref, w_ref, dlo_ref, dhi_ref, s1_ref):
    w = w_ref[...]
    xwlo = jnp.dot(xlo_ref[...], w, preferred_element_type=jnp.float32)
    xwhi = jnp.dot(xhi_ref[...], w, preferred_element_type=jnp.float32)
    xwp = jnp.concatenate([xwlo, xwhi], axis=1)
    s1_ref[...] = xwp * _dinvp(dlo_ref, dhi_ref)


def _tc2_body(p_ref, s1_ref, dlo_ref, dhi_ref, b_ref, w_ref, s2_ref):
    dv = _dinvp(dlo_ref, dhi_ref)
    p = p_ref[...]
    q = p[0] + p[1]
    h = jnp.maximum(dv * q + 2.0 * dv * s1_ref[...] + b_ref[...], 0.0)
    w = w_ref[...]
    s2p = jnp.concatenate(
        [jnp.dot(h[:, :HID_DIM], w, preferred_element_type=jnp.float32),
         jnp.dot(h[:, HID_DIM:], w, preferred_element_type=jnp.float32)],
        axis=1)
    s2_ref[...] = s2p * dv


def _log_softmax(l):
    m = jnp.max(l, axis=1, keepdims=True)
    e = jnp.exp(l - m)
    return (l - m) - jnp.log(jnp.sum(e, axis=1, keepdims=True))


def _tc3_body(p_ref, s2_ref, dlo_ref, dhi_ref, b_ref, lo_ref, hi_ref):
    dv = _dinvp(dlo_ref, dhi_ref)
    p = p_ref[...]
    q = p[0] + p[1]
    logits = dv * q + 2.0 * dv * s2_ref[...]
    b = b_ref[...]
    lo_ref[...] = _log_softmax(logits[:, :OUT_DIM] + b)
    hi_ref[...] = _log_softmax(logits[:, OUT_DIM:] + b)


def kernel(x, edge_index, W1, b1, W2, b2):
    ei = edge_index.astype(jnp.int32).reshape(2, NW, EPT)
    pad = jnp.broadcast_to(
        N_NODES + jnp.arange(PAD_PER_TILE, dtype=jnp.int32) % (NPAD - N_NODES),
        (2, NW, PAD_PER_TILE))
    ei_pad = jnp.concatenate([ei, pad], axis=2)
    col_r = ei_pad[1].reshape(NW, NCHUNK, K)
    eip = jnp.where(ei_pad < HALF, 2 * ei_pad, 2 * (ei_pad - HALF) + 1)
    rowp_r = eip[0].reshape(NW, NCHUNK, K)
    colp_r = eip[1].reshape(NW, NCHUNK, K)

    deg_parts = _hist_call(col_r)

    _dlo = pl.BlockSpec((2, HBLK), lambda i: (0, i))
    _dhi = pl.BlockSpec((2, HBLK), lambda i: (0, i + HGRID))
    _pk = pl.BlockSpec((HBLK, 128), lambda i: (i, 0))

    s1p = pl.pallas_call(
        _tc1_body,
        grid=(HGRID,),
        in_specs=[
            pl.BlockSpec((HBLK, IN_DIM), lambda i: (i, 0)),
            pl.BlockSpec((HBLK, IN_DIM), lambda i: (i + HGRID, 0)),
            pl.BlockSpec((IN_DIM, HID_DIM), lambda i: (0, 0)),
            _dlo, _dhi,
        ],
        out_specs=_pk,
        out_shape=jax.ShapeDtypeStruct((HALF, 128), jnp.float32),
    )(x, x, W1, deg_parts, deg_parts)

    agg1 = _agg_call(s1p.reshape(NPAD, HID_DIM), rowp_r, colp_r)
    agg1v = agg1.reshape(NC, HALF, 128)

    s2p = pl.pallas_call(
        _tc2_body,
        grid=(HGRID,),
        in_specs=[
            pl.BlockSpec((NC, HBLK, 128), lambda i: (0, i, 0)),
            _pk, _dlo, _dhi,
            pl.BlockSpec((1, 128), lambda i: (0, 0)),
            pl.BlockSpec((HID_DIM, OUT_DIM), lambda i: (0, 0)),
        ],
        out_specs=_pk,
        out_shape=jax.ShapeDtypeStruct((HALF, 128), jnp.float32),
    )(agg1v, s1p, deg_parts, deg_parts,
      jnp.concatenate([b1, b1]).reshape(1, 128), W2)

    agg2 = _agg_call(s2p.reshape(NPAD, OUT_DIM), rowp_r, colp_r)
    agg2v = agg2.reshape(NC, HALF, 128)

    lo, hi = pl.pallas_call(
        _tc3_body,
        grid=(HGRID,),
        in_specs=[
            pl.BlockSpec((NC, HBLK, 128), lambda i: (0, i, 0)),
            _pk, _dlo, _dhi,
            pl.BlockSpec((1, OUT_DIM), lambda i: (0, 0)),
        ],
        out_specs=[
            pl.BlockSpec((HBLK, OUT_DIM), lambda i: (i, 0)),
            pl.BlockSpec((HBLK, OUT_DIM), lambda i: (i, 0)),
        ],
        out_shape=[
            jax.ShapeDtypeStruct((HALF, OUT_DIM), jnp.float32),
            jax.ShapeDtypeStruct((HALF, OUT_DIM), jnp.float32),
        ],
    )(agg2v, s2p, deg_parts, deg_parts, b2.reshape(1, OUT_DIM))

    return jnp.concatenate([lo, hi[:N_NODES - HALF]], axis=0)

# --- scband reference (transcript-rebuilt; emitter-appended) ---
"""Pipeline reference for scband-gcn-3015067042302 (READ-ONLY COPY).

The authoritative reference and input builder live on the scoring server;
editing this copy changes nothing except your own understanding.
"""

import jax, jax.numpy as jnp
import numpy as np

N_NODES = 10000
N_EDGES = 320000
IN_DIM = 128
HID_DIM = 64
OUT_DIM = 64


def gcn_conv(x, edge_index, W, b, num_nodes):
    # x' = x @ W
    xw = x @ W
    row = edge_index[0]
    col = edge_index[1]
    # add self loops with fill_value=2.0 (improved=True)
    loop = jnp.arange(num_nodes, dtype=edge_index.dtype)
    row_f = jnp.concatenate([row, loop])
    col_f = jnp.concatenate([col, loop])
    ew = jnp.concatenate([jnp.ones(row.shape[0], dtype=xw.dtype),
                          2.0 * jnp.ones(num_nodes, dtype=xw.dtype)])
    # symmetric normalization: deg over dst (col)
    deg = jnp.zeros(num_nodes, dtype=xw.dtype).at[col_f].add(ew)
    dinv = jnp.where(deg > 0, 1.0 / jnp.sqrt(deg), 0.0)
    norm = ew * dinv[row_f] * dinv[col_f]
    # message = norm * x'_j, aggregate sum at dst
    msgs = xw[row_f] * norm[:, None]
    out = jnp.zeros((num_nodes, xw.shape[1]), dtype=xw.dtype).at[col_f].add(msgs)
    return out + b


def setup_inputs(seed: int = 0) -> dict:
    key = jax.random.key(seed)
    k1, k2, k3, k4, k5, k6 = jax.random.split(key, 6)
    x = jax.random.normal(k1, (N_NODES, IN_DIM), dtype=jnp.float32)
    edge_index = jax.random.randint(k2, (2, N_EDGES), 0, N_NODES, dtype=jnp.int64)
    # glorot-style init for GCNConv weights
    W1 = jax.random.normal(k3, (IN_DIM, HID_DIM), dtype=jnp.float32) * (1.0 / np.sqrt(IN_DIM))
    b1 = jnp.zeros((HID_DIM,), dtype=jnp.float32)
    W2 = jax.random.normal(k4, (HID_DIM, OUT_DIM), dtype=jnp.float32) * (1.0 / np.sqrt(HID_DIM))
    b2 = jnp.zeros((OUT_DIM,), dtype=jnp.float32)
    return {"x": x, "edge_index": edge_index, "W1": W1, "b1": b1, "W2": W2, "b2": b2}


def reference(x, edge_index, W1, b1, W2, b2):
    h = gcn_conv(x, edge_index, W1, b1, N_NODES)
    h = jax.nn.relu(h)
    # dropout(p=0.5) is identity in eval mode
    out = gcn_conv(h, edge_index, W2, b2, N_NODES)
    return jax.nn.log_softmax(out, axis=1)

if __name__ == "__main__":
    import jax
    _d = setup_inputs()
    print(jax.jit(kernel)(*tuple(_d.values())))

</pallas_src>

<mosaic_0001>
#map = affine_map<(d0, d1) -> (0, 0)>
#map1 = affine_map<(d0, d1) -> (0, 0, 0)>
module attributes {stable_mosaic.version = 14 : i64} {
  func.func @_agg_body(%arg0: i32, %arg1: i32, %arg2: memref<10240x64xf32, #tpu.memory_space<hbm>>, %arg3: memref<32x80x128xi32, #tpu.memory_space<hbm>>, %arg4: memref<32x80x128xi32, #tpu.memory_space<hbm>>, %arg5: memref<2x10240x64xf32, #tpu.memory_space<hbm>>, %arg6: memref<80x128xi32, #tpu.memory_space<vmem>>, %arg7: memref<80x128xi32, #tpu.memory_space<vmem>>, %arg8: memref<128x64xf32, #tpu.memory_space<vmem>>, %arg9: memref<128x64xf32, #tpu.memory_space<vmem>>, %arg10: memref<128x64xf32, #tpu.memory_space<vmem>>, %arg11: memref<128x64xf32, #tpu.memory_space<vmem>>, %arg12: memref<128x64xf32, #tpu.memory_space<vmem>>, %arg13: memref<128x64xf32, #tpu.memory_space<vmem>>, %arg14: memref<128x64xf32, #tpu.memory_space<vmem>>, %arg15: memref<128x64xf32, #tpu.memory_space<vmem>>, %arg16: memref<10240x64xf32, #tpu.memory_space<vmem_shared>>, %arg17: memref<!tpu.dma_semaphore, #tpu.memory_space<semaphore_mem>>, %arg18: memref<!tpu.dma_semaphore, #tpu.memory_space<semaphore_mem>>, %arg19: memref<!tpu.dma_semaphore, #tpu.memory_space<semaphore_mem>>, %arg20: memref<!tpu.dma_semaphore, #tpu.memory_space<semaphore_mem>>, %arg21: memref<!tpu.dma_semaphore, #tpu.memory_space<semaphore_mem>>, %arg22: memref<!tpu.dma_semaphore, #tpu.memory_space<semaphore_mem>>, %arg23: memref<!tpu.dma_semaphore, #tpu.memory_space<semaphore_mem>>, %arg24: memref<!tpu.dma_semaphore, #tpu.memory_space<semaphore_mem>>, %arg25: memref<!tpu.dma_semaphore, #tpu.memory_space<semaphore_mem>>, %arg26: memref<!tpu.dma_semaphore, #tpu.memory_space<semaphore_mem>>, %arg27: memref<!tpu.dma_semaphore, #tpu.memory_space<semaphore_mem>>, %arg28: memref<!tpu.dma_semaphore, #tpu.memory_space<semaphore_mem>>, %arg29: memref<!tpu.dma_semaphore, #tpu.memory_space<semaphore_mem>>, %arg30: memref<!tpu.dma_semaphore, #tpu.memory_space<semaphore_mem>>, %arg31: memref<!tpu.dma_semaphore, #tpu.memory_space<semaphore_mem>>, %arg32: memref<!tpu.dma_semaphore, #tpu.memory_space<semaphore_mem>>) attributes {dimension_semantics = [#tpu.dimension_semantics<core_parallel>, #tpu.dimension_semantics<subcore_parallel>], iteration_bounds = array<i64: 2, 16>, scalar_prefetch = 0 : i64, scratch_operands = 27 : i64, tpu.core_type = #tpu.core_type<sc_vector_subcore>, window_params = [{transform_indices = #map}, {transform_indices = #map1}, {transform_indices = #map1}, {transform_indices = #map1}]} {
    %mul3A = arith.constant 16 : i32
    %mul3A_0 = arith.muli %arg0, %mul3A : i32
    %add3A = arith.addi %mul3A_0, %arg1 : i32
    %scan3A = arith.constant 0 : i32
    %scan3A_1 = arith.constant 0 : i32
    %scan3A_2 = arith.constant 128 : i32
    %scan3A_3 = arith.addi %scan3A_1, %scan3A_2 : i32
    %scan3A_4 = arith.constant 1 : i32
    scf.for %scan3A_125 = %scan3A_1 to %scan3A_3 step %scan3A_4  : i32 {
      %scan3A_126 = arith.constant 0 : i32
      %scan3A_127 = arith.constant 4 : i32
      %scan3A_128 = arith.addi %scan3A_126, %scan3A_127 : i32
      %scan3A_129 = arith.constant 1 : i32
      scf.for %scan3A_131 = %scan3A_126 to %scan3A_128 step %scan3A_129  : i32 {
        %broadcast_in_dim3A = arith.constant 0.000000e+00 : f32
        %broadcast_in_dim3A_132 = vector.broadcast %broadcast_in_dim3A : f32 to vector<16xf32>
        %mul3A_133 = arith.constant 16 : i32
        %mul3A_134 = arith.muli %scan3A_131, %mul3A_133 : i32
        %swap3A = arith.index_cast %scan3A_125 : i32 to index
        %swap3A_135 = arith.index_cast %mul3A_134 : i32 to index
        %swap3A_136 = tpu.vector_load %arg8[%swap3A, %swap3A_135] {strides = array<i32>} : memref<128x64xf32, #tpu.memory_space<vmem>>, vector<1x16xf32>,
        %swap3A_137 = vector.shape_cast %swap3A_136 : vector<1x16xf32> to vector<16xf32>
        %swap3A_138 = vector.shape_cast %broadcast_in_dim3A_132 : vector<16xf32> to vector<1x16xf32>
        tpu.vector_store %arg8[%swap3A, %swap3A_135], %swap3A_138 {strides = array<i32>} : memref<128x64xf32, #tpu.memory_space<vmem>>, vector<1x16xf32>,
      }
      %scan3A_130 = arith.constant 4 : i32
    }
    %scan3A_5 = arith.constant 128 : i32
    %scan3A_6 = arith.constant 0 : i32
    %scan3A_7 = arith.constant 0 : i32
    %scan3A_8 = arith.constant 5 : i32
    %scan3A_9 = arith.addi %scan3A_7, %scan3A_8 : i32
    %scan3A_10 = arith.constant 1 : i32
    scf.for %scan3A_125 = %scan3A_7 to %scan3A_9 step %scan3A_10  : i32 {
      %mul3A_126 = arith.constant 640 : i32
      %mul3A_127 = arith.muli %arg1, %mul3A_126 : i32
      %mul3A_128 = arith.constant 128 : i32
      %mul3A_129 = arith.muli %scan3A_125, %mul3A_128 : i32
      %add3A_130 = arith.addi %mul3A_127, %mul3A_129 : i32
      "tpu.region"() ({
        %run_scoped3A = tpu.sem_alloc : memref<!tpu.dma_semaphore, #tpu.memory_space<semaphore_mem>>
        %dma_start3A_131 = arith.constant 0 : i32
        %dma_start3A_132 = tpu.memref_slice %arg16[%add3A_130, %dma_start3A_131] : memref<10240x64xf32, #tpu.memory_space<vmem_shared>> -> memref<128x64xf32, #tpu.memory_space<vmem_shared>>
        %dma_start3A_133 = arith.constant 0 : i32
        %dma_start3A_134 = tpu.memref_slice %arg16[%add3A_130, %dma_start3A_133] : memref<10240x64xf32, #tpu.memory_space<vmem_shared>> -> memref<128x64xf32, #tpu.memory_space<vmem_shared>>
        tpu.enqueue_dma source(%arg8 : memref<128x64xf32, #tpu.memory_space<vmem>>) target(%dma_start3A_134 : memref<128x64xf32, #tpu.memory_space<vmem_shared>>) target_semaphore(%run_scoped3A : memref<!tpu.dma_semaphore, #tpu.memory_space<semaphore_mem>>)
        %dma_wait3A_135 = arith.constant 0 : i32
        %dma_wait3A_136 = tpu.memref_slice %arg16[%add3A_130, %dma_wait3A_135] : memref<10240x64xf32, #tpu.memory_space<vmem_shared>> -> memref<128x64xf32, #tpu.memory_space<vmem_shared>>
        %dma_wait3A_137 = arith.constant 0 : i32
        %dma_wait3A_138 = tpu.memref_slice %arg16[%add3A_130, %dma_wait3A_137] : memref<10240x64xf32, #tpu.memory_space<vmem_shared>> -> memref<128x64xf32, #tpu.memory_space<vmem_shared>>
        tpu.wait_dma2 semaphore(%run_scoped3A : memref<!tpu.dma_semaphore, #tpu.memory_space<semaphore_mem>>) src(%arg8 : memref<128x64xf32, #tpu.memory_space<vmem>>) dst(%dma_wait3A_138 : memref<128x64xf32, #tpu.memory_space<vmem_shared>>)
        tpu.yield
      }) : () -> ()
    }
    %scan3A_11 = arith.constant 5 : i32
    "tpu.region"() ({
      %run_scoped3A = tpu.sem_alloc : memref<!tpu.dma_semaphore, #tpu.memory_space<semaphore_mem>>
      %dma_start3A_125 = arith.constant 0 : i32
      %dma_start3A_126 = arith.constant 0 : i32
      %dma_start3A_127 = tpu.memref_slice %arg3[%add3A, %dma_start3A_125, %dma_start3A_126] : memref<32x80x128xi32, #tpu.memory_space<hbm>> -> memref<1x80x128xi32, #tpu.memory_space<hbm>>
      %dma_start3A_128 = tpu.memref_squeeze %dma_start3A_127 : memref<1x80x128xi32, #tpu.memory_space<hbm>> -> memref<80x128xi32, #tpu.memory_space<hbm>>
      %dma_start3A_129 = arith.constant 0 : i32
      %dma_start3A_130 = arith.constant 0 : i32
      %dma_start3A_131 = tpu.memref_slice %arg3[%add3A, %dma_start3A_129, %dma_start3A_130] : memref<32x80x128xi32, #tpu.memory_space<hbm>> -> memref<1x80x128xi32, #tpu.memory_space<hbm>>
      %dma_start3A_132 = tpu.memref_squeeze %dma_start3A_131 : memref<1x80x128xi32, #tpu.memory_space<hbm>> -> memref<80x128xi32, #tpu.memory_space<hbm>>
      tpu.enqueue_dma source(%dma_start3A_132 : memref<80x128xi32, #tpu.memory_space<hbm>>) target(%arg6 : memref<80x128xi32, #tpu.memory_space<vmem>>) target_semaphore(%run_scoped3A : memref<!tpu.dma_semaphore, #tpu.memory_space<semaphore_mem>>)
      %dma_wait3A_133 = arith.constant 0 : i32
      %dma_wait3A_134 = arith.constant 0 : i32
      %dma_wait3A_135 = tpu.memref_slice %arg3[%add3A, %dma_wait3A_133, %dma_wait3A_134] : memref<32x80x128xi32, #tpu.memory_space<hbm>> -> memref<1x80x128xi32, #tpu.memory_space<hbm>>
      %dma_wait3A_136 = tpu.memref_squeeze %dma_wait3A_135 : memref<1x80x128xi32, #tpu.memory_space<hbm>> -> memref<80x128xi32, #tpu.memory_space<hbm>>
      %dma_wait3A_137 = arith.constant 0 : i32
      %dma_wait3A_138 = arith.constant 0 : i32
      %dma_wait3A_139 = tpu.memref_slice %arg3[%add3A, %dma_wait3A_137, %dma_wait3A_138] : memref<32x80x128xi32, #tpu.memory_space<hbm>> -> memref<1x80x128xi32, #tpu.memory_space<hbm>>
      %dma_wait3A_140 = tpu.memref_squeeze %dma_wait3A_139 : memref<1x80x128xi32, #tpu.memory_space<hbm>> -> memref<80x128xi32, #tpu.memory_space<hbm>>
      tpu.wait_dma2 semaphore(%run_scoped3A : memref<!tpu.dma_semaphore, #tpu.memory_space<semaphore_mem>>) src(%dma_wait3A_140 : memref<80x128xi32, #tpu.memory_space<hbm>>) dst(%arg6 : memref<80x128xi32, #tpu.memory_space<vmem>>)
      tpu.yield
    }) : () -> ()
    "tpu.region"() ({
      %run_scoped3A = tpu.sem_alloc : memref<!tpu.dma_semaphore, #tpu.memory_space<semaphore_mem>>
      %dma_start3A_125 = arith.constant 0 : i32
      %dma_start3A_126 = arith.constant 0 : i32
      %dma_start3A_127 = tpu.memref_slice %arg4[%add3A, %dma_start3A_125, %dma_start3A_126] : memref<32x80x128xi32, #tpu.memory_space<hbm>> -> memref<1x80x128xi32, #tpu.memory_space<hbm>>
      %dma_start3A_128 = tpu.memref_squeeze %dma_start3A_127 : memref<1x80x128xi32, #tpu.memory_space<hbm>> -> memref<80x128xi32, #tpu.memory_space<hbm>>
      %dma_start3A_129 = arith.constant 0 : i32
      %dma_start3A_130 = arith.constant 0 : i32
      %dma_start3A_131 = tpu.memref_slice %arg4[%add3A, %dma_start3A_129, %dma_start3A_130] : memref<32x80x128xi32, #tpu.memory_space<hbm>> -> memref<1x80x128xi32, #tpu.memory_space<hbm>>
      %dma_start3A_132 = tpu.memref_squeeze %dma_start3A_131 : memref<1x80x128xi32, #tpu.memory_space<hbm>> -> memref<80x128xi32, #tpu.memory_space<hbm>>
      tpu.enqueue_dma source(%dma_start3A_132 : memref<80x128xi32, #tpu.memory_space<hbm>>) target(%arg7 : memref<80x128xi32, #tpu.memory_space<vmem>>) target_semaphore(%run_scoped3A : memref<!tpu.dma_semaphore, #tpu.memory_space<semaphore_mem>>)
      %dma_wait3A_133 = arith.constant 0 : i32
      %dma_wait3A_134 = arith.constant 0 : i32
      %dma_wait3A_135 = tpu.memref_slice %arg4[%add3A, %dma_wait3A_133, %dma_wait3A_134] : memref<32x80x128xi32, #tpu.memory_space<hbm>> -> memref<1x80x128xi32, #tpu.memory_space<hbm>>
      %dma_wait3A_136 = tpu.memref_squeeze %dma_wait3A_135 : memref<1x80x128xi32, #tpu.memory_space<hbm>> -> memref<80x128xi32, #tpu.memory_space<hbm>>
      %dma_wait3A_137 = arith.constant 0 : i32
      %dma_wait3A_138 = arith.constant 0 : i32
      %dma_wait3A_139 = tpu.memref_slice %arg4[%add3A, %dma_wait3A_137, %dma_wait3A_138] : memref<32x80x128xi32, #tpu.memory_space<hbm>> -> memref<1x80x128xi32, #tpu.memory_space<hbm>>
      %dma_wait3A_140 = tpu.memref_squeeze %dma_wait3A_139 : memref<1x80x128xi32, #tpu.memory_space<hbm>> -> memref<80x128xi32, #tpu.memory_space<hbm>>
      tpu.wait_dma2 semaphore(%run_scoped3A : memref<!tpu.dma_semaphore, #tpu.memory_space<semaphore_mem>>) src(%dma_wait3A_140 : memref<80x128xi32, #tpu.memory_space<hbm>>) dst(%arg7 : memref<80x128xi32, #tpu.memory_space<vmem>>)
      tpu.yield
    }) : () -> ()
    %barrier3A = arith.constant 0 : index
    tpu.barrier barrier_id(%barrier3A)
    %dma_start3A = arith.constant 0 : i32
    %dma_start3A_12 = arith.constant 0 : i32
    %dma_start3A_13 = tpu.memref_slice %arg6[%dma_start3A, %dma_start3A_12] : memref<80x128xi32, #tpu.memory_space<vmem>> -> memref<1x128xi32, #tpu.memory_space<vmem>>
    %dma_start3A_14 = tpu.memref_squeeze %dma_start3A_13 : memref<1x128xi32, #tpu.memory_space<vmem>> -> memref<128xi32, #tpu.memory_space<vmem>>
    %dma_start3A_15 = arith.constant 0 : i32
    %dma_start3A_16 = arith.constant 0 : i32
    %dma_start3A_17 = tpu.memref_slice %arg2[%dma_start3A_15, %dma_start3A_16] : memref<10240x64xf32, #tpu.memory_space<hbm>> -> memref<10240x64xf32, #tpu.memory_space<hbm>>
    tpu.enqueue_indirect_dma source(%dma_start3A_17 : memref<10240x64xf32, #tpu.memory_space<hbm>>) target(%arg8 : memref<128x64xf32, #tpu.memory_space<vmem>>) offsets(%dma_start3A_14 : memref<128xi32, #tpu.memory_space<vmem>>) semaphore(%arg17 : memref<!tpu.dma_semaphore, #tpu.memory_space<semaphore_mem>>)
    %dma_start3A_18 = arith.constant 1 : i32
    %dma_start3A_19 = arith.constant 0 : i32
    %dma_start3A_20 = tpu.memref_slice %arg6[%dma_start3A_18, %dma_start3A_19] : memref<80x128xi32, #tpu.memory_space<vmem>> -> memref<1x128xi32, #tpu.memory_space<vmem>>
    %dma_start3A_21 = tpu.memref_squeeze %dma_start3A_20 : memref<1x128xi32, #tpu.memory_space<vmem>> -> memref<128xi32, #tpu.memory_space<vmem>>
    %dma_start3A_22 = arith.constant 0 : i32
    %dma_start3A_23 = arith.constant 0 : i32
    %dma_start3A_24 = tpu.memref_slice %arg2[%dma_start3A_22, %dma_start3A_23] : memref<10240x64xf32, #tpu.memory_space<hbm>> -> memref<10240x64xf32, #tpu.memory_space<hbm>>
    tpu.enqueue_indirect_dma source(%dma_start3A_24 : memref<10240x64xf32, #tpu.memory_space<hbm>>) target(%arg9 : memref<128x64xf32, #tpu.memory_space<vmem>>) offsets(%dma_start3A_21 : memref<128xi32, #tpu.memory_space<vmem>>) semaphore(%arg18 : memref<!tpu.dma_semaphore, #tpu.memory_space<semaphore_mem>>)
    %dma_start3A_25 = arith.constant 2 : i32
    %dma_start3A_26 = arith.constant 0 : i32
    %dma_start3A_27 = tpu.memref_slice %arg6[%dma_start3A_25, %dma_start3A_26] : memref<80x128xi32, #tpu.memory_space<vmem>> -> memref<1x128xi32, #tpu.memory_space<vmem>>
    %dma_start3A_28 = tpu.memref_squeeze %dma_start3A_27 : memref<1x128xi32, #tpu.memory_space<vmem>> -> memref<128xi32, #tpu.memory_space<vmem>>
    %dma_start3A_29 = arith.constant 0 : i32
    %dma_start3A_30 = arith.constant 0 : i32
    %dma_start3A_31 = tpu.memref_slice %arg2[%dma_start3A_29, %dma_start3A_30] : memref<10240x64xf32, #tpu.memory_space<hbm>> -> memref<10240x64xf32, #tpu.memory_space<hbm>>
    tpu.enqueue_indirect_dma source(%dma_start3A_31 : memref<10240x64xf32, #tpu.memory_space<hbm>>) target(%arg10 : memref<128x64xf32, #tpu.memory_space<vmem>>) offsets(%dma_start3A_28 : memref<128xi32, #tpu.memory_space<vmem>>) semaphore(%arg19 : memref<!tpu.dma_semaphore, #tpu.memory_space<semaphore_mem>>)
    %dma_start3A_32 = arith.constant 3 : i32
    %dma_start3A_33 = arith.constant 0 : i32
    %dma_start3A_34 = tpu.memref_slice %arg6[%dma_start3A_32, %dma_start3A_33] : memref<80x128xi32, #tpu.memory_space<vmem>> -> memref<1x128xi32, #tpu.memory_space<vmem>>
    %dma_start3A_35 = tpu.memref_squeeze %dma_start3A_34 : memref<1x128xi32, #tpu.memory_space<vmem>> -> memref<128xi32, #tpu.memory_space<vmem>>
    %dma_start3A_36 = arith.constant 0 : i32
    %dma_start3A_37 = arith.constant 0 : i32
    %dma_start3A_38 = tpu.memref_slice %arg2[%dma_start3A_36, %dma_start3A_37] : memref<10240x64xf32, #tpu.memory_space<hbm>> -> memref<10240x64xf32, #tpu.memory_space<hbm>>
    tpu.enqueue_indirect_dma source(%dma_start3A_38 : memref<10240x64xf32, #tpu.memory_space<hbm>>) target(%arg11 : memref<128x64xf32, #tpu.memory_space<vmem>>) offsets(%dma_start3A_35 : memref<128xi32, #tpu.memory_space<vmem>>) semaphore(%arg20 : memref<!tpu.dma_semaphore, #tpu.memory_space<semaphore_mem>>)
    %dma_start3A_39 = arith.constant 4 : i32
    %dma_start3A_40 = arith.constant 0 : i32
    %dma_start3A_41 = tpu.memref_slice %arg6[%dma_start3A_39, %dma_start3A_40] : memref<80x128xi32, #tpu.memory_space<vmem>> -> memref<1x128xi32, #tpu.memory_space<vmem>>
    %dma_start3A_42 = tpu.memref_squeeze %dma_start3A_41 : memref<1x128xi32, #tpu.memory_space<vmem>> -> memref<128xi32, #tpu.memory_space<vmem>>
    %dma_start3A_43 = arith.constant 0 : i32
    %dma_start3A_44 = arith.constant 0 : i32
    %dma_start3A_45 = tpu.memref_slice %arg2[%dma_start3A_43, %dma_start3A_44] : memref<10240x64xf32, #tpu.memory_space<hbm>> -> memref<10240x64xf32, #tpu.memory_space<hbm>>
    tpu.enqueue_indirect_dma source(%dma_start3A_45 : memref<10240x64xf32, #tpu.memory_space<hbm>>) target(%arg12 : memref<128x64xf32, #tpu.memory_space<vmem>>) offsets(%dma_start3A_42 : memref<128xi32, #tpu.memory_space<vmem>>) semaphore(%arg21 : memref<!tpu.dma_semaphore, #tpu.memory_space<semaphore_mem>>)
    %dma_start3A_46 = arith.constant 5 : i32
    %dma_start3A_47 = arith.constant 0 : i32
    %dma_start3A_48 = tpu.memref_slice %arg6[%dma_start3A_46, %dma_start3A_47] : memref<80x128xi32, #tpu.memory_space<vmem>> -> memref<1x128xi32, #tpu.memory_space<vmem>>
    %dma_start3A_49 = tpu.memref_squeeze %dma_start3A_48 : memref<1x128xi32, #tpu.memory_space<vmem>> -> memref<128xi32, #tpu.memory_space<vmem>>
    %dma_start3A_50 = arith.constant 0 : i32
    %dma_start3A_51 = arith.constant 0 : i32
    %dma_start3A_52 = tpu.memref_slice %arg2[%dma_start3A_50, %dma_start3A_51] : memref<10240x64xf32, #tpu.memory_space<hbm>> -> memref<10240x64xf32, #tpu.memory_space<hbm>>
    tpu.enqueue_indirect_dma source(%dma_start3A_52 : memref<10240x64xf32, #tpu.memory_space<hbm>>) target(%arg13 : memref<128x64xf32, #tpu.memory_space<vmem>>) offsets(%dma_start3A_49 : memref<128xi32, #tpu.memory_space<vmem>>) semaphore(%arg22 : memref<!tpu.dma_semaphore, #tpu.memory_space<semaphore_mem>>)
    %dma_start3A_53 = arith.constant 6 : i32
    %dma_start3A_54 = arith.constant 0 : i32
    %dma_start3A_55 = tpu.memref_slice %arg6[%dma_start3A_53, %dma_start3A_54] : memref<80x128xi32, #tpu.memory_space<vmem>> -> memref<1x128xi32, #tpu.memory_space<vmem>>
    %dma_start3A_56 = tpu.memref_squeeze %dma_start3A_55 : memref<1x128xi32, #tpu.memory_space<vmem>> -> memref<128xi32, #tpu.memory_space<vmem>>
    %dma_start3A_57 = arith.constant 0 : i32
    %dma_start3A_58 = arith.constant 0 : i32
    %dma_start3A_59 = tpu.memref_slice %arg2[%dma_start3A_57, %dma_start3A_58] : memref<10240x64xf32, #tpu.memory_space<hbm>> -> memref<10240x64xf32, #tpu.memory_space<hbm>>
    tpu.enqueue_indirect_dma source(%dma_start3A_59 : memref<10240x64xf32, #tpu.memory_space<hbm>>) target(%arg14 : memref<128x64xf32, #tpu.memory_space<vmem>>) offsets(%dma_start3A_56 : memref<128xi32, #tpu.memory_space<vmem>>) semaphore(%arg23 : memref<!tpu.dma_semaphore, #tpu.memory_space<semaphore_mem>>)
    %dma_start3A_60 = arith.constant 7 : i32
    %dma_start3A_61 = arith.constant 0 : i32
    %dma_start3A_62 = tpu.memref_slice %arg6[%dma_start3A_60, %dma_start3A_61] : memref<80x128xi32, #tpu.memory_space<vmem>> -> memref<1x128xi32, #tpu.memory_space<vmem>>
    %dma_start3A_63 = tpu.memref_squeeze %dma_start3A_62 : memref<1x128xi32, #tpu.memory_space<vmem>> -> memref<128xi32, #tpu.memory_space<vmem>>
    %dma_start3A_64 = arith.constant 0 : i32
    %dma_start3A_65 = arith.constant 0 : i32
    %dma_start3A_66 = tpu.memref_slice %arg2[%dma_start3A_64, %dma_start3A_65] : memref<10240x64xf32, #tpu.memory_space<hbm>> -> memref<10240x64xf32, #tpu.memory_space<hbm>>
    tpu.enqueue_indirect_dma source(%dma_start3A_66 : memref<10240x64xf32, #tpu.memory_space<hbm>>) target(%arg15 : memref<128x64xf32, #tpu.memory_space<vmem>>) offsets(%dma_start3A_63 : memref<128xi32, #tpu.memory_space<vmem>>) semaphore(%arg24 : memref<!tpu.dma_semaphore, #tpu.memory_space<semaphore_mem>>)
    %scan3A_67 = arith.constant 0 : i32
    %scan3A_68 = arith.constant 0 : i32
    %scan3A_69 = arith.constant 10 : i32
    %scan3A_70 = arith.addi %scan3A_68, %scan3A_69 : i32
    %scan3A_71 = arith.constant 1 : i32
    scf.for %scan3A_125 = %scan3A_68 to %scan3A_70 step %scan3A_71  : i32 {
      %mul3A_126 = arith.constant 8 : i32
      %mul3A_127 = arith.muli %mul3A_126, %scan3A_125 : i32
      %add3A_128 = arith.constant 0 : i32
      %add3A_129 = arith.addi %mul3A_127, %add3A_128 : i32
      %dma_wait3A_130 = arith.constant 0 : i32
      %dma_wait3A_131 = tpu.memref_slice %arg6[%add3A_129, %dma_wait3A_130] : memref<80x128xi32, #tpu.memory_space<vmem>> -> memref<1x128xi32, #tpu.memory_space<vmem>>
      %dma_wait3A_132 = tpu.memref_squeeze %dma_wait3A_131 : memref<1x128xi32, #tpu.memory_space<vmem>> -> memref<128xi32, #tpu.memory_space<vmem>>
      %dma_wait3A_133 = arith.constant 0 : i32
      %dma_wait3A_134 = arith.constant 0 : i32
      %dma_wait3A_135 = tpu.memref_slice %arg2[%dma_wait3A_133, %dma_wait3A_134] : memref<10240x64xf32, #tpu.memory_space<hbm>> -> memref<10240x64xf32, #tpu.memory_space<hbm>>
      tpu.wait_indirect_dma semaphore(%arg17 : memref<!tpu.dma_semaphore, #tpu.memory_space<semaphore_mem>>) src(%dma_wait3A_135 : memref<10240x64xf32, #tpu.memory_space<hbm>>) dst(%arg8 : memref<128x64xf32, #tpu.memory_space<vmem>>)
      %add3A_136 = arith.constant 0 : i32
      %add3A_137 = arith.addi %mul3A_127, %add3A_136 : i32
      %dma_start3A_138 = arith.constant 0 : i32
      %dma_start3A_139 = tpu.memref_slice %arg7[%add3A_137, %dma_start3A_138] : memref<80x128xi32, #tpu.memory_space<vmem>> -> memref<1x128xi32, #tpu.memory_space<vmem>>
      %dma_start3A_140 = tpu.memref_squeeze %dma_start3A_139 : memref<1x128xi32, #tpu.memory_space<vmem>> -> memref<128xi32, #tpu.memory_space<vmem>>
      %dma_start3A_141 = arith.constant 0 : i32
      %dma_start3A_142 = arith.constant 0 : i32
      %dma_start3A_143 = tpu.memref_slice %arg16[%dma_start3A_141, %dma_start3A_142] : memref<10240x64xf32, #tpu.memory_space<vmem_shared>> -> memref<10240x64xf32, #tpu.memory_space<vmem_shared>>
      tpu.enqueue_indirect_dma source(%arg8 : memref<128x64xf32, #tpu.memory_space<vmem>>) target(%dma_start3A_143 : memref<10240x64xf32, #tpu.memory_space<vmem_shared>>) offsets(%dma_start3A_140 : memref<128xi32, #tpu.memory_space<vmem>>) semaphore(%arg25 : memref<!tpu.dma_semaphore, #tpu.memory_space<semaphore_mem>>) {add = true}
      %add3A_144 = arith.constant 1 : i32
      %add3A_145 = arith.addi %mul3A_127, %add3A_144 : i32
      %dma_wait3A_146 = arith.constant 0 : i32
      %dma_wait3A_147 = tpu.memref_slice %arg6[%add3A_145, %dma_wait3A_146] : memref<80x128xi32, #tpu.memory_space<vmem>> -> memref<1x128xi32, #tpu.memory_space<vmem>>
      %dma_wait3A_148 = tpu.memref_squeeze %dma_wait3A_147 : memref<1x128xi32, #tpu.memory_space<vmem>> -> memref<128xi32, #tpu.memory_space<vmem>>
      %dma_wait3A_149 = arith.constant 0 : i32
      %dma_wait3A_150 = arith.constant 0 : i32
      %dma_wait3A_151 = tpu.memref_slice %arg2[%dma_wait3A_149, %dma_wait3A_150] : memref<10240x64xf32, #tpu.memory_space<hbm>> -> memref<10240x64xf32, #tpu.memory_space<hbm>>
      tpu.wait_indirect_dma semaphore(%arg18 : memref<!tpu.dma_semaphore, #tpu.memory_space<semaphore_mem>>) src(%dma_wait3A_151 : memref<10240x64xf32, #tpu.memory_space<hbm>>) dst(%arg9 : memref<128x64xf32, #tpu.memory_space<vmem>>)
      %add3A_152 = arith.constant 1 : i32
      %add3A_153 = arith.addi %mul3A_127, %add3A_152 : i32
      %dma_start3A_154 = arith.constant 0 : i32
      %dma_start3A_155 = tpu.memref_slice %arg7[%add3A_153, %dma_start3A_154] : memref<80x128xi32, #tpu.memory_space<vmem>> -> memref<1x128xi32, #tpu.memory_space<vmem>>
      %dma_start3A_156 = tpu.memref_squeeze %dma_start3A_155 : memref<1x128xi32, #tpu.memory_space<vmem>> -> memref<128xi32, #tpu.memory_space<vmem>>
      %dma_start3A_157 = arith.constant 0 : i32
      %dma_start3A_158 = arith.constant 0 : i32
      %dma_start3A_159 = tpu.memref_slice %arg16[%dma_start3A_157, %dma_start3A_158] : memref<10240x64xf32, #tpu.memory_space<vmem_shared>> -> memref<10240x64xf32, #tpu.memory_space<vmem_shared>>
      tpu.enqueue_indirect_dma source(%arg9 : memref<128x64xf32, #tpu.memory_space<vmem>>) target(%dma_start3A_159 : memref<10240x64xf32, #tpu.memory_space<vmem_shared>>) offsets(%dma_start3A_156 : memref<128xi32, #tpu.memory_space<vmem>>) semaphore(%arg26 : memref<!tpu.dma_semaphore, #tpu.memory_space<semaphore_mem>>) {add = true}
      %add3A_160 = arith.constant 2 : i32
      %add3A_161 = arith.addi %mul3A_127, %add3A_160 : i32
      %dma_wait3A_162 = arith.constant 0 : i32
      %dma_wait3A_163 = tpu.memref_slice %arg6[%add3A_161, %dma_wait3A_162] : memref<80x128xi32, #tpu.memory_space<vmem>> -> memref<1x128xi32, #tpu.memory_space<vmem>>
      %dma_wait3A_164 = tpu.memref_squeeze %dma_wait3A_163 : memref<1x128xi32, #tpu.memory_space<vmem>> -> memref<128xi32, #tpu.memory_space<vmem>>
      %dma_wait3A_165 = arith.constant 0 : i32
      %dma_wait3A_166 = arith.constant 0 : i32
      %dma_wait3A_167 = tpu.memref_slice %arg2[%dma_wait3A_165, %dma_wait3A_166] : memref<10240x64xf32, #tpu.memory_space<hbm>> -> memref<10240x64xf32, #tpu.memory_space<hbm>>
      tpu.wait_indirect_dma semaphore(%arg19 : memref<!tpu.dma_semaphore, #tpu.memory_space<semaphore_mem>>) src(%dma_wait3A_167 : memref<10240x64xf32, #tpu.memory_space<hbm>>) dst(%arg10 : memref<128x64xf32, #tpu.memory_space<vmem>>)
      %add3A_168 = arith.constant 2 : i32
      %add3A_169 = arith.addi %mul3A_127, %add3A_168 : i32
      %dma_start3A_170 = arith.constant 0 : i32
      %dma_start3A_171 = tpu.memref_slice %arg7[%add3A_169, %dma_start3A_170] : memref<80x128xi32, #tpu.memory_space<vmem>> -> memref<1x128xi32, #tpu.memory_space<vmem>>
      %dma_start3A_172 = tpu.memref_squeeze %dma_start3A_171 : memref<1x128xi32, #tpu.memory_space<vmem>> -> memref<128xi32, #tpu.memory_space<vmem>>
      %dma_start3A_173 = arith.constant 0 : i32
      %dma_start3A_174 = arith.constant 0 : i32
      %dma_start3A_175 = tpu.memref_slice %arg16[%dma_start3A_173, %dma_start3A_174] : memref<10240x64xf32, #tpu.memory_space<vmem_shared>> -> memref<10240x64xf32, #tpu.memory_space<vmem_shared>>
      tpu.enqueue_indirect_dma source(%arg10 : memref<128x64xf32, #tpu.memory_space<vmem>>) target(%dma_start3A_175 : memref<10240x64xf32, #tpu.memory_space<vmem_shared>>) offsets(%dma_start3A_172 : memref<128xi32, #tpu.memory_space<vmem>>) semaphore(%arg27 : memref<!tpu.dma_semaphore, #tpu.memory_space<semaphore_mem>>) {add = true}
      %add3A_176 = arith.constant 3 : i32
      %add3A_177 = arith.addi %mul3A_127, %add3A_176 : i32
      %dma_wait3A_178 = arith.constant 0 : i32
      %dma_wait3A_179 = tpu.memref_slice %arg6[%add3A_177, %dma_wait3A_178] : memref<80x128xi32, #tpu.memory_space<vmem>> -> memref<1x128xi32, #tpu.memory_space<vmem>>
      %dma_wait3A_180 = tpu.memref_squeeze %dma_wait3A_179 : memref<1x128xi32, #tpu.memory_space<vmem>> -> memref<128xi32, #tpu.memory_space<vmem>>
      %dma_wait3A_181 = arith.constant 0 : i32
      %dma_wait3A_182 = arith.constant 0 : i32
      %dma_wait3A_183 = tpu.memref_slice %arg2[%dma_wait3A_181, %dma_wait3A_182] : memref<10240x64xf32, #tpu.memory_space<hbm>> -> memref<10240x64xf32, #tpu.memory_space<hbm>>
      tpu.wait_indirect_dma semaphore(%arg20 : memref<!tpu.dma_semaphore, #tpu.memory_space<semaphore_mem>>) src(%dma_wait3A_183 : memref<10240x64xf32, #tpu.memory_space<hbm>>) dst(%arg11 : memref<128x64xf32, #tpu.memory_space<vmem>>)
      %add3A_184 = arith.constant 3 : i32
      %add3A_185 = arith.addi %mul3A_127, %add3A_184 : i32
      %dma_start3A_186 = arith.constant 0 : i32
      %dma_start3A_187 = tpu.memref_slice %arg7[%add3A_185, %dma_start3A_186] : memref<80x128xi32, #tpu.memory_space<vmem>> -> memref<1x128xi32, #tpu.memory_space<vmem>>
      %dma_start3A_188 = tpu.memref_squeeze %dma_start3A_187 : memref<1x128xi32, #tpu.memory_space<vmem>> -> memref<128xi32, #tpu.memory_space<vmem>>
      %dma_start3A_189 = arith.constant 0 : i32
      %dma_start3A_190 = arith.constant 0 : i32
      %dma_start3A_191 = tpu.memref_slice %arg16[%dma_start3A_189, %dma_start3A_190] : memref<10240x64xf32, #tpu.memory_space<vmem_shared>> -> memref<10240x64xf32, #tpu.memory_space<vmem_shared>>
      tpu.enqueue_indirect_dma source(%arg11 : memref<128x64xf32, #tpu.memory_space<vmem>>) target(%dma_start3A_191 : memref<10240x64xf32, #tpu.memory_space<vmem_shared>>) offsets(%dma_start3A_188 : memref<128xi32, #tpu.memory_space<vmem>>) semaphore(%arg28 : memref<!tpu.dma_semaphore, #tpu.memory_space<semaphore_mem>>) {add = true}
      %add3A_192 = arith.constant 4 : i32
      %add3A_193 = arith.addi %mul3A_127, %add3A_192 : i32
      %dma_wait3A_194 = arith.constant 0 : i32
      %dma_wait3A_195 = tpu.memref_slice %arg6[%add3A_193, %dma_wait3A_194] : memref<80x128xi32, #tpu.memory_space<vmem>> -> memref<1x128xi32, #tpu.memory_space<vmem>>
      %dma_wait3A_196 = tpu.memref_squeeze %dma_wait3A_195 : memref<1x128xi32, #tpu.memory_space<vmem>> -> memref<128xi32, #tpu.memory_space<vmem>>
      %dma_wait3A_197 = arith.constant 0 : i32
      %dma_wait3A_198 = arith.constant 0 : i32
      %dma_wait3A_199 = tpu.memref_slice %arg2[%dma_wait3A_197, %dma_wait3A_198] : memref<10240x64xf32, #tpu.memory_space<hbm>> -> memref<10240x64xf32, #tpu.memory_space<hbm>>
      tpu.wait_indirect_dma semaphore(%arg21 : memref<!tpu.dma_semaphore, #tpu.memory_space<semaphore_mem>>) src(%dma_wait3A_199 : memref<10240x64xf32, #tpu.memory_space<hbm>>) dst(%arg12 : memref<128x64xf32, #tpu.memory_space<vmem>>)
      %add3A_200 = arith.constant 4 : i32
      %add3A_201 = arith.addi %mul3A_127, %add3A_200 : i32
      %dma_start3A_202 = arith.constant 0 : i32
      %dma_start3A_203 = tpu.memref_slice %arg7[%add3A_201, %dma_start3A_202] : memref<80x128xi32, #tpu.memory_space<vmem>> -> memref<1x128xi32, #tpu.memory_space<vmem>>
      %dma_start3A_204 = tpu.memref_squeeze %dma_start3A_203 : memref<1x128xi32, #tpu.memory_space<vmem>> -> memref<128xi32, #tpu.memory_space<vmem>>
      %dma_start3A_205 = arith.constant 0 : i32
      %dma_start3A_206 = arith.constant 0 : i32
      %dma_start3A_207 = tpu.memref_slice %arg16[%dma_start3A_205, %dma_start3A_206] : memref<10240x64xf32, #tpu.memory_space<vmem_shared>> -> memref<10240x64xf32, #tpu.memory_space<vmem_shared>>
      tpu.enqueue_indirect_dma source(%arg12 : memref<128x64xf32, #tpu.memory_space<vmem>>) target(%dma_start3A_207 : memref<10240x64xf32, #tpu.memory_space<vmem_shared>>) offsets(%dma_start3A_204 : memref<128xi32, #tpu.memory_space<vmem>>) semaphore(%arg29 : memref<!tpu.dma_semaphore, #tpu.memory_space<semaphore_mem>>) {add = true}
      %add3A_208 = arith.constant 5 : i32
      %add3A_209 = arith.addi %mul3A_127, %add3A_208 : i32
      %dma_wait3A_210 = arith.constant 0 : i32
      %dma_wait3A_211 = tpu.memref_slice %arg6[%add3A_209, %dma_wait3A_210] : memref<80x128xi32, #tpu.memory_space<vmem>> -> memref<1x128xi32, #tpu.memory_space<vmem>>
      %dma_wait3A_212 = tpu.memref_squeeze %dma_wait3A_211 : memref<1x128xi32, #tpu.memory_space<vmem>> -> memref<128xi32, #tpu.memory_space<vmem>>
      %dma_wait3A_213 = arith.constant 0 : i32
      %dma_wait3A_214 = arith.constant 0 : i32
      %dma_wait3A_215 = tpu.memref_slice %arg2[%dma_wait3A_213, %dma_wait3A_214] : memref<10240x64xf32, #tpu.memory_space<hbm>> -> memref<10240x64xf32, #tpu.memory_space<hbm>>
      tpu.wait_indirect_dma semaphore(%arg22 : memref<!tpu.dma_semaphore, #tpu.memory_space<semaphore_mem>>) src(%dma_wait3A_215 : memref<10240x64xf32, #tpu.memory_space<hbm>>) dst(%arg13 : memref<128x64xf32, #tpu.memory_space<vmem>>)
      %add3A_216 = arith.constant 5 : i32
      %add3A_217 = arith.addi %mul3A_127, %add3A_216 : i32
      %dma_start3A_218 = arith.constant 0 : i32
      %dma_start3A_219 = tpu.memref_slice %arg7[%add3A_217, %dma_start3A_218] : memref<80x128xi32, #tpu.memory_space<vmem>> -> memref<1x128xi32, #tpu.memory_space<vmem>>
      %dma_start3A_220 = tpu.memref_squeeze %dma_start3A_219 : memref<1x128xi32, #tpu.memory_space<vmem>> -> memref<128xi32, #tpu.memory_space<vmem>>
      %dma_start3A_221 = arith.constant 0 : i32
      %dma_start3A_222 = arith.constant 0 : i32
      %dma_start3A_223 = tpu.memref_slice %arg16[%dma_start3A_221, %dma_start3A_222] : memref<10240x64xf32, #tpu.memory_space<vmem_shared>> -> memref<10240x64xf32, #tpu.memory_space<vmem_shared>>
      tpu.enqueue_indirect_dma source(%arg13 : memref<128x64xf32, #tpu.memory_space<vmem>>) target(%dma_start3A_223 : memref<10240x64xf32, #tpu.memory_space<vmem_shared>>) offsets(%dma_start3A_220 : memref<128xi32, #tpu.memory_space<vmem>>) semaphore(%arg30 : memref<!tpu.dma_semaphore, #tpu.memory_space<semaphore_mem>>) {add = true}
      %add3A_224 = arith.constant 6 : i32
      %add3A_225 = arith.addi %mul3A_127, %add3A_224 : i32
      %dma_wait3A_226 = arith.constant 0 : i32
      %dma_wait3A_227 = tpu.memref_slice %arg6[%add3A_225, %dma_wait3A_226] : memref<80x128xi32, #tpu.memory_space<vmem>> -> memref<1x128xi32, #tpu.memory_space<vmem>>
      %dma_wait3A_228 = tpu.memref_squeeze %dma_wait3A_227 : memref<1x128xi32, #tpu.memory_space<vmem>> -> memref<128xi32, #tpu.memory_space<vmem>>
      %dma_wait3A_229 = arith.constant 0 : i32
      %dma_wait3A_230 = arith.constant 0 : i32
      %dma_wait3A_231 = tpu.memref_slice %arg2[%dma_wait3A_229, %dma_wait3A_230] : memref<10240x64xf32, #tpu.memory_space<hbm>> -> memref<10240x64xf32, #tpu.memory_space<hbm>>
      tpu.wait_indirect_dma semaphore(%arg23 : memref<!tpu.dma_semaphore, #tpu.memory_space<semaphore_mem>>) src(%dma_wait3A_231 : memref<10240x64xf32, #tpu.memory_space<hbm>>) dst(%arg14 : memref<128x64xf32, #tpu.memory_space<vmem>>)
      %add3A_232 = arith.constant 6 : i32
      %add3A_233 = arith.addi %mul3A_127, %add3A_232 : i32
      %dma_start3A_234 = arith.constant 0 : i32
      %dma_start3A_235 = tpu.memref_slice %arg7[%add3A_233, %dma_start3A_234] : memref<80x128xi32, #tpu.memory_space<vmem>> -> memref<1x128xi32, #tpu.memory_space<vmem>>
      %dma_start3A_236 = tpu.memref_squeeze %dma_start3A_235 : memref<1x128xi32, #tpu.memory_space<vmem>> -> memref<128xi32, #tpu.memory_space<vmem>>
      %dma_start3A_237 = arith.constant 0 : i32
      %dma_start3A_238 = arith.constant 0 : i32
      %dma_start3A_239 = tpu.memref_slice %arg16[%dma_start3A_237, %dma_start3A_238] : memref<10240x64xf32, #tpu.memory_space<vmem_shared>> -> memref<10240x64xf32, #tpu.memory_space<vmem_shared>>
      tpu.enqueue_indirect_dma source(%arg14 : memref<128x64xf32, #tpu.memory_space<vmem>>) target(%dma_start3A_239 : memref<10240x64xf32, #tpu.memory_space<vmem_shared>>) offsets(%dma_start3A_236 : memref<128xi32, #tpu.memory_space<vmem>>) semaphore(%arg31 : memref<!tpu.dma_semaphore, #tpu.memory_space<semaphore_mem>>) {add = true}
      %add3A_240 = arith.constant 7 : i32
      %add3A_241 = arith.addi %mul3A_127, %add3A_240 : i32
      %dma_wait3A_242 = arith.constant 0 : i32
      %dma_wait3A_243 = tpu.memref_slice %arg6[%add3A_241, %dma_wait3A_242] : memref<80x128xi32, #tpu.memory_space<vmem>> -> memref<1x128xi32, #tpu.memory_space<vmem>>
      %dma_wait3A_244 = tpu.memref_squeeze %dma_wait3A_243 : memref<1x128xi32, #tpu.memory_space<vmem>> -> memref<128xi32, #tpu.memory_space<vmem>>
      %dma_wait3A_245 = arith.constant 0 : i32
      %dma_wait3A_246 = arith.constant 0 : i32
      %dma_wait3A_247 = tpu.memref_slice %arg2[%dma_wait3A_245, %dma_wait3A_246] : memref<10240x64xf32, #tpu.memory_space<hbm>> -> memref<10240x64xf32, #tpu.memory_space<hbm>>
      tpu.wait_indirect_dma semaphore(%arg24 : memref<!tpu.dma_semaphore, #tpu.memory_space<semaphore_mem>>) src(%dma_wait3A_247 : memref<10240x64xf32, #tpu.memory_space<hbm>>) dst(%arg15 : memref<128x64xf32, #tpu.memory_space<vmem>>)
      %add3A_248 = arith.constant 7 : i32
      %add3A_249 = arith.addi %mul3A_127, %add3A_248 : i32
      %dma_start3A_250 = arith.constant 0 : i32
      %dma_start3A_251 = tpu.memref_slice %arg7[%add3A_249, %dma_start3A_250] : memref<80x128xi32, #tpu.memory_space<vmem>> -> memref<1x128xi32, #tpu.memory_space<vmem>>
      %dma_start3A_252 = tpu.memref_squeeze %dma_start3A_251 : memref<1x128xi32, #tpu.memory_space<vmem>> -> memref<128xi32, #tpu.memory_space<vmem>>
      %dma_start3A_253 = arith.constant 0 : i32
      %dma_start3A_254 = arith.constant 0 : i32
      %dma_start3A_255 = tpu.memref_slice %arg16[%dma_start3A_253, %dma_start3A_254] : memref<10240x64xf32, #tpu.memory_space<vmem_shared>> -> memref<10240x64xf32, #tpu.memory_space<vmem_shared>>
      tpu.enqueue_indirect_dma source(%arg15 : memref<128x64xf32, #tpu.memory_space<vmem>>) target(%dma_start3A_255 : memref<10240x64xf32, #tpu.memory_space<vmem_shared>>) offsets(%dma_start3A_252 : memref<128xi32, #tpu.memory_space<vmem>>) semaphore(%arg32 : memref<!tpu.dma_semaphore, #tpu.memory_space<semaphore_mem>>) {add = true}
      %add3A_256 = arith.constant 1 : i32
      %add3A_257 = arith.addi %scan3A_125, %add3A_256 : i32
      %lt3A = arith.constant 10 : i32
      %lt3A_258 = arith.cmpi slt, %add3A_257, %lt3A : i32
      %convert_element_type3A = arith.extui %lt3A_258 : i1 to i32
      %cond3A = arith.constant 0 : i32
      %cond3A_259 = arith.cmpi ne, %convert_element_type3A, %cond3A : i32
      scf.if %cond3A_259 {
        %dma_wait3A_260 = arith.constant 0 : i32
        %dma_wait3A_261 = arith.constant 0 : i32
        %dma_wait3A_262 = tpu.memref_slice %arg2[%dma_wait3A_260, %dma_wait3A_261] : memref<10240x64xf32, #tpu.memory_space<hbm>> -> memref<128x64xf32, #tpu.memory_space<hbm>>
        %dma_wait3A_263 = arith.constant 0 : i32
        %dma_wait3A_264 = arith.constant 0 : i32
        %dma_wait3A_265 = tpu.memref_slice %arg2[%dma_wait3A_263, %dma_wait3A_264] : memref<10240x64xf32, #tpu.memory_space<hbm>> -> memref<128x64xf32, #tpu.memory_space<hbm>>
        tpu.wait_dma2 semaphore(%arg25 : memref<!tpu.dma_semaphore, #tpu.memory_space<semaphore_mem>>) src(%dma_wait3A_265 : memref<128x64xf32, #tpu.memory_space<hbm>>) dst(%arg8 : memref<128x64xf32, #tpu.memory_space<vmem>>)
        %add3A_266 = arith.constant 1 : i32
        %add3A_267 = arith.addi %scan3A_125, %add3A_266 : i32
        %mul3A_268 = arith.constant 8 : i32
        %mul3A_269 = arith.muli %mul3A_268, %add3A_267 : i32
        %add3A_270 = arith.constant 0 : i32
        %add3A_271 = arith.addi %mul3A_269, %add3A_270 : i32
        %dma_start3A_272 = arith.constant 0 : i32
        %dma_start3A_273 = tpu.memref_slice %arg6[%add3A_271, %dma_start3A_272] : memref<80x128xi32, #tpu.memory_space<vmem>> -> memref<1x128xi32, #tpu.memory_space<vmem>>
        %dma_start3A_274 = tpu.memref_squeeze %dma_start3A_273 : memref<1x128xi32, #tpu.memory_space<vmem>> -> memref<128xi32, #tpu.memory_space<vmem>>
        %dma_start3A_275 = arith.constant 0 : i32
        %dma_start3A_276 = arith.constant 0 : i32
        %dma_start3A_277 = tpu.memref_slice %arg2[%dma_start3A_275, %dma_start3A_276] : memref<10240x64xf32, #tpu.memory_space<hbm>> -> memref<10240x64xf32, #tpu.memory_space<hbm>>
        tpu.enqueue_indirect_dma source(%dma_start3A_277 : memref<10240x64xf32, #tpu.memory_space<hbm>>) target(%arg8 : memref<128x64xf32, #tpu.memory_space<vmem>>) offsets(%dma_start3A_274 : memref<128xi32, #tpu.memory_space<vmem>>) semaphore(%arg17 : memref<!tpu.dma_semaphore, #tpu.memory_space<semaphore_mem>>)
        %dma_wait3A_278 = arith.constant 0 : i32
        %dma_wait3A_279 = arith.constant 0 : i32
        %dma_wait3A_280 = tpu.memref_slice %arg2[%dma_wait3A_278, %dma_wait3A_279] : memref<10240x64xf32, #tpu.memory_space<hbm>> -> memref<128x64xf32, #tpu.memory_space<hbm>>
        %dma_wait3A_281 = arith.constant 0 : i32
        %dma_wait3A_282 = arith.constant 0 : i32
        %dma_wait3A_283 = tpu.memref_slice %arg2[%dma_wait3A_281, %dma_wait3A_282] : memref<10240x64xf32, #tpu.memory_space<hbm>> -> memref<128x64xf32, #tpu.memory_space<hbm>>
        tpu.wait_dma2 semaphore(%arg26 : memref<!tpu.dma_semaphore, #tpu.memory_space<semaphore_mem>>) src(%dma_wait3A_283 : memref<128x64xf32, #tpu.memory_space<hbm>>) dst(%arg9 : memref<128x64xf32, #tpu.memory_space<vmem>>)
        %add3A_284 = arith.constant 1 : i32
        %add3A_285 = arith.addi %scan3A_125, %add3A_284 : i32
        %mul3A_286 = arith.constant 8 : i32
        %mul3A_287 = arith.muli %mul3A_286, %add3A_285 : i32
        %add3A_288 = arith.constant 1 : i32
        %add3A_289 = arith.addi %mul3A_287, %add3A_288 : i32
        %dma_start3A_290 = arith.constant 0 : i32
        %dma_start3A_291 = tpu.memref_slice %arg6[%add3A_289, %dma_start3A_290] : memref<80x128xi32, #tpu.memory_space<vmem>> -> memref<1x128xi32, #tpu.memory_space<vmem>>
        %dma_start3A_292 = tpu.memref_squeeze %dma_start3A_291 : memref<1x128xi32, #tpu.memory_space<vmem>> -> memref<128xi32, #tpu.memory_space<vmem>>
        %dma_start3A_293 = arith.constant 0 : i32
        %dma_start3A_294 = arith.constant 0 : i32
        %dma_start3A_295 = tpu.memref_slice %arg2[%dma_start3A_293, %dma_start3A_294] : memref<10240x64xf32, #tpu.memory_space<hbm>> -> memref<10240x64xf32, #tpu.memory_space<hbm>>
        tpu.enqueue_indirect_dma source(%dma_start3A_295 : memref<10240x64xf32, #tpu.memory_space<hbm>>) target(%arg9 : memref<128x64xf32, #tpu.memory_space<vmem>>) offsets(%dma_start3A_292 : memref<128xi32, #tpu.memory_space<vmem>>) semaphore(%arg18 : memref<!tpu.dma_semaphore, #tpu.memory_space<semaphore_mem>>)
        %dma_wait3A_296 = arith.constant 0 : i32
        %dma_wait3A_297 = arith.constant 0 : i32
        %dma_wait3A_298 = tpu.memref_slice %arg2[%dma_wait3A_296, %dma_wait3A_297] : memref<10240x64xf32, #tpu.memory_space<hbm>> -> memref<128x64xf32, #tpu.memory_space<hbm>>
        %dma_wait3A_299 = arith.constant 0 : i32
        %dma_wait3A_300 = arith.constant 0 : i32
        %dma_wait3A_301 = tpu.memref_slice %arg2[%dma_wait3A_299, %dma_wait3A_300] : memref<10240x64xf32, #tpu.memory_space<hbm>> -> memref<128x64xf32, #tpu.memory_space<hbm>>
        tpu.wait_dma2 semaphore(%arg27 : memref<!tpu.dma_semaphore, #tpu.memory_space<semaphore_mem>>) src(%dma_wait3A_301 : memref<128x64xf32, #tpu.memory_space<hbm>>) dst(%arg10 : memref<128x64xf32, #tpu.memory_space<vmem>>)
        %add3A_302 = arith.constant 1 : i32
        %add3A_303 = arith.addi %scan3A_125, %add3A_302 : i32
        %mul3A_304 = arith.constant 8 : i32
        %mul3A_305 = arith.muli %mul3A_304, %add3A_303 : i32
        %add3A_306 = arith.constant 2 : i32
        %add3A_307 = arith.addi %mul3A_305, %add3A_306 : i32
        %dma_start3A_308 = arith.constant 0 : i32
        %dma_start3A_309 = tpu.memref_slice %arg6[%add3A_307, %dma_start3A_308] : memref<80x128xi32, #tpu.memory_space<vmem>> -> memref<1x128xi32, #tpu.memory_space<vmem>>
        %dma_start3A_310 = tpu.memref_squeeze %dma_start3A_309 : memref<1x128xi32, #tpu.memory_space<vmem>> -> memref<128xi32, #tpu.memory_space<vmem>>
        %dma_start3A_311 = arith.constant 0 : i32
        %dma_start3A_312 = arith.constant 0 : i32
        %dma_start3A_313 = tpu.memref_slice %arg2[%dma_start3A_311, %dma_start3A_312] : memref<10240x64xf32, #tpu.memory_space<hbm>> -> memref<10240x64xf32, #tpu.memory_space<hbm>>
        tpu.enqueue_indirect_dma source(%dma_start3A_313 : memref<10240x64xf32, #tpu.memory_space<hbm>>) target(%arg10 : memref<128x64xf32, #tpu.memory_space<vmem>>) offsets(%dma_start3A_310 : memref<128xi32, #tpu.memory_space<vmem>>) semaphore(%arg19 : memref<!tpu.dma_semaphore, #tpu.memory_space<semaphore_mem>>)
        %dma_wait3A_314 = arith.constant 0 : i32
        %dma_wait3A_315 = arith.constant 0 : i32
        %dma_wait3A_316 = tpu.memref_slice %arg2[%dma_wait3A_314, %dma_wait3A_315] : memref<10240x64xf32, #tpu.memory_space<hbm>> -> memref<128x64xf32, #tpu.memory_space<hbm>>
        %dma_wait3A_317 = arith.constant 0 : i32
        %dma_wait3A_318 = arith.constant 0 : i32
        %dma_wait3A_319 = tpu.memref_slice %arg2[%dma_wait3A_317, %dma_wait3A_318] : memref<10240x64xf32, #tpu.memory_space<hbm>> -> memref<128x64xf32, #tpu.memory_space<hbm>>
        tpu.wait_dma2 semaphore(%arg28 : memref<!tpu.dma_semaphore, #tpu.memory_space<semaphore_mem>>) src(%dma_wait3A_319 : memref<128x64xf32, #tpu.memory_space<hbm>>) dst(%arg11 : memref<128x64xf32, #tpu.memory_space<vmem>>)
        %add3A_320 = arith.constant 1 : i32
        %add3A_321 = arith.addi %scan3A_125, %add3A_320 : i32
        %mul3A_322 = arith.constant 8 : i32
        %mul3A_323 = arith.muli %mul3A_322, %add3A_321 : i32
        %add3A_324 = arith.constant 3 : i32
        %add3A_325 = arith.addi %mul3A_323, %add3A_324 : i32
        %dma_start3A_326 = arith.constant 0 : i32
        %dma_start3A_327 = tpu.memref_slice %arg6[%add3A_325, %dma_start3A_326] : memref<80x128xi32, #tpu.memory_space<vmem>> -> memref<1x128xi32, #tpu.memory_space<vmem>>
        %dma_start3A_328 = tpu.memref_squeeze %dma_start3A_327 : memref<1x128xi32, #tpu.memory_space<vmem>> -> memref<128xi32, #tpu.memory_space<vmem>>
        %dma_start3A_329 = arith.constant 0 : i32
        %dma_start3A_330 = arith.constant 0 : i32
        %dma_start3A_331 = tpu.memref_slice %arg2[%dma_start3A_329, %dma_start3A_330] : memref<10240x64xf32, #tpu.memory_space<hbm>> -> memref<10240x64xf32, #tpu.memory_space<hbm>>
        tpu.enqueue_indirect_dma source(%dma_start3A_331 : memref<10240x64xf32, #tpu.memory_space<hbm>>) target(%arg11 : memref<128x64xf32, #tpu.memory_space<vmem>>) offsets(%dma_start3A_328 : memref<128xi32, #tpu.memory_space<vmem>>) semaphore(%arg20 : memref<!tpu.dma_semaphore, #tpu.memory_space<semaphore_mem>>)
        %dma_wait3A_332 = arith.constant 0 : i32
        %dma_wait3A_333 = arith.constant 0 : i32
        %dma_wait3A_334 = tpu.memref_slice %arg2[%dma_wait3A_332, %dma_wait3A_333] : memref<10240x64xf32, #tpu.memory_space<hbm>> -> memref<128x64xf32, #tpu.memory_space<hbm>>
        %dma_wait3A_335 = arith.constant 0 : i32
        %dma_wait3A_336 = arith.constant 0 : i32
        %dma_wait3A_337 = tpu.memref_slice %arg2[%dma_wait3A_335, %dma_wait3A_336] : memref<10240x64xf32, #tpu.memory_space<hbm>> -> memref<128x64xf32, #tpu.memory_space<hbm>>
        tpu.wait_dma2 semaphore(%arg29 : memref<!tpu.dma_semaphore, #tpu.memory_space<semaphore_mem>>) src(%dma_wait3A_337 : memref<128x64xf32, #tpu.memory_space<hbm>>) dst(%arg12 : memref<128x64xf32, #tpu.memory_space<vmem>>)
        %add3A_338 = arith.constant 1 : i32
        %add3A_339 = arith.addi %scan3A_125, %add3A_338 : i32
        %mul3A_340 = arith.constant 8 : i32
        %mul3A_341 = arith.muli %mul3A_340, %add3A_339 : i32
        %add3A_342 = arith.constant 4 : i32
        %add3A_343 = arith.addi %mul3A_341, %add3A_342 : i32
        %dma_start3A_344 = arith.constant 0 : i32
        %dma_start3A_345 = tpu.memref_slice %arg6[%add3A_343, %dma_start3A_344] : memref<80x128xi32, #tpu.memory_space<vmem>> -> memref<1x128xi32, #tpu.memory_space<vmem>>
        %dma_start3A_346 = tpu.memref_squeeze %dma_start3A_345 : memref<1x128xi32, #tpu.memory_space<vmem>> -> memref<128xi32, #tpu.memory_space<vmem>>
        %dma_start3A_347 = arith.constant 0 : i32
        %dma_start3A_348 = arith.constant 0 : i32
        %dma_start3A_349 = tpu.memref_slice %arg2[%dma_start3A_347, %dma_start3A_348] : memref<10240x64xf32, #tpu.memory_space<hbm>> -> memref<10240x64xf32, #tpu.memory_space<hbm>>
        tpu.enqueue_indirect_dma source(%dma_start3A_349 : memref<10240x64xf32, #tpu.memory_space<hbm>>) target(%arg12 : memref<128x64xf32, #tpu.memory_space<vmem>>) offsets(%dma_start3A_346 : memref<128xi32, #tpu.memory_space<vmem>>) semaphore(%arg21 : memref<!tpu.dma_semaphore, #tpu.memory_space<semaphore_mem>>)
        %dma_wait3A_350 = arith.constant 0 : i32
        %dma_wait3A_351 = arith.constant 0 : i32
        %dma_wait3A_352 = tpu.memref_slice %arg2[%dma_wait3A_350, %dma_wait3A_351] : memref<10240x64xf32, #tpu.memory_space<hbm>> -> memref<128x64xf32, #tpu.memory_space<hbm>>
        %dma_wait3A_353 = arith.constant 0 : i32
        %dma_wait3A_354 = arith.constant 0 : i32
        %dma_wait3A_355 = tpu.memref_slice %arg2[%dma_wait3A_353, %dma_wait3A_354] : memref<10240x64xf32, #tpu.memory_space<hbm>> -> memref<128x64xf32, #tpu.memory_space<hbm>>
        tpu.wait_dma2 semaphore(%arg30 : memref<!tpu.dma_semaphore, #tpu.memory_space<semaphore_mem>>) src(%dma_wait3A_355 : memref<128x64xf32, #tpu.memory_space<hbm>>) dst(%arg13 : memref<128x64xf32, #tpu.memory_space<vmem>>)
        %add3A_356 = arith.constant 1 : i32
        %add3A_357 = arith.addi %scan3A_125, %add3A_356 : i32
        %mul3A_358 = arith.constant 8 : i32
        %mul3A_359 = arith.muli %mul3A_358, %add3A_357 : i32
        %add3A_360 = arith.constant 5 : i32
        %add3A_361 = arith.addi %mul3A_359, %add3A_360 : i32
        %dma_start3A_362 = arith.constant 0 : i32
        %dma_start3A_363 = tpu.memref_slice %arg6[%add3A_361, %dma_start3A_362] : memref<80x128xi32, #tpu.memory_space<vmem>> -> memref<1x128xi32, #tpu.memory_space<vmem>>
        %dma_start3A_364 = tpu.memref_squeeze %dma_start3A_363 : memref<1x128xi32, #tpu.memory_space<vmem>> -> memref<128xi32, #tpu.memory_space<vmem>>
        %dma_start3A_365 = arith.constant 0 : i32
        %dma_start3A_366 = arith.constant 0 : i32
        %dma_start3A_367 = tpu.memref_slice %arg2[%dma_start3A_365, %dma_start3A_366] : memref<10240x64xf32, #tpu.memory_space<hbm>> -> memref<10240x64xf32, #tpu.memory_space<hbm>>
        tpu.enqueue_indirect_dma source(%dma_start3A_367 : memref<10240x64xf32, #tpu.memory_space<hbm>>) target(%arg13 : memref<128x64xf32, #tpu.memory_space<vmem>>) offsets(%dma_start3A_364 : memref<128xi32, #tpu.memory_space<vmem>>) semaphore(%arg22 : memref<!tpu.dma_semaphore, #tpu.memory_space<semaphore_mem>>)
        %dma_wait3A_368 = arith.constant 0 : i32
        %dma_wait3A_369 = arith.constant 0 : i32
        %dma_wait3A_370 = tpu.memref_slice %arg2[%dma_wait3A_368, %dma_wait3A_369] : memref<10240x64xf32, #tpu.memory_space<hbm>> -> memref<128x64xf32, #tpu.memory_space<hbm>>
        %dma_wait3A_371 = arith.constant 0 : i32
        %dma_wait3A_372 = arith.constant 0 : i32
        %dma_wait3A_373 = tpu.memref_slice %arg2[%dma_wait3A_371, %dma_wait3A_372] : memref<10240x64xf32, #tpu.memory_space<hbm>> -> memref<128x64xf32, #tpu.memory_space<hbm>>
        tpu.wait_dma2 semaphore(%arg31 : memref<!tpu.dma_semaphore, #tpu.memory_space<semaphore_mem>>) src(%dma_wait3A_373 : memref<128x64xf32, #tpu.memory_space<hbm>>) dst(%arg14 : memref<128x64xf32, #tpu.memory_space<vmem>>)
        %add3A_374 = arith.constant 1 : i32
        %add3A_375 = arith.addi %scan3A_125, %add3A_374 : i32
        %mul3A_376 = arith.constant 8 : i32
        %mul3A_377 = arith.muli %mul3A_376, %add3A_375 : i32
        %add3A_378 = arith.constant 6 : i32
        %add3A_379 = arith.addi %mul3A_377, %add3A_378 : i32
        %dma_start3A_380 = arith.constant 0 : i32
        %dma_start3A_381 = tpu.memref_slice %arg6[%add3A_379, %dma_start3A_380] : memref<80x128xi32, #tpu.memory_space<vmem>> -> memref<1x128xi32, #tpu.memory_space<vmem>>
        %dma_start3A_382 = tpu.memref_squeeze %dma_start3A_381 : memref<1x128xi32, #tpu.memory_space<vmem>> -> memref<128xi32, #tpu.memory_space<vmem>>
        %dma_start3A_383 = arith.constant 0 : i32
        %dma_start3A_384 = arith.constant 0 : i32
        %dma_start3A_385 = tpu.memref_slice %arg2[%dma_start3A_383, %dma_start3A_384] : memref<10240x64xf32, #tpu.memory_space<hbm>> -> memref<10240x64xf32, #tpu.memory_space<hbm>>
        tpu.enqueue_indirect_dma source(%dma_start3A_385 : memref<10240x64xf32, #tpu.memory_space<hbm>>) target(%arg14 : memref<128x64xf32, #tpu.memory_space<vmem>>) offsets(%dma_start3A_382 : memref<128xi32, #tpu.memory_space<vmem>>) semaphore(%arg23 : memref<!tpu.dma_semaphore, #tpu.memory_space<semaphore_mem>>)
        %dma_wait3A_386 = arith.constant 0 : i32
        %dma_wait3A_387 = arith.constant 0 : i32
        %dma_wait3A_388 = tpu.memref_slice %arg2[%dma_wait3A_386, %dma_wait3A_387] : memref<10240x64xf32, #tpu.memory_space<hbm>> -> memref<128x64xf32, #tpu.memory_space<hbm>>
        %dma_wait3A_389 = arith.constant 0 : i32
        %dma_wait3A_390 = arith.constant 0 : i32
        %dma_wait3A_391 = tpu.memref_slice %arg2[%dma_wait3A_389, %dma_wait3A_390] : memref<10240x64xf32, #tpu.memory_space<hbm>> -> memref<128x64xf32, #tpu.memory_space<hbm>>
        tpu.wait_dma2 semaphore(%arg32 : memref<!tpu.dma_semaphore, #tpu.memory_space<semaphore_mem>>) src(%dma_wait3A_391 : memref<128x64xf32, #tpu.memory_space<hbm>>) dst(%arg15 : memref<128x64xf32, #tpu.memory_space<vmem>>)
        %add3A_392 = arith.constant 1 : i32
        %add3A_393 = arith.addi %scan3A_125, %add3A_392 : i32
        %mul3A_394 = arith.constant 8 : i32
        %mul3A_395 = arith.muli %mul3A_394, %add3A_393 : i32
        %add3A_396 = arith.constant 7 : i32
        %add3A_397 = arith.addi %mul3A_395, %add3A_396 : i32
        %dma_start3A_398 = arith.constant 0 : i32
        %dma_start3A_399 = tpu.memref_slice %arg6[%add3A_397, %dma_start3A_398] : memref<80x128xi32, #tpu.memory_space<vmem>> -> memref<1x128xi32, #tpu.memory_space<vmem>>
        %dma_start3A_400 = tpu.memref_squeeze %dma_start3A_399 : memref<1x128xi32, #tpu.memory_space<vmem>> -> memref<128xi32, #tpu.memory_space<vmem>>
        %dma_start3A_401 = arith.constant 0 : i32
        %dma_start3A_402 = arith.constant 0 : i32
        %dma_start3A_403 = tpu.memref_slice %arg2[%dma_start3A_401, %dma_start3A_402] : memref<10240x64xf32, #tpu.memory_space<hbm>> -> memref<10240x64xf32, #tpu.memory_space<hbm>>
        tpu.enqueue_indirect_dma source(%dma_start3A_403 : memref<10240x64xf32, #tpu.memory_space<hbm>>) target(%arg15 : memref<128x64xf32, #tpu.memory_space<vmem>>) offsets(%dma_start3A_400 : memref<128xi32, #tpu.memory_space<vmem>>) semaphore(%arg24 : memref<!tpu.dma_semaphore, #tpu.memory_space<semaphore_mem>>)
      } else {
      }
    }
    %scan3A_72 = arith.constant 10 : i32
    %dma_wait3A = arith.constant 0 : i32
    %dma_wait3A_73 = arith.constant 0 : i32
    %dma_wait3A_74 = tpu.memref_slice %arg2[%dma_wait3A, %dma_wait3A_73] : memref<10240x64xf32, #tpu.memory_space<hbm>> -> memref<128x64xf32, #tpu.memory_space<hbm>>
    %dma_wait3A_75 = arith.constant 0 : i32
    %dma_wait3A_76 = arith.constant 0 : i32
    %dma_wait3A_77 = tpu.memref_slice %arg2[%dma_wait3A_75, %dma_wait3A_76] : memref<10240x64xf32, #tpu.memory_space<hbm>> -> memref<128x64xf32, #tpu.memory_space<hbm>>
    tpu.wait_dma2 semaphore(%arg25 : memref<!tpu.dma_semaphore, #tpu.memory_space<semaphore_mem>>) src(%dma_wait3A_77 : memref<128x64xf32, #tpu.memory_space<hbm>>) dst(%arg8 : memref<128x64xf32, #tpu.memory_space<vmem>>)
    %dma_wait3A_78 = arith.constant 0 : i32
    %dma_wait3A_79 = arith.constant 0 : i32
    %dma_wait3A_80 = tpu.memref_slice %arg2[%dma_wait3A_78, %dma_wait3A_79] : memref<10240x64xf32, #tpu.memory_space<hbm>> -> memref<128x64xf32, #tpu.memory_space<hbm>>
    %dma_wait3A_81 = arith.constant 0 : i32
    %dma_wait3A_82 = arith.constant 0 : i32
    %dma_wait3A_83 = tpu.memref_slice %arg2[%dma_wait3A_81, %dma_wait3A_82] : memref<10240x64xf32, #tpu.memory_space<hbm>> -> memref<128x64xf32, #tpu.memory_space<hbm>>
    tpu.wait_dma2 semaphore(%arg26 : memref<!tpu.dma_semaphore, #tpu.memory_space<semaphore_mem>>) src(%dma_wait3A_83 : memref<128x64xf32, #tpu.memory_space<hbm>>) dst(%arg9 : memref<128x64xf32, #tpu.memory_space<vmem>>)
    %dma_wait3A_84 = arith.constant 0 : i32
    %dma_wait3A_85 = arith.constant 0 : i32
    %dma_wait3A_86 = tpu.memref_slice %arg2[%dma_wait3A_84, %dma_wait3A_85] : memref<10240x64xf32, #tpu.memory_space<hbm>> -> memref<128x64xf32, #tpu.memory_space<hbm>>
    %dma_wait3A_87 = arith.constant 0 : i32
    %dma_wait3A_88 = arith.constant 0 : i32
    %dma_wait3A_89 = tpu.memref_slice %arg2[%dma_wait3A_87, %dma_wait3A_88] : memref<10240x64xf32, #tpu.memory_space<hbm>> -> memref<128x64xf32, #tpu.memory_space<hbm>>
    tpu.wait_dma2 semaphore(%arg27 : memref<!tpu.dma_semaphore, #tpu.memory_space<semaphore_mem>>) src(%dma_wait3A_89 : memref<128x64xf32, #tpu.memory_space<hbm>>) dst(%arg10 : memref<128x64xf32, #tpu.memory_space<vmem>>)
    %dma_wait3A_90 = arith.constant 0 : i32
    %dma_wait3A_91 = arith.constant 0 : i32
    %dma_wait3A_92 = tpu.memref_slice %arg2[%dma_wait3A_90, %dma_wait3A_91] : memref<10240x64xf32, #tpu.memory_space<hbm>> -> memref<128x64xf32, #tpu.memory_space<hbm>>
    %dma_wait3A_93 = arith.constant 0 : i32
    %dma_wait3A_94 = arith.constant 0 : i32
    %dma_wait3A_95 = tpu.memref_slice %arg2[%dma_wait3A_93, %dma_wait3A_94] : memref<10240x64xf32, #tpu.memory_space<hbm>> -> memref<128x64xf32, #tpu.memory_space<hbm>>
    tpu.wait_dma2 semaphore(%arg28 : memref<!tpu.dma_semaphore, #tpu.memory_space<semaphore_mem>>) src(%dma_wait3A_95 : memref<128x64xf32, #tpu.memory_space<hbm>>) dst(%arg11 : memref<128x64xf32, #tpu.memory_space<vmem>>)
    %dma_wait3A_96 = arith.constant 0 : i32
    %dma_wait3A_97 = arith.constant 0 : i32
    %dma_wait3A_98 = tpu.memref_slice %arg2[%dma_wait3A_96, %dma_wait3A_97] : memref<10240x64xf32, #tpu.memory_space<hbm>> -> memref<128x64xf32, #tpu.memory_space<hbm>>
    %dma_wait3A_99 = arith.constant 0 : i32
    %dma_wait3A_100 = arith.constant 0 : i32
    %dma_wait3A_101 = tpu.memref_slice %arg2[%dma_wait3A_99, %dma_wait3A_100] : memref<10240x64xf32, #tpu.memory_space<hbm>> -> memref<128x64xf32, #tpu.memory_space<hbm>>
    tpu.wait_dma2 semaphore(%arg29 : memref<!tpu.dma_semaphore, #tpu.memory_space<semaphore_mem>>) src(%dma_wait3A_101 : memref<128x64xf32, #tpu.memory_space<hbm>>) dst(%arg12 : memref<128x64xf32, #tpu.memory_space<vmem>>)
    %dma_wait3A_102 = arith.constant 0 : i32
    %dma_wait3A_103 = arith.constant 0 : i32
    %dma_wait3A_104 = tpu.memref_slice %arg2[%dma_wait3A_102, %dma_wait3A_103] : memref<10240x64xf32, #tpu.memory_space<hbm>> -> memref<128x64xf32, #tpu.memory_space<hbm>>
    %dma_wait3A_105 = arith.constant 0 : i32
    %dma_wait3A_106 = arith.constant 0 : i32
    %dma_wait3A_107 = tpu.memref_slice %arg2[%dma_wait3A_105, %dma_wait3A_106] : memref<10240x64xf32, #tpu.memory_space<hbm>> -> memref<128x64xf32, #tpu.memory_space<hbm>>
    tpu.wait_dma2 semaphore(%arg30 : memref<!tpu.dma_semaphore, #tpu.memory_space<semaphore_mem>>) src(%dma_wait3A_107 : memref<128x64xf32, #tpu.memory_space<hbm>>) dst(%arg13 : memref<128x64xf32, #tpu.memory_space<vmem>>)
    %dma_wait3A_108 = arith.constant 0 : i32
    %dma_wait3A_109 = arith.constant 0 : i32
    %dma_wait3A_110 = tpu.memref_slice %arg2[%dma_wait3A_108, %dma_wait3A_109] : memref<10240x64xf32, #tpu.memory_space<hbm>> -> memref<128x64xf32, #tpu.memory_space<hbm>>
    %dma_wait3A_111 = arith.constant 0 : i32
    %dma_wait3A_112 = arith.constant 0 : i32
    %dma_wait3A_113 = tpu.memref_slice %arg2[%dma_wait3A_111, %dma_wait3A_112] : memref<10240x64xf32, #tpu.memory_space<hbm>> -> memref<128x64xf32, #tpu.memory_space<hbm>>
    tpu.wait_dma2 semaphore(%arg31 : memref<!tpu.dma_semaphore, #tpu.memory_space<semaphore_mem>>) src(%dma_wait3A_113 : memref<128x64xf32, #tpu.memory_space<hbm>>) dst(%arg14 : memref<128x64xf32, #tpu.memory_space<vmem>>)
    %dma_wait3A_114 = arith.constant 0 : i32
    %dma_wait3A_115 = arith.constant 0 : i32
    %dma_wait3A_116 = tpu.memref_slice %arg2[%dma_wait3A_114, %dma_wait3A_115] : memref<10240x64xf32, #tpu.memory_space<hbm>> -> memref<128x64xf32, #tpu.memory_space<hbm>>
    %dma_wait3A_117 = arith.constant 0 : i32
    %dma_wait3A_118 = arith.constant 0 : i32
    %dma_wait3A_119 = tpu.memref_slice %arg2[%dma_wait3A_117, %dma_wait3A_118] : memref<10240x64xf32, #tpu.memory_space<hbm>> -> memref<128x64xf32, #tpu.memory_space<hbm>>
    tpu.wait_dma2 semaphore(%arg32 : memref<!tpu.dma_semaphore, #tpu.memory_space<semaphore_mem>>) src(%dma_wait3A_119 : memref<128x64xf32, #tpu.memory_space<hbm>>) dst(%arg15 : memref<128x64xf32, #tpu.memory_space<vmem>>)
    %barrier3A_120 = arith.constant 0 : index
    tpu.barrier barrier_id(%barrier3A_120)
    %mul3A_121 = arith.constant 640 : i32
    %mul3A_122 = arith.muli %arg1, %mul3A_121 : i32
    %mul3A_123 = arith.constant 640 : i32
    %mul3A_124 = arith.muli %arg1, %mul3A_123 : i32
    "tpu.region"() ({
      %run_scoped3A = tpu.sem_alloc : memref<!tpu.dma_semaphore, #tpu.memory_space<semaphore_mem>>
      %dma_start3A_125 = arith.constant 0 : i32
      %dma_start3A_126 = tpu.memref_slice %arg5[%arg0, %mul3A_124, %dma_start3A_125] : memref<2x10240x64xf32, #tpu.memory_space<hbm>> -> memref<1x640x64xf32, #tpu.memory_space<hbm>>
      %dma_start3A_127 = tpu.memref_squeeze %dma_start3A_126 : memref<1x640x64xf32, #tpu.memory_space<hbm>> -> memref<640x64xf32, #tpu.memory_space<hbm>>
      %dma_start3A_128 = arith.constant 0 : i32
      %dma_start3A_129 = tpu.memref_slice %arg16[%mul3A_122, %dma_start3A_128] : memref<10240x64xf32, #tpu.memory_space<vmem_shared>> -> memref<640x64xf32, #tpu.memory_space<vmem_shared>>
      tpu.enqueue_dma source(%dma_start3A_129 : memref<640x64xf32, #tpu.memory_space<vmem_shared>>) target(%dma_start3A_127 : memref<640x64xf32, #tpu.memory_space<hbm>>) target_semaphore(%run_scoped3A : memref<!tpu.dma_semaphore, #tpu.memory_space<semaphore_mem>>)
      %dma_wait3A_130 = arith.constant 0 : i32
      %dma_wait3A_131 = tpu.memref_slice %arg5[%arg0, %mul3A_124, %dma_wait3A_130] : memref<2x10240x64xf32, #tpu.memory_space<hbm>> -> memref<1x640x64xf32, #tpu.memory_space<hbm>>
      %dma_wait3A_132 = tpu.memref_squeeze %dma_wait3A_131 : memref<1x640x64xf32, #tpu.memory_space<hbm>> -> memref<640x64xf32, #tpu.memory_space<hbm>>
      %dma_wait3A_133 = arith.constant 0 : i32
      %dma_wait3A_134 = tpu.memref_slice %arg16[%mul3A_122, %dma_wait3A_133] : memref<10240x64xf32, #tpu.memory_space<vmem_shared>> -> memref<640x64xf32, #tpu.memory_space<vmem_shared>>
      tpu.wait_dma2 semaphore(%run_scoped3A : memref<!tpu.dma_semaphore, #tpu.memory_space<semaphore_mem>>) src(%dma_wait3A_134 : memref<640x64xf32, #tpu.memory_space<vmem_shared>>) dst(%dma_wait3A_132 : memref<640x64xf32, #tpu.memory_space<hbm>>)
      tpu.yield
    }) : () -> ()
    return
  }
}

#map = affine_map<(d0, d1) -> (0, 0, 0)>
#map1 = affine_map<(d0, d1) -> (0, 0)>
module attributes {stable_mosaic.version = 14 : i64} {
  func.func @_hist_body(%arg0: i32, %arg1: i32, %arg2: memref<32x80x128xi32, #tpu.memory_space<hbm>>, %arg3: memref<2x10240xf32, #tpu.memory_space<hbm>>, %arg4: memref<80x128xi32, #tpu.memory_space<vmem>>, %arg5: memref<128xf32, #tpu.memory_space<vmem>>, %arg6: memref<640xf32, #tpu.memory_space<vmem>>, %arg7: memref<10240xf32, #tpu.memory_space<vmem_shared>>, %arg8: memref<!tpu.dma_semaphore, #tpu.memory_space<semaphore_mem>>, %arg9: memref<!tpu.dma_semaphore, #tpu.memory_space<semaphore_mem>>, %arg10: memref<!tpu.dma_semaphore, #tpu.memory_space<semaphore_mem>>, %arg11: memref<!tpu.dma_semaphore, #tpu.memory_space<semaphore_mem>>, %arg12: memref<!tpu.dma_semaphore, #tpu.memory_space<semaphore_mem>>, %arg13: memref<!tpu.dma_semaphore, #tpu.memory_space<semaphore_mem>>) attributes {dimension_semantics = [#tpu.dimension_semantics<core_parallel>, #tpu.dimension_semantics<subcore_parallel>], iteration_bounds = array<i64: 2, 16>, scalar_prefetch = 0 : i64, scratch_operands = 10 : i64, tpu.core_type = #tpu.core_type<sc_vector_subcore>, window_params = [{transform_indices = #map}, {transform_indices = #map1}]} {
    %mul3A = arith.constant 16 : i32
    %mul3A_0 = arith.muli %arg0, %mul3A : i32
    %add3A = arith.addi %mul3A_0, %arg1 : i32
    %scan3A = arith.constant 0 : i32
    %scan3A_1 = arith.constant 0 : i32
    %scan3A_2 = arith.constant 40 : i32
    %scan3A_3 = arith.addi %scan3A_1, %scan3A_2 : i32
    %scan3A_4 = arith.constant 1 : i32
    scf.for %scan3A_147 = %scan3A_1 to %scan3A_3 step %scan3A_4  : i32 {
      %broadcast_in_dim3A = arith.constant 0.000000e+00 : f32
      %broadcast_in_dim3A_148 = vector.broadcast %broadcast_in_dim3A : f32 to vector<16xf32>
      %mul3A_149 = arith.constant 16 : i32
      %mul3A_150 = arith.muli %scan3A_147, %mul3A_149 : i32
      %swap3A = arith.index_cast %mul3A_150 : i32 to index
      %swap3A_151 = tpu.vector_load %arg6[%swap3A] {strides = array<i32>} : memref<640xf32, #tpu.memory_space<vmem>>, vector<16xf32>,
      %swap3A_152 = vector.shape_cast %swap3A_151 : vector<16xf32> to vector<16xf32>
      %swap3A_153 = vector.shape_cast %broadcast_in_dim3A_148 : vector<16xf32> to vector<16xf32>
      tpu.vector_store %arg6[%swap3A], %swap3A_153 {strides = array<i32>} : memref<640xf32, #tpu.memory_space<vmem>>, vector<16xf32>,
    }
    %scan3A_5 = arith.constant 40 : i32
    %scan3A_6 = arith.constant 0 : i32
    %scan3A_7 = arith.constant 0 : i32
    %scan3A_8 = arith.constant 8 : i32
    %scan3A_9 = arith.addi %scan3A_7, %scan3A_8 : i32
    %scan3A_10 = arith.constant 1 : i32
    scf.for %scan3A_147 = %scan3A_7 to %scan3A_9 step %scan3A_10  : i32 {
      %broadcast_in_dim3A = arith.constant 1.000000e+00 : f32
      %broadcast_in_dim3A_148 = vector.broadcast %broadcast_in_dim3A : f32 to vector<16xf32>
      %mul3A_149 = arith.constant 16 : i32
      %mul3A_150 = arith.muli %scan3A_147, %mul3A_149 : i32
      %swap3A = arith.index_cast %mul3A_150 : i32 to index
      %swap3A_151 = tpu.vector_load %arg5[%swap3A] {strides = array<i32>} : memref<128xf32, #tpu.memory_space<vmem>>, vector<16xf32>,
      %swap3A_152 = vector.shape_cast %swap3A_151 : vector<16xf32> to vector<16xf32>
      %swap3A_153 = vector.shape_cast %broadcast_in_dim3A_148 : vector<16xf32> to vector<16xf32>
      tpu.vector_store %arg5[%swap3A], %swap3A_153 {strides = array<i32>} : memref<128xf32, #tpu.memory_space<vmem>>, vector<16xf32>,
    }
    %scan3A_11 = arith.constant 8 : i32
    "tpu.region"() ({
      %run_scoped3A = tpu.sem_alloc : memref<!tpu.dma_semaphore, #tpu.memory_space<semaphore_mem>>
      %dma_start3A_147 = arith.constant 0 : i32
      %dma_start3A_148 = arith.constant 0 : i32
      %dma_start3A_149 = tpu.memref_slice %arg2[%add3A, %dma_start3A_147, %dma_start3A_148] : memref<32x80x128xi32, #tpu.memory_space<hbm>> -> memref<1x80x128xi32, #tpu.memory_space<hbm>>
      %dma_start3A_150 = tpu.memref_squeeze %dma_start3A_149 : memref<1x80x128xi32, #tpu.memory_space<hbm>> -> memref<80x128xi32, #tpu.memory_space<hbm>>
      %dma_start3A_151 = arith.constant 0 : i32
      %dma_start3A_152 = arith.constant 0 : i32
      %dma_start3A_153 = tpu.memref_slice %arg2[%add3A, %dma_start3A_151, %dma_start3A_152] : memref<32x80x128xi32, #tpu.memory_space<hbm>> -> memref<1x80x128xi32, #tpu.memory_space<hbm>>
      %dma_start3A_154 = tpu.memref_squeeze %dma_start3A_153 : memref<1x80x128xi32, #tpu.memory_space<hbm>> -> memref<80x128xi32, #tpu.memory_space<hbm>>
      tpu.enqueue_dma source(%dma_start3A_154 : memref<80x128xi32, #tpu.memory_space<hbm>>) target(%arg4 : memref<80x128xi32, #tpu.memory_space<vmem>>) target_semaphore(%run_scoped3A : memref<!tpu.dma_semaphore, #tpu.memory_space<semaphore_mem>>)
      %dma_wait3A_155 = arith.constant 0 : i32
      %dma_wait3A_156 = arith.constant 0 : i32
      %dma_wait3A_157 = tpu.memref_slice %arg2[%add3A, %dma_wait3A_155, %dma_wait3A_156] : memref<32x80x128xi32, #tpu.memory_space<hbm>> -> memref<1x80x128xi32, #tpu.memory_space<hbm>>
      %dma_wait3A_158 = tpu.memref_squeeze %dma_wait3A_157 : memref<1x80x128xi32, #tpu.memory_space<hbm>> -> memref<80x128xi32, #tpu.memory_space<hbm>>
      %dma_wait3A_159 = arith.constant 0 : i32
      %dma_wait3A_160 = arith.constant 0 : i32
      %dma_wait3A_161 = tpu.memref_slice %arg2[%add3A, %dma_wait3A_159, %dma_wait3A_160] : memref<32x80x128xi32, #tpu.memory_space<hbm>> -> memref<1x80x128xi32, #tpu.memory_space<hbm>>
      %dma_wait3A_162 = tpu.memref_squeeze %dma_wait3A_161 : memref<1x80x128xi32, #tpu.memory_space<hbm>> -> memref<80x128xi32, #tpu.memory_space<hbm>>
      tpu.wait_dma2 semaphore(%run_scoped3A : memref<!tpu.dma_semaphore, #tpu.memory_space<semaphore_mem>>) src(%dma_wait3A_162 : memref<80x128xi32, #tpu.memory_space<hbm>>) dst(%arg4 : memref<80x128xi32, #tpu.memory_space<vmem>>)
      tpu.yield
    }) : () -> ()
    %mul3A_12 = arith.constant 640 : i32
    %mul3A_13 = arith.muli %arg1, %mul3A_12 : i32
    "tpu.region"() ({
      %run_scoped3A = tpu.sem_alloc : memref<!tpu.dma_semaphore, #tpu.memory_space<semaphore_mem>>
      %dma_start3A_147 = tpu.memref_slice %arg7[%mul3A_13] : memref<10240xf32, #tpu.memory_space<vmem_shared>> -> memref<640xf32, #tpu.memory_space<vmem_shared>>
      %dma_start3A_148 = tpu.memref_slice %arg7[%mul3A_13] : memref<10240xf32, #tpu.memory_space<vmem_shared>> -> memref<640xf32, #tpu.memory_space<vmem_shared>>
      tpu.enqueue_dma source(%arg6 : memref<640xf32, #tpu.memory_space<vmem>>) target(%dma_start3A_148 : memref<640xf32, #tpu.memory_space<vmem_shared>>) target_semaphore(%run_scoped3A : memref<!tpu.dma_semaphore, #tpu.memory_space<semaphore_mem>>)
      %dma_wait3A_149 = tpu.memref_slice %arg7[%mul3A_13] : memref<10240xf32, #tpu.memory_space<vmem_shared>> -> memref<640xf32, #tpu.memory_space<vmem_shared>>
      %dma_wait3A_150 = tpu.memref_slice %arg7[%mul3A_13] : memref<10240xf32, #tpu.memory_space<vmem_shared>> -> memref<640xf32, #tpu.memory_space<vmem_shared>>
      tpu.wait_dma2 semaphore(%run_scoped3A : memref<!tpu.dma_semaphore, #tpu.memory_space<semaphore_mem>>) src(%arg6 : memref<640xf32, #tpu.memory_space<vmem>>) dst(%dma_wait3A_150 : memref<640xf32, #tpu.memory_space<vmem_shared>>)
      tpu.yield
    }) : () -> ()
    %barrier3A = arith.constant 0 : index
    tpu.barrier barrier_id(%barrier3A)
    %scan3A_14 = arith.constant 0 : i32
    %scan3A_15 = arith.constant 0 : i32
    %scan3A_16 = arith.constant 13 : i32
    %scan3A_17 = arith.addi %scan3A_15, %scan3A_16 : i32
    %scan3A_18 = arith.constant 1 : i32
    scf.for %scan3A_147 = %scan3A_15 to %scan3A_17 step %scan3A_18  : i32 {
      %gt3A = arith.constant 0 : i32
      %gt3A_148 = arith.cmpi sgt, %scan3A_147, %gt3A : i32
      %convert_element_type3A = arith.extui %gt3A_148 : i1 to i32
      %cond3A = arith.constant 0 : i32
      %cond3A_149 = arith.cmpi ne, %convert_element_type3A, %cond3A : i32
      scf.if %cond3A_149 {
        %dma_wait3A_229 = arith.constant 0 : i32
        %dma_wait3A_230 = arith.constant 0 : i32
        %dma_wait3A_231 = arith.constant 0 : i32
        %dma_wait3A_232 = tpu.memref_slice %arg4[%dma_wait3A_230, %dma_wait3A_231] : memref<80x128xi32, #tpu.memory_space<vmem>> -> memref<1x128xi32, #tpu.memory_space<vmem>>
        %dma_wait3A_233 = tpu.memref_squeeze %dma_wait3A_232 : memref<1x128xi32, #tpu.memory_space<vmem>> -> memref<128xi32, #tpu.memory_space<vmem>>
        %dma_wait3A_234 = arith.constant 0 : i32
        %dma_wait3A_235 = tpu.memref_slice %arg2[%add3A, %dma_wait3A_229, %dma_wait3A_234] : memref<32x80x128xi32, #tpu.memory_space<hbm>> -> memref<1x1x128xi32, #tpu.memory_space<hbm>>
        %dma_wait3A_236 = tpu.memref_squeeze %dma_wait3A_235 : memref<1x1x128xi32, #tpu.memory_space<hbm>> -> memref<128xi32, #tpu.memory_space<hbm>>
        %dma_wait3A_237 = arith.constant 0 : i32
        %dma_wait3A_238 = tpu.memref_slice %arg4[%dma_wait3A_230, %dma_wait3A_237] : memref<80x128xi32, #tpu.memory_space<vmem>> -> memref<1x128xi32, #tpu.memory_space<vmem>>
        %dma_wait3A_239 = tpu.memref_squeeze %dma_wait3A_238 : memref<1x128xi32, #tpu.memory_space<vmem>> -> memref<128xi32, #tpu.memory_space<vmem>>
        %dma_wait3A_240 = arith.constant 0 : i32
        %dma_wait3A_241 = tpu.memref_slice %arg2[%add3A, %dma_wait3A_229, %dma_wait3A_240] : memref<32x80x128xi32, #tpu.memory_space<hbm>> -> memref<1x1x128xi32, #tpu.memory_space<hbm>>
        %dma_wait3A_242 = tpu.memref_squeeze %dma_wait3A_241 : memref<1x1x128xi32, #tpu.memory_space<hbm>> -> memref<128xi32, #tpu.memory_space<hbm>>
        tpu.wait_dma2 semaphore(%arg8 : memref<!tpu.dma_semaphore, #tpu.memory_space<semaphore_mem>>) src(%dma_wait3A_242 : memref<128xi32, #tpu.memory_space<hbm>>) dst(%dma_wait3A_239 : memref<128xi32, #tpu.memory_space<vmem>>)
      } else {
      }
      %mul3A_150 = arith.constant 6 : i32
      %mul3A_151 = arith.muli %mul3A_150, %scan3A_147 : i32
      %add3A_152 = arith.constant 0 : i32
      %add3A_153 = arith.addi %mul3A_151, %add3A_152 : i32
      %dma_start3A_154 = arith.constant 0 : i32
      %dma_start3A_155 = tpu.memref_slice %arg4[%add3A_153, %dma_start3A_154] : memref<80x128xi32, #tpu.memory_space<vmem>> -> memref<1x128xi32, #tpu.memory_space<vmem>>
      %dma_start3A_156 = tpu.memref_squeeze %dma_start3A_155 : memref<1x128xi32, #tpu.memory_space<vmem>> -> memref<128xi32, #tpu.memory_space<vmem>>
      %dma_start3A_157 = arith.constant 0 : i32
      %dma_start3A_158 = tpu.memref_slice %arg7[%dma_start3A_157] : memref<10240xf32, #tpu.memory_space<vmem_shared>> -> memref<10240xf32, #tpu.memory_space<vmem_shared>>
      tpu.enqueue_indirect_dma source(%arg5 : memref<128xf32, #tpu.memory_space<vmem>>) target(%dma_start3A_158 : memref<10240xf32, #tpu.memory_space<vmem_shared>>) offsets(%dma_start3A_156 : memref<128xi32, #tpu.memory_space<vmem>>) semaphore(%arg8 : memref<!tpu.dma_semaphore, #tpu.memory_space<semaphore_mem>>) {add = true}
      %gt3A_159 = arith.constant 0 : i32
      %gt3A_160 = arith.cmpi sgt, %scan3A_147, %gt3A_159 : i32
      %convert_element_type3A_161 = arith.extui %gt3A_160 : i1 to i32
      %cond3A_162 = arith.constant 0 : i32
      %cond3A_163 = arith.cmpi ne, %convert_element_type3A_161, %cond3A_162 : i32
      scf.if %cond3A_163 {
        %dma_wait3A_229 = arith.constant 0 : i32
        %dma_wait3A_230 = arith.constant 0 : i32
        %dma_wait3A_231 = arith.constant 0 : i32
        %dma_wait3A_232 = tpu.memref_slice %arg4[%dma_wait3A_230, %dma_wait3A_231] : memref<80x128xi32, #tpu.memory_space<vmem>> -> memref<1x128xi32, #tpu.memory_space<vmem>>
        %dma_wait3A_233 = tpu.memref_squeeze %dma_wait3A_232 : memref<1x128xi32, #tpu.memory_space<vmem>> -> memref<128xi32, #tpu.memory_space<vmem>>
        %dma_wait3A_234 = arith.constant 0 : i32
        %dma_wait3A_235 = tpu.memref_slice %arg2[%add3A, %dma_wait3A_229, %dma_wait3A_234] : memref<32x80x128xi32, #tpu.memory_space<hbm>> -> memref<1x1x128xi32, #tpu.memory_space<hbm>>
        %dma_wait3A_236 = tpu.memref_squeeze %dma_wait3A_235 : memref<1x1x128xi32, #tpu.memory_space<hbm>> -> memref<128xi32, #tpu.memory_space<hbm>>
        %dma_wait3A_237 = arith.constant 0 : i32
        %dma_wait3A_238 = tpu.memref_slice %arg4[%dma_wait3A_230, %dma_wait3A_237] : memref<80x128xi32, #tpu.memory_space<vmem>> -> memref<1x128xi32, #tpu.memory_space<vmem>>
        %dma_wait3A_239 = tpu.memref_squeeze %dma_wait3A_238 : memref<1x128xi32, #tpu.memory_space<vmem>> -> memref<128xi32, #tpu.memory_space<vmem>>
        %dma_wait3A_240 = arith.constant 0 : i32
        %dma_wait3A_241 = tpu.memref_slice %arg2[%add3A, %dma_wait3A_229, %dma_wait3A_240] : memref<32x80x128xi32, #tpu.memory_space<hbm>> -> memref<1x1x128xi32, #tpu.memory_space<hbm>>
        %dma_wait3A_242 = tpu.memref_squeeze %dma_wait3A_241 : memref<1x1x128xi32, #tpu.memory_space<hbm>> -> memref<128xi32, #tpu.memory_space<hbm>>
        tpu.wait_dma2 semaphore(%arg9 : memref<!tpu.dma_semaphore, #tpu.memory_space<semaphore_mem>>) src(%dma_wait3A_242 : memref<128xi32, #tpu.memory_space<hbm>>) dst(%dma_wait3A_239 : memref<128xi32, #tpu.memory_space<vmem>>)
      } else {
      }
      %mul3A_164 = arith.constant 6 : i32
      %mul3A_165 = arith.muli %mul3A_164, %scan3A_147 : i32
      %add3A_166 = arith.constant 1 : i32
      %add3A_167 = arith.addi %mul3A_165, %add3A_166 : i32
      %dma_start3A_168 = arith.constant 0 : i32
      %dma_start3A_169 = tpu.memref_slice %arg4[%add3A_167, %dma_start3A_168] : memref<80x128xi32, #tpu.memory_space<vmem>> -> memref<1x128xi32, #tpu.memory_space<vmem>>
      %dma_start3A_170 = tpu.memref_squeeze %dma_start3A_169 : memref<1x128xi32, #tpu.memory_space<vmem>> -> memref<128xi32, #tpu.memory_space<vmem>>
      %dma_start3A_171 = arith.constant 0 : i32
      %dma_start3A_172 = tpu.memref_slice %arg7[%dma_start3A_171] : memref<10240xf32, #tpu.memory_space<vmem_shared>> -> memref<10240xf32, #tpu.memory_space<vmem_shared>>
      tpu.enqueue_indirect_dma source(%arg5 : memref<128xf32, #tpu.memory_space<vmem>>) target(%dma_start3A_172 : memref<10240xf32, #tpu.memory_space<vmem_shared>>) offsets(%dma_start3A_170 : memref<128xi32, #tpu.memory_space<vmem>>) semaphore(%arg9 : memref<!tpu.dma_semaphore, #tpu.memory_space<semaphore_mem>>) {add = true}
      %gt3A_173 = arith.constant 0 : i32
      %gt3A_174 = arith.cmpi sgt, %scan3A_147, %gt3A_173 : i32
      %convert_element_type3A_175 = arith.extui %gt3A_174 : i1 to i32
      %cond3A_176 = arith.constant 0 : i32
      %cond3A_177 = arith.cmpi ne, %convert_element_type3A_175, %cond3A_176 : i32
      scf.if %cond3A_177 {
        %dma_wait3A_229 = arith.constant 0 : i32
        %dma_wait3A_230 = arith.constant 0 : i32
        %dma_wait3A_231 = arith.constant 0 : i32
        %dma_wait3A_232 = tpu.memref_slice %arg4[%dma_wait3A_230, %dma_wait3A_231] : memref<80x128xi32, #tpu.memory_space<vmem>> -> memref<1x128xi32, #tpu.memory_space<vmem>>
        %dma_wait3A_233 = tpu.memref_squeeze %dma_wait3A_232 : memref<1x128xi32, #tpu.memory_space<vmem>> -> memref<128xi32, #tpu.memory_space<vmem>>
        %dma_wait3A_234 = arith.constant 0 : i32
        %dma_wait3A_235 = tpu.memref_slice %arg2[%add3A, %dma_wait3A_229, %dma_wait3A_234] : memref<32x80x128xi32, #tpu.memory_space<hbm>> -> memref<1x1x128xi32, #tpu.memory_space<hbm>>
        %dma_wait3A_236 = tpu.memref_squeeze %dma_wait3A_235 : memref<1x1x128xi32, #tpu.memory_space<hbm>> -> memref<128xi32, #tpu.memory_space<hbm>>
        %dma_wait3A_237 = arith.constant 0 : i32
        %dma_wait3A_238 = tpu.memref_slice %arg4[%dma_wait3A_230, %dma_wait3A_237] : memref<80x128xi32, #tpu.memory_space<vmem>> -> memref<1x128xi32, #tpu.memory_space<vmem>>
        %dma_wait3A_239 = tpu.memref_squeeze %dma_wait3A_238 : memref<1x128xi32, #tpu.memory_space<vmem>> -> memref<128xi32, #tpu.memory_space<vmem>>
        %dma_wait3A_240 = arith.constant 0 : i32
        %dma_wait3A_241 = tpu.memref_slice %arg2[%add3A, %dma_wait3A_229, %dma_wait3A_240] : memref<32x80x128xi32, #tpu.memory_space<hbm>> -> memref<1x1x128xi32, #tpu.memory_space<hbm>>
        %dma_wait3A_242 = tpu.memref_squeeze %dma_wait3A_241 : memref<1x1x128xi32, #tpu.memory_space<hbm>> -> memref<128xi32, #tpu.memory_space<hbm>>
        tpu.wait_dma2 semaphore(%arg10 : memref<!tpu.dma_semaphore, #tpu.memory_space<semaphore_mem>>) src(%dma_wait3A_242 : memref<128xi32, #tpu.memory_space<hbm>>) dst(%dma_wait3A_239 : memref<128xi32, #tpu.memory_space<vmem>>)
      } else {
      }
      %mul3A_178 = arith.constant 6 : i32
      %mul3A_179 = arith.muli %mul3A_178, %scan3A_147 : i32
      %add3A_180 = arith.constant 2 : i32
      %add3A_181 = arith.addi %mul3A_179, %add3A_180 : i32
      %dma_start3A_182 = arith.constant 0 : i32
      %dma_start3A_183 = tpu.memref_slice %arg4[%add3A_181, %dma_start3A_182] : memref<80x128xi32, #tpu.memory_space<vmem>> -> memref<1x128xi32, #tpu.memory_space<vmem>>
      %dma_start3A_184 = tpu.memref_squeeze %dma_start3A_183 : memref<1x128xi32, #tpu.memory_space<vmem>> -> memref<128xi32, #tpu.memory_space<vmem>>
      %dma_start3A_185 = arith.constant 0 : i32
      %dma_start3A_186 = tpu.memref_slice %arg7[%dma_start3A_185] : memref<10240xf32, #tpu.memory_space<vmem_shared>> -> memref<10240xf32, #tpu.memory_space<vmem_shared>>
      tpu.enqueue_indirect_dma source(%arg5 : memref<128xf32, #tpu.memory_space<vmem>>) target(%dma_start3A_186 : memref<10240xf32, #tpu.memory_space<vmem_shared>>) offsets(%dma_start3A_184 : memref<128xi32, #tpu.memory_space<vmem>>) semaphore(%arg10 : memref<!tpu.dma_semaphore, #tpu.memory_space<semaphore_mem>>) {add = true}
      %gt3A_187 = arith.constant 0 : i32
      %gt3A_188 = arith.cmpi sgt, %scan3A_147, %gt3A_187 : i32
      %convert_element_type3A_189 = arith.extui %gt3A_188 : i1 to i32
      %cond3A_190 = arith.constant 0 : i32
      %cond3A_191 = arith.cmpi ne, %convert_element_type3A_189, %cond3A_190 : i32
      scf.if %cond3A_191 {
        %dma_wait3A_229 = arith.constant 0 : i32
        %dma_wait3A_230 = arith.constant 0 : i32
        %dma_wait3A_231 = arith.constant 0 : i32
        %dma_wait3A_232 = tpu.memref_slice %arg4[%dma_wait3A_230, %dma_wait3A_231] : memref<80x128xi32, #tpu.memory_space<vmem>> -> memref<1x128xi32, #tpu.memory_space<vmem>>
        %dma_wait3A_233 = tpu.memref_squeeze %dma_wait3A_232 : memref<1x128xi32, #tpu.memory_space<vmem>> -> memref<128xi32, #tpu.memory_space<vmem>>
        %dma_wait3A_234 = arith.constant 0 : i32
        %dma_wait3A_235 = tpu.memref_slice %arg2[%add3A, %dma_wait3A_229, %dma_wait3A_234] : memref<32x80x128xi32, #tpu.memory_space<hbm>> -> memref<1x1x128xi32, #tpu.memory_space<hbm>>
        %dma_wait3A_236 = tpu.memref_squeeze %dma_wait3A_235 : memref<1x1x128xi32, #tpu.memory_space<hbm>> -> memref<128xi32, #tpu.memory_space<hbm>>
        %dma_wait3A_237 = arith.constant 0 : i32
        %dma_wait3A_238 = tpu.memref_slice %arg4[%dma_wait3A_230, %dma_wait3A_237] : memref<80x128xi32, #tpu.memory_space<vmem>> -> memref<1x128xi32, #tpu.memory_space<vmem>>
        %dma_wait3A_239 = tpu.memref_squeeze %dma_wait3A_238 : memref<1x128xi32, #tpu.memory_space<vmem>> -> memref<128xi32, #tpu.memory_space<vmem>>
        %dma_wait3A_240 = arith.constant 0 : i32
        %dma_wait3A_241 = tpu.memref_slice %arg2[%add3A, %dma_wait3A_229, %dma_wait3A_240] : memref<32x80x128xi32, #tpu.memory_space<hbm>> -> memref<1x1x128xi32, #tpu.memory_space<hbm>>
        %dma_wait3A_242 = tpu.memref_squeeze %dma_wait3A_241 : memref<1x1x128xi32, #tpu.memory_space<hbm>> -> memref<128xi32, #tpu.memory_space<hbm>>
        tpu.wait_dma2 semaphore(%arg11 : memref<!tpu.dma_semaphore, #tpu.memory_space<semaphore_mem>>) src(%dma_wait3A_242 : memref<128xi32, #tpu.memory_space<hbm>>) dst(%dma_wait3A_239 : memref<128xi32, #tpu.memory_space<vmem>>)
      } else {
      }
      %mul3A_192 = arith.constant 6 : i32
      %mul3A_193 = arith.muli %mul3A_192, %scan3A_147 : i32
      %add3A_194 = arith.constant 3 : i32
      %add3A_195 = arith.addi %mul3A_193, %add3A_194 : i32
      %dma_start3A_196 = arith.constant 0 : i32
      %dma_start3A_197 = tpu.memref_slice %arg4[%add3A_195, %dma_start3A_196] : memref<80x128xi32, #tpu.memory_space<vmem>> -> memref<1x128xi32, #tpu.memory_space<vmem>>
      %dma_start3A_198 = tpu.memref_squeeze %dma_start3A_197 : memref<1x128xi32, #tpu.memory_space<vmem>> -> memref<128xi32, #tpu.memory_space<vmem>>
      %dma_start3A_199 = arith.constant 0 : i32
      %dma_start3A_200 = tpu.memref_slice %arg7[%dma_start3A_199] : memref<10240xf32, #tpu.memory_space<vmem_shared>> -> memref<10240xf32, #tpu.memory_space<vmem_shared>>
      tpu.enqueue_indirect_dma source(%arg5 : memref<128xf32, #tpu.memory_space<vmem>>) target(%dma_start3A_200 : memref<10240xf32, #tpu.memory_space<vmem_shared>>) offsets(%dma_start3A_198 : memref<128xi32, #tpu.memory_space<vmem>>) semaphore(%arg11 : memref<!tpu.dma_semaphore, #tpu.memory_space<semaphore_mem>>) {add = true}
      %gt3A_201 = arith.constant 0 : i32
      %gt3A_202 = arith.cmpi sgt, %scan3A_147, %gt3A_201 : i32
      %convert_element_type3A_203 = arith.extui %gt3A_202 : i1 to i32
      %cond3A_204 = arith.constant 0 : i32
      %cond3A_205 = arith.cmpi ne, %convert_element_type3A_203, %cond3A_204 : i32
      scf.if %cond3A_205 {
        %dma_wait3A_229 = arith.constant 0 : i32
        %dma_wait3A_230 = arith.constant 0 : i32
        %dma_wait3A_231 = arith.constant 0 : i32
        %dma_wait3A_232 = tpu.memref_slice %arg4[%dma_wait3A_230, %dma_wait3A_231] : memref<80x128xi32, #tpu.memory_space<vmem>> -> memref<1x128xi32, #tpu.memory_space<vmem>>
        %dma_wait3A_233 = tpu.memref_squeeze %dma_wait3A_232 : memref<1x128xi32, #tpu.memory_space<vmem>> -> memref<128xi32, #tpu.memory_space<vmem>>
        %dma_wait3A_234 = arith.constant 0 : i32
        %dma_wait3A_235 = tpu.memref_slice %arg2[%add3A, %dma_wait3A_229, %dma_wait3A_234] : memref<32x80x128xi32, #tpu.memory_space<hbm>> -> memref<1x1x128xi32, #tpu.memory_space<hbm>>
        %dma_wait3A_236 = tpu.memref_squeeze %dma_wait3A_235 : memref<1x1x128xi32, #tpu.memory_space<hbm>> -> memref<128xi32, #tpu.memory_space<hbm>>
        %dma_wait3A_237 = arith.constant 0 : i32
        %dma_wait3A_238 = tpu.memref_slice %arg4[%dma_wait3A_230, %dma_wait3A_237] : memref<80x128xi32, #tpu.memory_space<vmem>> -> memref<1x128xi32, #tpu.memory_space<vmem>>
        %dma_wait3A_239 = tpu.memref_squeeze %dma_wait3A_238 : memref<1x128xi32, #tpu.memory_space<vmem>> -> memref<128xi32, #tpu.memory_space<vmem>>
        %dma_wait3A_240 = arith.constant 0 : i32
        %dma_wait3A_241 = tpu.memref_slice %arg2[%add3A, %dma_wait3A_229, %dma_wait3A_240] : memref<32x80x128xi32, #tpu.memory_space<hbm>> -> memref<1x1x128xi32, #tpu.memory_space<hbm>>
        %dma_wait3A_242 = tpu.memref_squeeze %dma_wait3A_241 : memref<1x1x128xi32, #tpu.memory_space<hbm>> -> memref<128xi32, #tpu.memory_space<hbm>>
        tpu.wait_dma2 semaphore(%arg12 : memref<!tpu.dma_semaphore, #tpu.memory_space<semaphore_mem>>) src(%dma_wait3A_242 : memref<128xi32, #tpu.memory_space<hbm>>) dst(%dma_wait3A_239 : memref<128xi32, #tpu.memory_space<vmem>>)
      } else {
      }
      %mul3A_206 = arith.constant 6 : i32
      %mul3A_207 = arith.muli %mul3A_206, %scan3A_147 : i32
      %add3A_208 = arith.constant 4 : i32
      %add3A_209 = arith.addi %mul3A_207, %add3A_208 : i32
      %dma_start3A_210 = arith.constant 0 : i32
      %dma_start3A_211 = tpu.memref_slice %arg4[%add3A_209, %dma_start3A_210] : memref<80x128xi32, #tpu.memory_space<vmem>> -> memref<1x128xi32, #tpu.memory_space<vmem>>
      %dma_start3A_212 = tpu.memref_squeeze %dma_start3A_211 : memref<1x128xi32, #tpu.memory_space<vmem>> -> memref<128xi32, #tpu.memory_space<vmem>>
      %dma_start3A_213 = arith.constant 0 : i32
      %dma_start3A_214 = tpu.memref_slice %arg7[%dma_start3A_213] : memref<10240xf32, #tpu.memory_space<vmem_shared>> -> memref<10240xf32, #tpu.memory_space<vmem_shared>>
      tpu.enqueue_indirect_dma source(%arg5 : memref<128xf32, #tpu.memory_space<vmem>>) target(%dma_start3A_214 : memref<10240xf32, #tpu.memory_space<vmem_shared>>) offsets(%dma_start3A_212 : memref<128xi32, #tpu.memory_space<vmem>>) semaphore(%arg12 : memref<!tpu.dma_semaphore, #tpu.memory_space<semaphore_mem>>) {add = true}
      %gt3A_215 = arith.constant 0 : i32
      %gt3A_216 = arith.cmpi sgt, %scan3A_147, %gt3A_215 : i32
      %convert_element_type3A_217 = arith.extui %gt3A_216 : i1 to i32
      %cond3A_218 = arith.constant 0 : i32
      %cond3A_219 = arith.cmpi ne, %convert_element_type3A_217, %cond3A_218 : i32
      scf.if %cond3A_219 {
        %dma_wait3A_229 = arith.constant 0 : i32
        %dma_wait3A_230 = arith.constant 0 : i32
        %dma_wait3A_231 = arith.constant 0 : i32
        %dma_wait3A_232 = tpu.memref_slice %arg4[%dma_wait3A_230, %dma_wait3A_231] : memref<80x128xi32, #tpu.memory_space<vmem>> -> memref<1x128xi32, #tpu.memory_space<vmem>>
        %dma_wait3A_233 = tpu.memref_squeeze %dma_wait3A_232 : memref<1x128xi32, #tpu.memory_space<vmem>> -> memref<128xi32, #tpu.memory_space<vmem>>
        %dma_wait3A_234 = arith.constant 0 : i32
        %dma_wait3A_235 = tpu.memref_slice %arg2[%add3A, %dma_wait3A_229, %dma_wait3A_234] : memref<32x80x128xi32, #tpu.memory_space<hbm>> -> memref<1x1x128xi32, #tpu.memory_space<hbm>>
        %dma_wait3A_236 = tpu.memref_squeeze %dma_wait3A_235 : memref<1x1x128xi32, #tpu.memory_space<hbm>> -> memref<128xi32, #tpu.memory_space<hbm>>
        %dma_wait3A_237 = arith.constant 0 : i32
        %dma_wait3A_238 = tpu.memref_slice %arg4[%dma_wait3A_230, %dma_wait3A_237] : memref<80x128xi32, #tpu.memory_space<vmem>> -> memref<1x128xi32, #tpu.memory_space<vmem>>
        %dma_wait3A_239 = tpu.memref_squeeze %dma_wait3A_238 : memref<1x128xi32, #tpu.memory_space<vmem>> -> memref<128xi32, #tpu.memory_space<vmem>>
        %dma_wait3A_240 = arith.constant 0 : i32
        %dma_wait3A_241 = tpu.memref_slice %arg2[%add3A, %dma_wait3A_229, %dma_wait3A_240] : memref<32x80x128xi32, #tpu.memory_space<hbm>> -> memref<1x1x128xi32, #tpu.memory_space<hbm>>
        %dma_wait3A_242 = tpu.memref_squeeze %dma_wait3A_241 : memref<1x1x128xi32, #tpu.memory_space<hbm>> -> memref<128xi32, #tpu.memory_space<hbm>>
        tpu.wait_dma2 semaphore(%arg13 : memref<!tpu.dma_semaphore, #tpu.memory_space<semaphore_mem>>) src(%dma_wait3A_242 : memref<128xi32, #tpu.memory_space<hbm>>) dst(%dma_wait3A_239 : memref<128xi32, #tpu.memory_space<vmem>>)
      } else {
      }
      %mul3A_220 = arith.constant 6 : i32
      %mul3A_221 = arith.muli %mul3A_220, %scan3A_147 : i32
      %add3A_222 = arith.constant 5 : i32
      %add3A_223 = arith.addi %mul3A_221, %add3A_222 : i32
      %dma_start3A_224 = arith.constant 0 : i32
      %dma_start3A_225 = tpu.memref_slice %arg4[%add3A_223, %dma_start3A_224] : memref<80x128xi32, #tpu.memory_space<vmem>> -> memref<1x128xi32, #tpu.memory_space<vmem>>
      %dma_start3A_226 = tpu.memref_squeeze %dma_start3A_225 : memref<1x128xi32, #tpu.memory_space<vmem>> -> memref<128xi32, #tpu.memory_space<vmem>>
      %dma_start3A_227 = arith.constant 0 : i32
      %dma_start3A_228 = tpu.memref_slice %arg7[%dma_start3A_227] : memref<10240xf32, #tpu.memory_space<vmem_shared>> -> memref<10240xf32, #tpu.memory_space<vmem_shared>>
      tpu.enqueue_indirect_dma source(%arg5 : memref<128xf32, #tpu.memory_space<vmem>>) target(%dma_start3A_228 : memref<10240xf32, #tpu.memory_space<vmem_shared>>) offsets(%dma_start3A_226 : memref<128xi32, #tpu.memory_space<vmem>>) semaphore(%arg13 : memref<!tpu.dma_semaphore, #tpu.memory_space<semaphore_mem>>) {add = true}
    }
    %scan3A_19 = arith.constant 13 : i32
    %dma_wait3A = arith.constant 0 : i32
    %dma_wait3A_20 = arith.constant 0 : i32
    %dma_wait3A_21 = arith.constant 0 : i32
    %dma_wait3A_22 = tpu.memref_slice %arg4[%dma_wait3A_20, %dma_wait3A_21] : memref<80x128xi32, #tpu.memory_space<vmem>> -> memref<1x128xi32, #tpu.memory_space<vmem>>
    %dma_wait3A_23 = tpu.memref_squeeze %dma_wait3A_22 : memref<1x128xi32, #tpu.memory_space<vmem>> -> memref<128xi32, #tpu.memory_space<vmem>>
    %dma_wait3A_24 = arith.constant 0 : i32
    %dma_wait3A_25 = tpu.memref_slice %arg2[%add3A, %dma_wait3A, %dma_wait3A_24] : memref<32x80x128xi32, #tpu.memory_space<hbm>> -> memref<1x1x128xi32, #tpu.memory_space<hbm>>
    %dma_wait3A_26 = tpu.memref_squeeze %dma_wait3A_25 : memref<1x1x128xi32, #tpu.memory_space<hbm>> -> memref<128xi32, #tpu.memory_space<hbm>>
    %dma_wait3A_27 = arith.constant 0 : i32
    %dma_wait3A_28 = tpu.memref_slice %arg4[%dma_wait3A_20, %dma_wait3A_27] : memref<80x128xi32, #tpu.memory_space<vmem>> -> memref<1x128xi32, #tpu.memory_space<vmem>>
    %dma_wait3A_29 = tpu.memref_squeeze %dma_wait3A_28 : memref<1x128xi32, #tpu.memory_space<vmem>> -> memref<128xi32, #tpu.memory_space<vmem>>
    %dma_wait3A_30 = arith.constant 0 : i32
    %dma_wait3A_31 = tpu.memref_slice %arg2[%add3A, %dma_wait3A, %dma_wait3A_30] : memref<32x80x128xi32, #tpu.memory_space<hbm>> -> memref<1x1x128xi32, #tpu.memory_space<hbm>>
    %dma_wait3A_32 = tpu.memref_squeeze %dma_wait3A_31 : memref<1x1x128xi32, #tpu.memory_space<hbm>> -> memref<128xi32, #tpu.memory_space<hbm>>
    tpu.wait_dma2 semaphore(%arg8 : memref<!tpu.dma_semaphore, #tpu.memory_space<semaphore_mem>>) src(%dma_wait3A_32 : memref<128xi32, #tpu.memory_space<hbm>>) dst(%dma_wait3A_29 : memref<128xi32, #tpu.memory_space<vmem>>)
    %dma_start3A = arith.constant 78 : i32
    %dma_start3A_33 = arith.constant 0 : i32
    %dma_start3A_34 = tpu.memref_slice %arg4[%dma_start3A, %dma_start3A_33] : memref<80x128xi32, #tpu.memory_space<vmem>> -> memref<1x128xi32, #tpu.memory_space<vmem>>
    %dma_start3A_35 = tpu.memref_squeeze %dma_start3A_34 : memref<1x128xi32, #tpu.memory_space<vmem>> -> memref<128xi32, #tpu.memory_space<vmem>>
    %dma_start3A_36 = arith.constant 0 : i32
    %dma_start3A_37 = tpu.memref_slice %arg7[%dma_start3A_36] : memref<10240xf32, #tpu.memory_space<vmem_shared>> -> memref<10240xf32, #tpu.memory_space<vmem_shared>>
    tpu.enqueue_indirect_dma source(%arg5 : memref<128xf32, #tpu.memory_space<vmem>>) target(%dma_start3A_37 : memref<10240xf32, #tpu.memory_space<vmem_shared>>) offsets(%dma_start3A_35 : memref<128xi32, #tpu.memory_space<vmem>>) semaphore(%arg8 : memref<!tpu.dma_semaphore, #tpu.memory_space<semaphore_mem>>) {add = true}
    %dma_wait3A_38 = arith.constant 0 : i32
    %dma_wait3A_39 = arith.constant 0 : i32
    %dma_wait3A_40 = arith.constant 0 : i32
    %dma_wait3A_41 = tpu.memref_slice %arg4[%dma_wait3A_39, %dma_wait3A_40] : memref<80x128xi32, #tpu.memory_space<vmem>> -> memref<1x128xi32, #tpu.memory_space<vmem>>
    %dma_wait3A_42 = tpu.memref_squeeze %dma_wait3A_41 : memref<1x128xi32, #tpu.memory_space<vmem>> -> memref<128xi32, #tpu.memory_space<vmem>>
    %dma_wait3A_43 = arith.constant 0 : i32
    %dma_wait3A_44 = tpu.memref_slice %arg2[%add3A, %dma_wait3A_38, %dma_wait3A_43] : memref<32x80x128xi32, #tpu.memory_space<hbm>> -> memref<1x1x128xi32, #tpu.memory_space<hbm>>
    %dma_wait3A_45 = tpu.memref_squeeze %dma_wait3A_44 : memref<1x1x128xi32, #tpu.memory_space<hbm>> -> memref<128xi32, #tpu.memory_space<hbm>>
    %dma_wait3A_46 = arith.constant 0 : i32
    %dma_wait3A_47 = tpu.memref_slice %arg4[%dma_wait3A_39, %dma_wait3A_46] : memref<80x128xi32, #tpu.memory_space<vmem>> -> memref<1x128xi32, #tpu.memory_space<vmem>>
    %dma_wait3A_48 = tpu.memref_squeeze %dma_wait3A_47 : memref<1x128xi32, #tpu.memory_space<vmem>> -> memref<128xi32, #tpu.memory_space<vmem>>
    %dma_wait3A_49 = arith.constant 0 : i32
    %dma_wait3A_50 = tpu.memref_slice %arg2[%add3A, %dma_wait3A_38, %dma_wait3A_49] : memref<32x80x128xi32, #tpu.memory_space<hbm>> -> memref<1x1x128xi32, #tpu.memory_space<hbm>>
    %dma_wait3A_51 = tpu.memref_squeeze %dma_wait3A_50 : memref<1x1x128xi32, #tpu.memory_space<hbm>> -> memref<128xi32, #tpu.memory_space<hbm>>
    tpu.wait_dma2 semaphore(%arg9 : memref<!tpu.dma_semaphore, #tpu.memory_space<semaphore_mem>>) src(%dma_wait3A_51 : memref<128xi32, #tpu.memory_space<hbm>>) dst(%dma_wait3A_48 : memref<128xi32, #tpu.memory_space<vmem>>)
    %dma_start3A_52 = arith.constant 79 : i32
    %dma_start3A_53 = arith.constant 0 : i32
    %dma_start3A_54 = tpu.memref_slice %arg4[%dma_start3A_52, %dma_start3A_53] : memref<80x128xi32, #tpu.memory_space<vmem>> -> memref<1x128xi32, #tpu.memory_space<vmem>>
    %dma_start3A_55 = tpu.memref_squeeze %dma_start3A_54 : memref<1x128xi32, #tpu.memory_space<vmem>> -> memref<128xi32, #tpu.memory_space<vmem>>
    %dma_start3A_56 = arith.constant 0 : i32
    %dma_start3A_57 = tpu.memref_slice %arg7[%dma_start3A_56] : memref<10240xf32, #tpu.memory_space<vmem_shared>> -> memref<10240xf32, #tpu.memory_space<vmem_shared>>
    tpu.enqueue_indirect_dma source(%arg5 : memref<128xf32, #tpu.memory_space<vmem>>) target(%dma_start3A_57 : memref<10240xf32, #tpu.memory_space<vmem_shared>>) offsets(%dma_start3A_55 : memref<128xi32, #tpu.memory_space<vmem>>) semaphore(%arg9 : memref<!tpu.dma_semaphore, #tpu.memory_space<semaphore_mem>>) {add = true}
    %dma_wait3A_58 = arith.constant 0 : i32
    %dma_wait3A_59 = arith.constant 0 : i32
    %dma_wait3A_60 = arith.constant 0 : i32
    %dma_wait3A_61 = tpu.memref_slice %arg4[%dma_wait3A_59, %dma_wait3A_60] : memref<80x128xi32, #tpu.memory_space<vmem>> -> memref<1x128xi32, #tpu.memory_space<vmem>>
    %dma_wait3A_62 = tpu.memref_squeeze %dma_wait3A_61 : memref<1x128xi32, #tpu.memory_space<vmem>> -> memref<128xi32, #tpu.memory_space<vmem>>
    %dma_wait3A_63 = arith.constant 0 : i32
    %dma_wait3A_64 = tpu.memref_slice %arg2[%add3A, %dma_wait3A_58, %dma_wait3A_63] : memref<32x80x128xi32, #tpu.memory_space<hbm>> -> memref<1x1x128xi32, #tpu.memory_space<hbm>>
    %dma_wait3A_65 = tpu.memref_squeeze %dma_wait3A_64 : memref<1x1x128xi32, #tpu.memory_space<hbm>> -> memref<128xi32, #tpu.memory_space<hbm>>
    %dma_wait3A_66 = arith.constant 0 : i32
    %dma_wait3A_67 = tpu.memref_slice %arg4[%dma_wait3A_59, %dma_wait3A_66] : memref<80x128xi32, #tpu.memory_space<vmem>> -> memref<1x128xi32, #tpu.memory_space<vmem>>
    %dma_wait3A_68 = tpu.memref_squeeze %dma_wait3A_67 : memref<1x128xi32, #tpu.memory_space<vmem>> -> memref<128xi32, #tpu.memory_space<vmem>>
    %dma_wait3A_69 = arith.constant 0 : i32
    %dma_wait3A_70 = tpu.memref_slice %arg2[%add3A, %dma_wait3A_58, %dma_wait3A_69] : memref<32x80x128xi32, #tpu.memory_space<hbm>> -> memref<1x1x128xi32, #tpu.memory_space<hbm>>
    %dma_wait3A_71 = tpu.memref_squeeze %dma_wait3A_70 : memref<1x1x128xi32, #tpu.memory_space<hbm>> -> memref<128xi32, #tpu.memory_space<hbm>>
    tpu.wait_dma2 semaphore(%arg8 : memref<!tpu.dma_semaphore, #tpu.memory_space<semaphore_mem>>) src(%dma_wait3A_71 : memref<128xi32, #tpu.memory_space<hbm>>) dst(%dma_wait3A_68 : memref<128xi32, #tpu.memory_space<vmem>>)
    %dma_wait3A_72 = arith.constant 0 : i32
    %dma_wait3A_73 = arith.constant 0 : i32
    %dma_wait3A_74 = arith.constant 0 : i32
    %dma_wait3A_75 = tpu.memref_slice %arg4[%dma_wait3A_73, %dma_wait3A_74] : memref<80x128xi32, #tpu.memory_space<vmem>> -> memref<1x128xi32, #tpu.memory_space<vmem>>
    %dma_wait3A_76 = tpu.memref_squeeze %dma_wait3A_75 : memref<1x128xi32, #tpu.memory_space<vmem>> -> memref<128xi32, #tpu.memory_space<vmem>>
    %dma_wait3A_77 = arith.constant 0 : i32
    %dma_wait3A_78 = tpu.memref_slice %arg2[%add3A, %dma_wait3A_72, %dma_wait3A_77] : memref<32x80x128xi32, #tpu.memory_space<hbm>> -> memref<1x1x128xi32, #tpu.memory_space<hbm>>
    %dma_wait3A_79 = tpu.memref_squeeze %dma_wait3A_78 : memref<1x1x128xi32, #tpu.memory_space<hbm>> -> memref<128xi32, #tpu.memory_space<hbm>>
    %dma_wait3A_80 = arith.constant 0 : i32
    %dma_wait3A_81 = tpu.memref_slice %arg4[%dma_wait3A_73, %dma_wait3A_80] : memref<80x128xi32, #tpu.memory_space<vmem>> -> memref<1x128xi32, #tpu.memory_space<vmem>>
    %dma_wait3A_82 = tpu.memref_squeeze %dma_wait3A_81 : memref<1x128xi32, #tpu.memory_space<vmem>> -> memref<128xi32, #tpu.memory_space<vmem>>
    %dma_wait3A_83 = arith.constant 0 : i32
    %dma_wait3A_84 = tpu.memref_slice %arg2[%add3A, %dma_wait3A_72, %dma_wait3A_83] : memref<32x80x128xi32, #tpu.memory_space<hbm>> -> memref<1x1x128xi32, #tpu.memory_space<hbm>>
    %dma_wait3A_85 = tpu.memref_squeeze %dma_wait3A_84 : memref<1x1x128xi32, #tpu.memory_space<hbm>> -> memref<128xi32, #tpu.memory_space<hbm>>
    tpu.wait_dma2 semaphore(%arg9 : memref<!tpu.dma_semaphore, #tpu.memory_space<semaphore_mem>>) src(%dma_wait3A_85 : memref<128xi32, #tpu.memory_space<hbm>>) dst(%dma_wait3A_82 : memref<128xi32, #tpu.memory_space<vmem>>)
    %dma_wait3A_86 = arith.constant 0 : i32
    %dma_wait3A_87 = arith.constant 0 : i32
    %dma_wait3A_88 = arith.constant 0 : i32
    %dma_wait3A_89 = tpu.memref_slice %arg4[%dma_wait3A_87, %dma_wait3A_88] : memref<80x128xi32, #tpu.memory_space<vmem>> -> memref<1x128xi32, #tpu.memory_space<vmem>>
    %dma_wait3A_90 = tpu.memref_squeeze %dma_wait3A_89 : memref<1x128xi32, #tpu.memory_space<vmem>> -> memref<128xi32, #tpu.memory_space<vmem>>
    %dma_wait3A_91 = arith.constant 0 : i32
    %dma_wait3A_92 = tpu.memref_slice %arg2[%add3A, %dma_wait3A_86, %dma_wait3A_91] : memref<32x80x128xi32, #tpu.memory_space<hbm>> -> memref<1x1x128xi32, #tpu.memory_space<hbm>>
    %dma_wait3A_93 = tpu.memref_squeeze %dma_wait3A_92 : memref<1x1x128xi32, #tpu.memory_space<hbm>> -> memref<128xi32, #tpu.memory_space<hbm>>
    %dma_wait3A_94 = arith.constant 0 : i32
    %dma_wait3A_95 = tpu.memref_slice %arg4[%dma_wait3A_87, %dma_wait3A_94] : memref<80x128xi32, #tpu.memory_space<vmem>> -> memref<1x128xi32, #tpu.memory_space<vmem>>
    %dma_wait3A_96 = tpu.memref_squeeze %dma_wait3A_95 : memref<1x128xi32, #tpu.memory_space<vmem>> -> memref<128xi32, #tpu.memory_space<vmem>>
    %dma_wait3A_97 = arith.constant 0 : i32
    %dma_wait3A_98 = tpu.memref_slice %arg2[%add3A, %dma_wait3A_86, %dma_wait3A_97] : memref<32x80x128xi32, #tpu.memory_space<hbm>> -> memref<1x1x128xi32, #tpu.memory_space<hbm>>
    %dma_wait3A_99 = tpu.memref_squeeze %dma_wait3A_98 : memref<1x1x128xi32, #tpu.memory_space<hbm>> -> memref<128xi32, #tpu.memory_space<hbm>>
    tpu.wait_dma2 semaphore(%arg10 : memref<!tpu.dma_semaphore, #tpu.memory_space<semaphore_mem>>) src(%dma_wait3A_99 : memref<128xi32, #tpu.memory_space<hbm>>) dst(%dma_wait3A_96 : memref<128xi32, #tpu.memory_space<vmem>>)
    %dma_wait3A_100 = arith.constant 0 : i32
    %dma_wait3A_101 = arith.constant 0 : i32
    %dma_wait3A_102 = arith.constant 0 : i32
    %dma_wait3A_103 = tpu.memref_slice %arg4[%dma_wait3A_101, %dma_wait3A_102] : memref<80x128xi32, #tpu.memory_space<vmem>> -> memref<1x128xi32, #tpu.memory_space<vmem>>
    %dma_wait3A_104 = tpu.memref_squeeze %dma_wait3A_103 : memref<1x128xi32, #tpu.memory_space<vmem>> -> memref<128xi32, #tpu.memory_space<vmem>>
    %dma_wait3A_105 = arith.constant 0 : i32
    %dma_wait3A_106 = tpu.memref_slice %arg2[%add3A, %dma_wait3A_100, %dma_wait3A_105] : memref<32x80x128xi32, #tpu.memory_space<hbm>> -> memref<1x1x128xi32, #tpu.memory_space<hbm>>
    %dma_wait3A_107 = tpu.memref_squeeze %dma_wait3A_106 : memref<1x1x128xi32, #tpu.memory_space<hbm>> -> memref<128xi32, #tpu.memory_space<hbm>>
    %dma_wait3A_108 = arith.constant 0 : i32
    %dma_wait3A_109 = tpu.memref_slice %arg4[%dma_wait3A_101, %dma_wait3A_108] : memref<80x128xi32, #tpu.memory_space<vmem>> -> memref<1x128xi32, #tpu.memory_space<vmem>>
    %dma_wait3A_110 = tpu.memref_squeeze %dma_wait3A_109 : memref<1x128xi32, #tpu.memory_space<vmem>> -> memref<128xi32, #tpu.memory_space<vmem>>
    %dma_wait3A_111 = arith.constant 0 : i32
    %dma_wait3A_112 = tpu.memref_slice %arg2[%add3A, %dma_wait3A_100, %dma_wait3A_111] : memref<32x80x128xi32, #tpu.memory_space<hbm>> -> memref<1x1x128xi32, #tpu.memory_space<hbm>>
    %dma_wait3A_113 = tpu.memref_squeeze %dma_wait3A_112 : memref<1x1x128xi32, #tpu.memory_space<hbm>> -> memref<128xi32, #tpu.memory_space<hbm>>
    tpu.wait_dma2 semaphore(%arg11 : memref<!tpu.dma_semaphore, #tpu.memory_space<semaphore_mem>>) src(%dma_wait3A_113 : memref<128xi32, #tpu.memory_space<hbm>>) dst(%dma_wait3A_110 : memref<128xi32, #tpu.memory_space<vmem>>)
    %dma_wait3A_114 = arith.constant 0 : i32
    %dma_wait3A_115 = arith.constant 0 : i32
    %dma_wait3A_116 = arith.constant 0 : i32
    %dma_wait3A_117 = tpu.memref_slice %arg4[%dma_wait3A_115, %dma_wait3A_116] : memref<80x128xi32, #tpu.memory_space<vmem>> -> memref<1x128xi32, #tpu.memory_space<vmem>>
    %dma_wait3A_118 = tpu.memref_squeeze %dma_wait3A_117 : memref<1x128xi32, #tpu.memory_space<vmem>> -> memref<128xi32, #tpu.memory_space<vmem>>
    %dma_wait3A_119 = arith.constant 0 : i32
    %dma_wait3A_120 = tpu.memref_slice %arg2[%add3A, %dma_wait3A_114, %dma_wait3A_119] : memref<32x80x128xi32, #tpu.memory_space<hbm>> -> memref<1x1x128xi32, #tpu.memory_space<hbm>>
    %dma_wait3A_121 = tpu.memref_squeeze %dma_wait3A_120 : memref<1x1x128xi32, #tpu.memory_space<hbm>> -> memref<128xi32, #tpu.memory_space<hbm>>
    %dma_wait3A_122 = arith.constant 0 : i32
    %dma_wait3A_123 = tpu.memref_slice %arg4[%dma_wait3A_115, %dma_wait3A_122] : memref<80x128xi32, #tpu.memory_space<vmem>> -> memref<1x128xi32, #tpu.memory_space<vmem>>
    %dma_wait3A_124 = tpu.memref_squeeze %dma_wait3A_123 : memref<1x128xi32, #tpu.memory_space<vmem>> -> memref<128xi32, #tpu.memory_space<vmem>>
    %dma_wait3A_125 = arith.constant 0 : i32
    %dma_wait3A_126 = tpu.memref_slice %arg2[%add3A, %dma_wait3A_114, %dma_wait3A_125] : memref<32x80x128xi32, #tpu.memory_space<hbm>> -> memref<1x1x128xi32, #tpu.memory_space<hbm>>
    %dma_wait3A_127 = tpu.memref_squeeze %dma_wait3A_126 : memref<1x1x128xi32, #tpu.memory_space<hbm>> -> memref<128xi32, #tpu.memory_space<hbm>>
    tpu.wait_dma2 semaphore(%arg12 : memref<!tpu.dma_semaphore, #tpu.memory_space<semaphore_mem>>) src(%dma_wait3A_127 : memref<128xi32, #tpu.memory_space<hbm>>) dst(%dma_wait3A_124 : memref<128xi32, #tpu.memory_space<vmem>>)
    %dma_wait3A_128 = arith.constant 0 : i32
    %dma_wait3A_129 = arith.constant 0 : i32
    %dma_wait3A_130 = arith.constant 0 : i32
    %dma_wait3A_131 = tpu.memref_slice %arg4[%dma_wait3A_129, %dma_wait3A_130] : memref<80x128xi32, #tpu.memory_space<vmem>> -> memref<1x128xi32, #tpu.memory_space<vmem>>
    %dma_wait3A_132 = tpu.memref_squeeze %dma_wait3A_131 : memref<1x128xi32, #tpu.memory_space<vmem>> -> memref<128xi32, #tpu.memory_space<vmem>>
    %dma_wait3A_133 = arith.constant 0 : i32
    %dma_wait3A_134 = tpu.memref_slice %arg2[%add3A, %dma_wait3A_128, %dma_wait3A_133] : memref<32x80x128xi32, #tpu.memory_space<hbm>> -> memref<1x1x128xi32, #tpu.memory_space<hbm>>
    %dma_wait3A_135 = tpu.memref_squeeze %dma_wait3A_134 : memref<1x1x128xi32, #tpu.memory_space<hbm>> -> memref<128xi32, #tpu.memory_space<hbm>>
    %dma_wait3A_136 = arith.constant 0 : i32
    %dma_wait3A_137 = tpu.memref_slice %arg4[%dma_wait3A_129, %dma_wait3A_136] : memref<80x128xi32, #tpu.memory_space<vmem>> -> memref<1x128xi32, #tpu.memory_space<vmem>>
    %dma_wait3A_138 = tpu.memref_squeeze %dma_wait3A_137 : memref<1x128xi32, #tpu.memory_space<vmem>> -> memref<128xi32, #tpu.memory_space<vmem>>
    %dma_wait3A_139 = arith.constant 0 : i32
    %dma_wait3A_140 = tpu.memref_slice %arg2[%add3A, %dma_wait3A_128, %dma_wait3A_139] : memref<32x80x128xi32, #tpu.memory_space<hbm>> -> memref<1x1x128xi32, #tpu.memory_space<hbm>>
    %dma_wait3A_141 = tpu.memref_squeeze %dma_wait3A_140 : memref<1x1x128xi32, #tpu.memory_space<hbm>> -> memref<128xi32, #tpu.memory_space<hbm>>
    tpu.wait_dma2 semaphore(%arg13 : memref<!tpu.dma_semaphore, #tpu.memory_space<semaphore_mem>>) src(%dma_wait3A_141 : memref<128xi32, #tpu.memory_space<hbm>>) dst(%dma_wait3A_138 : memref<128xi32, #tpu.memory_space<vmem>>)
    %barrier3A_142 = arith.constant 0 : index
    tpu.barrier barrier_id(%barrier3A_142)
    %mul3A_143 = arith.constant 640 : i32
    %mul3A_144 = arith.muli %arg1, %mul3A_143 : i32
    %mul3A_145 = arith.constant 640 : i32
    %mul3A_146 = arith.muli %arg1, %mul3A_145 : i32
    "tpu.region"() ({
      %run_scoped3A = tpu.sem_alloc : memref<!tpu.dma_semaphore, #tpu.memory_space<semaphore_mem>>
      %dma_start3A_147 = tpu.memref_slice %arg3[%arg0, %mul3A_146] : memref<2x10240xf32, #tpu.memory_space<hbm>> -> memref<1x640xf32, #tpu.memory_space<hbm>>
      %dma_start3A_148 = tpu.memref_squeeze %dma_start3A_147 : memref<1x640xf32, #tpu.memory_space<hbm>> -> memref<640xf32, #tpu.memory_space<hbm>>
      %dma_start3A_149 = tpu.memref_slice %arg7[%mul3A_144] : memref<10240xf32, #tpu.memory_space<vmem_shared>> -> memref<640xf32, #tpu.memory_space<vmem_shared>>
      tpu.enqueue_dma source(%dma_start3A_149 : memref<640xf32, #tpu.memory_space<vmem_shared>>) target(%dma_start3A_148 : memref<640xf32, #tpu.memory_space<hbm>>) target_semaphore(%run_scoped3A : memref<!tpu.dma_semaphore, #tpu.memory_space<semaphore_mem>>)
      %dma_wait3A_150 = tpu.memref_slice %arg3[%arg0, %mul3A_146] : memref<2x10240xf32, #tpu.memory_space<hbm>> -> memref<1x640xf32, #tpu.memory_space<hbm>>
      %dma_wait3A_151 = tpu.memref_squeeze %dma_wait3A_150 : memref<1x640xf32, #tpu.memory_space<hbm>> -> memref<640xf32, #tpu.memory_space<hbm>>
      %dma_wait3A_152 = tpu.memref_slice %arg7[%mul3A_144] : memref<10240xf32, #tpu.memory_space<vmem_shared>> -> memref<640xf32, #tpu.memory_space<vmem_shared>>
      tpu.wait_dma2 semaphore(%run_scoped3A : memref<!tpu.dma_semaphore, #tpu.memory_space<semaphore_mem>>) src(%dma_wait3A_152 : memref<640xf32, #tpu.memory_space<vmem_shared>>) dst(%dma_wait3A_151 : memref<640xf32, #tpu.memory_space<hbm>>)
      tpu.yield
    }) : () -> ()
    return
  }
}

#map = affine_map<(d0, d1) -> (0, 0)>
#map1 = affine_map<(d0, d1) -> (0, 0, 0)>
module attributes {stable_mosaic.version = 14 : i64} {
  func.func @_agg_body(%arg0: i32, %arg1: i32, %arg2: memref<10240x64xf32, #tpu.memory_space<hbm>>, %arg3: memref<32x80x128xi32, #tpu.memory_space<hbm>>, %arg4: memref<32x80x128xi32, #tpu.memory_space<hbm>>, %arg5: memref<2x10240x64xf32, #tpu.memory_space<hbm>>, %arg6: memref<80x128xi32, #tpu.memory_space<vmem>>, %arg7: memref<80x128xi32, #tpu.memory_space<vmem>>, %arg8: memref<128x64xf32, #tpu.memory_space<vmem>>, %arg9: memref<128x64xf32, #tpu.memory_space<vmem>>, %arg10: memref<128x64xf32, #tpu.memory_space<vmem>>, %arg11: memref<128x64xf32, #tpu.memory_space<vmem>>, %arg12: memref<128x64xf32, #tpu.memory_space<vmem>>, %arg13: memref<128x64xf32, #tpu.memory_space<vmem>>, %arg14: memref<128x64xf32, #tpu.memory_space<vmem>>, %arg15: memref<128x64xf32, #tpu.memory_space<vmem>>, %arg16: memref<10240x64xf32, #tpu.memory_space<vmem_shared>>, %arg17: memref<!tpu.dma_semaphore, #tpu.memory_space<semaphore_mem>>, %arg18: memref<!tpu.dma_semaphore, #tpu.memory_space<semaphore_mem>>, %arg19: memref<!tpu.dma_semaphore, #tpu.memory_space<semaphore_mem>>, %arg20: memref<!tpu.dma_semaphore, #tpu.memory_space<semaphore_mem>>, %arg21: memref<!tpu.dma_semaphore, #tpu.memory_space<semaphore_mem>>, %arg22: memref<!tpu.dma_semaphore, #tpu.memory_space<semaphore_mem>>, %arg23: memref<!tpu.dma_semaphore, #tpu.memory_space<semaphore_mem>>, %arg24: memref<!tpu.dma_semaphore, #tpu.memory_space<semaphore_mem>>, %arg25: memref<!tpu.dma_semaphore, #tpu.memory_space<semaphore_mem>>, %arg26: memref<!tpu.dma_semaphore, #tpu.memory_space<semaphore_mem>>, %arg27: memref<!tpu.dma_semaphore, #tpu.memory_space<semaphore_mem>>, %arg28: memref<!tpu.dma_semaphore, #tpu.memory_space<semaphore_mem>>, %arg29: memref<!tpu.dma_semaphore, #tpu.memory_space<semaphore_mem>>, %arg30: memref<!tpu.dma_semaphore, #tpu.memory_space<semaphore_mem>>, %arg31: memref<!tpu.dma_semaphore, #tpu.memory_space<semaphore_mem>>, %arg32: memref<!tpu.dma_semaphore, #tpu.memory_space<semaphore_mem>>) attributes {dimension_semantics = [#tpu.dimension_semantics<core_parallel>, #tpu.dimension_semantics<subcore_parallel>], iteration_bounds = array<i64: 2, 16>, scalar_prefetch = 0 : i64, scratch_operands = 27 : i64, tpu.core_type = #tpu.core_type<sc_vector_subcore>, window_params = [{transform_indices = #map}, {transform_indices = #map1}, {transform_indices = #map1}, {transform_indices = #map1}]} {
    %mul3A = arith.constant 16 : i32
    %mul3A_0 = arith.muli %arg0, %mul3A : i32
    %add3A = arith.addi %mul3A_0, %arg1 : i32
    %scan3A = arith.constant 0 : i32
    %scan3A_1 = arith.constant 0 : i32
    %scan3A_2 = arith.constant 128 : i32
    %scan3A_3 = arith.addi %scan3A_1, %scan3A_2 : i32
    %scan3A_4 = arith.constant 1 : i32
    scf.for %scan3A_125 = %scan3A_1 to %scan3A_3 step %scan3A_4  : i32 {
      %scan3A_126 = arith.constant 0 : i32
      %scan3A_127 = arith.constant 4 : i32
      %scan3A_128 = arith.addi %scan3A_126, %scan3A_127 : i32
      %scan3A_129 = arith.constant 1 : i32
      scf.for %scan3A_131 = %scan3A_126 to %scan3A_128 step %scan3A_129  : i32 {
        %broadcast_in_dim3A = arith.constant 0.000000e+00 : f32
        %broadcast_in_dim3A_132 = vector.broadcast %broadcast_in_dim3A : f32 to vector<16xf32>
        %mul3A_133 = arith.constant 16 : i32
        %mul3A_134 = arith.muli %scan3A_131, %mul3A_133 : i32
        %swap3A = arith.index_cast %scan3A_125 : i32 to index
        %swap3A_135 = arith.index_cast %mul3A_134 : i32 to index
        %swap3A_136 = tpu.vector_load %arg8[%swap3A, %swap3A_135] {strides = array<i32>} : memref<128x64xf32, #tpu.memory_space<vmem>>, vector<1x16xf32>,
        %swap3A_137 = vector.shape_cast %swap3A_136 : vector<1x16xf32> to vector<16xf32>
        %swap3A_138 = vector.shape_cast %broadcast_in_dim3A_132 : vector<16xf32> to vector<1x16xf32>
        tpu.vector_store %arg8[%swap3A, %swap3A_135], %swap3A_138 {strides = array<i32>} : memref<128x64xf32, #tpu.memory_space<vmem>>, vector<1x16xf32>,
      }
      %scan3A_130 = arith.constant 4 : i32
    }
    %scan3A_5 = arith.constant 128 : i32
    %scan3A_6 = arith.constant 0 : i32
    %scan3A_7 = arith.constant 0 : i32
    %scan3A_8 = arith.constant 5 : i32
    %scan3A_9 = arith.addi %scan3A_7, %scan3A_8 : i32
    %scan3A_10 = arith.constant 1 : i32
    scf.for %scan3A_125 = %scan3A_7 to %scan3A_9 step %scan3A_10  : i32 {
      %mul3A_126 = arith.constant 640 : i32
      %mul3A_127 = arith.muli %arg1, %mul3A_126 : i32
      %mul3A_128 = arith.constant 128 : i32
      %mul3A_129 = arith.muli %scan3A_125, %mul3A_128 : i32
      %add3A_130 = arith.addi %mul3A_127, %mul3A_129 : i32
      "tpu.region"() ({
        %run_scoped3A = tpu.sem_alloc : memref<!tpu.dma_semaphore, #tpu.memory_space<semaphore_mem>>
        %dma_start3A_131 = arith.constant 0 : i32
        %dma_start3A_132 = tpu.memref_slice %arg16[%add3A_130, %dma_start3A_131] : memref<10240x64xf32, #tpu.memory_space<vmem_shared>> -> memref<128x64xf32, #tpu.memory_space<vmem_shared>>
        %dma_start3A_133 = arith.constant 0 : i32
        %dma_start3A_134 = tpu.memref_slice %arg16[%add3A_130, %dma_start3A_133] : memref<10240x64xf32, #tpu.memory_space<vmem_shared>> -> memref<128x64xf32, #tpu.memory_space<vmem_shared>>
        tpu.enqueue_dma source(%arg8 : memref<128x64xf32, #tpu.memory_space<vmem>>) target(%dma_start3A_134 : memref<128x64xf32, #tpu.memory_space<vmem_shared>>) target_semaphore(%run_scoped3A : memref<!tpu.dma_semaphore, #tpu.memory_space<semaphore_mem>>)
        %dma_wait3A_135 = arith.constant 0 : i32
        %dma_wait3A_136 = tpu.memref_slice %arg16[%add3A_130, %dma_wait3A_135] : memref<10240x64xf32, #tpu.memory_space<vmem_shared>> -> memref<128x64xf32, #tpu.memory_space<vmem_shared>>
        %dma_wait3A_137 = arith.constant 0 : i32
        %dma_wait3A_138 = tpu.memref_slice %arg16[%add3A_130, %dma_wait3A_137] : memref<10240x64xf32, #tpu.memory_space<vmem_shared>> -> memref<128x64xf32, #tpu.memory_space<vmem_shared>>
        tpu.wait_dma2 semaphore(%run_scoped3A : memref<!tpu.dma_semaphore, #tpu.memory_space<semaphore_mem>>) src(%arg8 : memref<128x64xf32, #tpu.memory_space<vmem>>) dst(%dma_wait3A_138 : memref<128x64xf32, #tpu.memory_space<vmem_shared>>)
        tpu.yield
      }) : () -> ()
    }
    %scan3A_11 = arith.constant 5 : i32
    "tpu.region"() ({
      %run_scoped3A = tpu.sem_alloc : memref<!tpu.dma_semaphore, #tpu.memory_space<semaphore_mem>>
      %dma_start3A_125 = arith.constant 0 : i32
      %dma_start3A_126 = arith.constant 0 : i32
      %dma_start3A_127 = tpu.memref_slice %arg3[%add3A, %dma_start3A_125, %dma_start3A_126] : memref<32x80x128xi32, #tpu.memory_space<hbm>> -> memref<1x80x128xi32, #tpu.memory_space<hbm>>
      %dma_start3A_128 = tpu.memref_squeeze %dma_start3A_127 : memref<1x80x128xi32, #tpu.memory_space<hbm>> -> memref<80x128xi32, #tpu.memory_space<hbm>>
      %dma_start3A_129 = arith.constant 0 : i32
      %dma_start3A_130 = arith.constant 0 : i32
      %dma_start3A_131 = tpu.memref_slice %arg3[%add3A, %dma_start3A_129, %dma_start3A_130] : memref<32x80x128xi32, #tpu.memory_space<hbm>> -> memref<1x80x128xi32, #tpu.memory_space<hbm>>
      %dma_start3A_132 = tpu.memref_squeeze %dma_start3A_131 : memref<1x80x128xi32, #tpu.memory_space<hbm>> -> memref<80x128xi32, #tpu.memory_space<hbm>>
      tpu.enqueue_dma source(%dma_start3A_132 : memref<80x128xi32, #tpu.memory_space<hbm>>) target(%arg6 : memref<80x128xi32, #tpu.memory_space<vmem>>) target_semaphore(%run_scoped3A : memref<!tpu.dma_semaphore, #tpu.memory_space<semaphore_mem>>)
      %dma_wait3A_133 = arith.constant 0 : i32
      %dma_wait3A_134 = arith.constant 0 : i32
      %dma_wait3A_135 = tpu.memref_slice %arg3[%add3A, %dma_wait3A_133, %dma_wait3A_134] : memref<32x80x128xi32, #tpu.memory_space<hbm>> -> memref<1x80x128xi32, #tpu.memory_space<hbm>>
      %dma_wait3A_136 = tpu.memref_squeeze %dma_wait3A_135 : memref<1x80x128xi32, #tpu.memory_space<hbm>> -> memref<80x128xi32, #tpu.memory_space<hbm>>
      %dma_wait3A_137 = arith.constant 0 : i32
      %dma_wait3A_138 = arith.constant 0 : i32
      %dma_wait3A_139 = tpu.memref_slice %arg3[%add3A, %dma_wait3A_137, %dma_wait3A_138] : memref<32x80x128xi32, #tpu.memory_space<hbm>> -> memref<1x80x128xi32, #tpu.memory_space<hbm>>
      %dma_wait3A_140 = tpu.memref_squeeze %dma_wait3A_139 : memref<1x80x128xi32, #tpu.memory_space<hbm>> -> memref<80x128xi32, #tpu.memory_space<hbm>>
      tpu.wait_dma2 semaphore(%run_scoped3A : memref<!tpu.dma_semaphore, #tpu.memory_space<semaphore_mem>>) src(%dma_wait3A_140 : memref<80x128xi32, #tpu.memory_space<hbm>>) dst(%arg6 : memref<80x128xi32, #tpu.memory_space<vmem>>)
      tpu.yield
    }) : () -> ()
    "tpu.region"() ({
      %run_scoped3A = tpu.sem_alloc : memref<!tpu.dma_semaphore, #tpu.memory_space<semaphore_mem>>
      %dma_start3A_125 = arith.constant 0 : i32
      %dma_start3A_126 = arith.constant 0 : i32
      %dma_start3A_127 = tpu.memref_slice %arg4[%add3A, %dma_start3A_125, %dma_start3A_126] : memref<32x80x128xi32, #tpu.memory_space<hbm>> -> memref<1x80x128xi32, #tpu.memory_space<hbm>>
      %dma_start3A_128 = tpu.memref_squeeze %dma_start3A_127 : memref<1x80x128xi32, #tpu.memory_space<hbm>> -> memref<80x128xi32, #tpu.memory_space<hbm>>
      %dma_start3A_129 = arith.constant 0 : i32
      %dma_start3A_130 = arith.constant 0 : i32
      %dma_start3A_131 = tpu.memref_slice %arg4[%add3A, %dma_start3A_129, %dma_start3A_130] : memref<32x80x128xi32, #tpu.memory_space<hbm>> -> memref<1x80x128xi32, #tpu.memory_space<hbm>>
      %dma_start3A_132 = tpu.memref_squeeze %dma_start3A_131 : memref<1x80x128xi32, #tpu.memory_space<hbm>> -> memref<80x128xi32, #tpu.memory_space<hbm>>
      tpu.enqueue_dma source(%dma_start3A_132 : memref<80x128xi32, #tpu.memory_space<hbm>>) target(%arg7 : memref<80x128xi32, #tpu.memory_space<vmem>>) target_semaphore(%run_scoped3A : memref<!tpu.dma_semaphore, #tpu.memory_space<semaphore_mem>>)
      %dma_wait3A_133 = arith.constant 0 : i32
      %dma_wait3A_134 = arith.constant 0 : i32
      %dma_wait3A_135 = tpu.memref_slice %arg4[%add3A, %dma_wait3A_133, %dma_wait3A_134] : memref<32x80x128xi32, #tpu.memory_space<hbm>> -> memref<1x80x128xi32, #tpu.memory_space<hbm>>
      %dma_wait3A_136 = tpu.memref_squeeze %dma_wait3A_135 : memref<1x80x128xi32, #tpu.memory_space<hbm>> -> memref<80x128xi32, #tpu.memory_space<hbm>>
      %dma_wait3A_137 = arith.constant 0 : i32
      %dma_wait3A_138 = arith.constant 0 : i32
      %dma_wait3A_139 = tpu.memref_slice %arg4[%add3A, %dma_wait3A_137, %dma_wait3A_138] : memref<32x80x128xi32, #tpu.memory_space<hbm>> -> memref<1x80x128xi32, #tpu.memory_space<hbm>>
      %dma_wait3A_140 = tpu.memref_squeeze %dma_wait3A_139 : memref<1x80x128xi32, #tpu.memory_space<hbm>> -> memref<80x128xi32, #tpu.memory_space<hbm>>
      tpu.wait_dma2 semaphore(%run_scoped3A : memref<!tpu.dma_semaphore, #tpu.memory_space<semaphore_mem>>) src(%dma_wait3A_140 : memref<80x128xi32, #tpu.memory_space<hbm>>) dst(%arg7 : memref<80x128xi32, #tpu.memory_space<vmem>>)
      tpu.yield
    }) : () -> ()
    %barrier3A = arith.constant 0 : index
    tpu.barrier barrier_id(%barrier3A)
    %dma_start3A = arith.constant 0 : i32
    %dma_start3A_12 = arith.constant 0 : i32
    %dma_start3A_13 = tpu.memref_slice %arg6[%dma_start3A, %dma_start3A_12] : memref<80x128xi32, #tpu.memory_space<vmem>> -> memref<1x128xi32, #tpu.memory_space<vmem>>
    %dma_start3A_14 = tpu.memref_squeeze %dma_start3A_13 : memref<1x128xi32, #tpu.memory_space<vmem>> -> memref<128xi32, #tpu.memory_space<vmem>>
    %dma_start3A_15 = arith.constant 0 : i32
    %dma_start3A_16 = arith.constant 0 : i32
    %dma_start3A_17 = tpu.memref_slice %arg2[%dma_start3A_15, %dma_start3A_16] : memref<10240x64xf32, #tpu.memory_space<hbm>> -> memref<10240x64xf32, #tpu.memory_space<hbm>>
    tpu.enqueue_indirect_dma source(%dma_start3A_17 : memref<10240x64xf32, #tpu.memory_space<hbm>>) target(%arg8 : memref<128x64xf32, #tpu.memory_space<vmem>>) offsets(%dma_start3A_14 : memref<128xi32, #tpu.memory_space<vmem>>) semaphore(%arg17 : memref<!tpu.dma_semaphore, #tpu.memory_space<semaphore_mem>>)
    %dma_start3A_18 = arith.constant 1 : i32
    %dma_start3A_19 = arith.constant 0 : i32
    %dma_start3A_20 = tpu.memref_slice %arg6[%dma_start3A_18, %dma_start3A_19] : memref<80x128xi32, #tpu.memory_space<vmem>> -> memref<1x128xi32, #tpu.memory_space<vmem>>
    %dma_start3A_21 = tpu.memref_squeeze %dma_start3A_20 : memref<1x128xi32, #tpu.memory_space<vmem>> -> memref<128xi32, #tpu.memory_space<vmem>>
    %dma_start3A_22 = arith.constant 0 : i32
    %dma_start3A_23 = arith.constant 0 : i32
    %dma_start3A_24 = tpu.memref_slice %arg2[%dma_start3A_22, %dma_start3A_23] : memref<10240x64xf32, #tpu.memory_space<hbm>> -> memref<10240x64xf32, #tpu.memory_space<hbm>>
    tpu.enqueue_indirect_dma source(%dma_start3A_24 : memref<10240x64xf32, #tpu.memory_space<hbm>>) target(%arg9 : memref<128x64xf32, #tpu.memory_space<vmem>>) offsets(%dma_start3A_21 : memref<128xi32, #tpu.memory_space<vmem>>) semaphore(%arg18 : memref<!tpu.dma_semaphore, #tpu.memory_space<semaphore_mem>>)
    %dma_start3A_25 = arith.constant 2 : i32
    %dma_start3A_26 = arith.constant 0 : i32
    %dma_start3A_27 = tpu.memref_slice %arg6[%dma_start3A_25, %dma_start3A_26] : memref<80x128xi32, #tpu.memory_space<vmem>> -> memref<1x128xi32, #tpu.memory_space<vmem>>
    %dma_start3A_28 = tpu.memref_squeeze %dma_start3A_27 : memref<1x128xi32, #tpu.memory_space<vmem>> -> memref<128xi32, #tpu.memory_space<vmem>>
    %dma_start3A_29 = arith.constant 0 : i32
    %dma_start3A_30 = arith.constant 0 : i32
    %dma_start3A_31 = tpu.memref_slice %arg2[%dma_start3A_29, %dma_start3A_30] : memref<10240x64xf32, #tpu.memory_space<hbm>> -> memref<10240x64xf32, #tpu.memory_space<hbm>>
    tpu.enqueue_indirect_dma source(%dma_start3A_31 : memref<10240x64xf32, #tpu.memory_space<hbm>>) target(%arg10 : memref<128x64xf32, #tpu.memory_space<vmem>>) offsets(%dma_start3A_28 : memref<128xi32, #tpu.memory_space<vmem>>) semaphore(%arg19 : memref<!tpu.dma_semaphore, #tpu.memory_space<semaphore_mem>>)
    %dma_start3A_32 = arith.constant 3 : i32
    %dma_start3A_33 = arith.constant 0 : i32
    %dma_start3A_34 = tpu.memref_slice %arg6[%dma_start3A_32, %dma_start3A_33] : memref<80x128xi32, #tpu.memory_space<vmem>> -> memref<1x128xi32, #tpu.memory_space<vmem>>
    %dma_start3A_35 = tpu.memref_squeeze %dma_start3A_34 : memref<1x128xi32, #tpu.memory_space<vmem>> -> memref<128xi32, #tpu.memory_space<vmem>>
    %dma_start3A_36 = arith.constant 0 : i32
    %dma_start3A_37 = arith.constant 0 : i32
    %dma_start3A_38 = tpu.memref_slice %arg2[%dma_start3A_36, %dma_start3A_37] : memref<10240x64xf32, #tpu.memory_space<hbm>> -> memref<10240x64xf32, #tpu.memory_space<hbm>>
    tpu.enqueue_indirect_dma source(%dma_start3A_38 : memref<10240x64xf32, #tpu.memory_space<hbm>>) target(%arg11 : memref<128x64xf32, #tpu.memory_space<vmem>>) offsets(%dma_start3A_35 : memref<128xi32, #tpu.memory_space<vmem>>) semaphore(%arg20 : memref<!tpu.dma_semaphore, #tpu.memory_space<semaphore_mem>>)
    %dma_start3A_39 = arith.constant 4 : i32
    %dma_start3A_40 = arith.constant 0 : i32
    %dma_start3A_41 = tpu.memref_slice %arg6[%dma_start3A_39, %dma_start3A_40] : memref<80x128xi32, #tpu.memory_space<vmem>> -> memref<1x128xi32, #tpu.memory_space<vmem>>
    %dma_start3A_42 = tpu.memref_squeeze %dma_start3A_41 : memref<1x128xi32, #tpu.memory_space<vmem>> -> memref<128xi32, #tpu.memory_space<vmem>>
    %dma_start3A_43 = arith.constant 0 : i32
    %dma_start3A_44 = arith.constant 0 : i32
    %dma_start3A_45 = tpu.memref_slice %arg2[%dma_start3A_43, %dma_start3A_44] : memref<10240x64xf32, #tpu.memory_space<hbm>> -> memref<10240x64xf32, #tpu.memory_space<hbm>>
    tpu.enqueue_indirect_dma source(%dma_start3A_45 : memref<10240x64xf32, #tpu.memory_space<hbm>>) target(%arg12 : memref<128x64xf32, #tpu.memory_space<vmem>>) offsets(%dma_start3A_42 : memref<128xi32, #tpu.memory_space<vmem>>) semaphore(%arg21 : memref<!tpu.dma_semaphore, #tpu.memory_space<semaphore_mem>>)
    %dma_start3A_46 = arith.constant 5 : i32
    %dma_start3A_47 = arith.constant 0 : i32
    %dma_start3A_48 = tpu.memref_slice %arg6[%dma_start3A_46, %dma_start3A_47] : memref<80x128xi32, #tpu.memory_space<vmem>> -> memref<1x128xi32, #tpu.memory_space<vmem>>
    %dma_start3A_49 = tpu.memref_squeeze %dma_start3A_48 : memref<1x128xi32, #tpu.memory_space<vmem>> -> memref<128xi32, #tpu.memory_space<vmem>>
    %dma_start3A_50 = arith.constant 0 : i32
    %dma_start3A_51 = arith.constant 0 : i32
    %dma_start3A_52 = tpu.memref_slice %arg2[%dma_start3A_50, %dma_start3A_51] : memref<10240x64xf32, #tpu.memory_space<hbm>> -> memref<10240x64xf32, #tpu.memory_space<hbm>>
    tpu.enqueue_indirect_dma source(%dma_start3A_52 : memref<10240x64xf32, #tpu.memory_space<hbm>>) target(%arg13 : memref<128x64xf32, #tpu.memory_space<vmem>>) offsets(%dma_start3A_49 : memref<128xi32, #tpu.memory_space<vmem>>) semaphore(%arg22 : memref<!tpu.dma_semaphore, #tpu.memory_space<semaphore_mem>>)
    %dma_start3A_53 = arith.constant 6 : i32
    %dma_start3A_54 = arith.constant 0 : i32
    %dma_start3A_55 = tpu.memref_slice %arg6[%dma_start3A_53, %dma_start3A_54] : memref<80x128xi32, #tpu.memory_space<vmem>> -> memref<1x128xi32, #tpu.memory_space<vmem>>
    %dma_start3A_56 = tpu.memref_squeeze %dma_start3A_55 : memref<1x128xi32, #tpu.memory_space<vmem>> -> memref<128xi32, #tpu.memory_space<vmem>>
    %dma_start3A_57 = arith.constant 0 : i32
    %dma_start3A_58 = arith.constant 0 : i32
    %dma_start3A_59 = tpu.memref_slice %arg2[%dma_start3A_57, %dma_start3A_58] : memref<10240x64xf32, #tpu.memory_space<hbm>> -> memref<10240x64xf32, #tpu.memory_space<hbm>>
    tpu.enqueue_indirect_dma source(%dma_start3A_59 : memref<10240x64xf32, #tpu.memory_space<hbm>>) target(%arg14 : memref<128x64xf32, #tpu.memory_space<vmem>>) offsets(%dma_start3A_56 : memref<128xi32, #tpu.memory_space<vmem>>) semaphore(%arg23 : memref<!tpu.dma_semaphore, #tpu.memory_space<semaphore_mem>>)
    %dma_start3A_60 = arith.constant 7 : i32
    %dma_start3A_61 = arith.constant 0 : i32
    %dma_start3A_62 = tpu.memref_slice %arg6[%dma_start3A_60, %dma_start3A_61] : memref<80x128xi32, #tpu.memory_space<vmem>> -> memref<1x128xi32, #tpu.memory_space<vmem>>
    %dma_start3A_63 = tpu.memref_squeeze %dma_start3A_62 : memref<1x128xi32, #tpu.memory_space<vmem>> -> memref<128xi32, #tpu.memory_space<vmem>>
    %dma_start3A_64 = arith.constant 0 : i32
    %dma_start3A_65 = arith.constant 0 : i32
    %dma_start3A_66 = tpu.memref_slice %arg2[%dma_start3A_64, %dma_start3A_65] : memref<10240x64xf32, #tpu.memory_space<hbm>> -> memref<10240x64xf32, #tpu.memory_space<hbm>>
    tpu.enqueue_indirect_dma source(%dma_start3A_66 : memref<10240x64xf32, #tpu.memory_space<hbm>>) target(%arg15 : memref<128x64xf32, #tpu.memory_space<vmem>>) offsets(%dma_start3A_63 : memref<128xi32, #tpu.memory_space<vmem>>) semaphore(%arg24 : memref<!tpu.dma_semaphore, #tpu.memory_space<semaphore_mem>>)
    %scan3A_67 = arith.constant 0 : i32
    %scan3A_68 = arith.constant 0 : i32
    %scan3A_69 = arith.constant 10 : i32
    %scan3A_70 = arith.addi %scan3A_68, %scan3A_69 : i32
    %scan3A_71 = arith.constant 1 : i32
    scf.for %scan3A_125 = %scan3A_68 to %scan3A_70 step %scan3A_71  : i32 {
      %mul3A_126 = arith.constant 8 : i32
      %mul3A_127 = arith.muli %mul3A_126, %scan3A_125 : i32
      %add3A_128 = arith.constant 0 : i32
      %add3A_129 = arith.addi %mul3A_127, %add3A_128 : i32
      %dma_wait3A_130 = arith.constant 0 : i32
      %dma_wait3A_131 = tpu.memref_slice %arg6[%add3A_129, %dma_wait3A_130] : memref<80x128xi32, #tpu.memory_space<vmem>> -> memref<1x128xi32, #tpu.memory_space<vmem>>
      %dma_wait3A_132 = tpu.memref_squeeze %dma_wait3A_131 : memref<1x128xi32, #tpu.memory_space<vmem>> -> memref<128xi32, #tpu.memory_space<vmem>>
      %dma_wait3A_133 = arith.constant 0 : i32
      %dma_wait3A_134 = arith.constant 0 : i32
      %dma_wait3A_135 = tpu.memref_slice %arg2[%dma_wait3A_133, %dma_wait3A_134] : memref<10240x64xf32, #tpu.memory_space<hbm>> -> memref<10240x64xf32, #tpu.memory_space<hbm>>
      tpu.wait_indirect_dma semaphore(%arg17 : memref<!tpu.dma_semaphore, #tpu.memory_space<semaphore_mem>>) src(%dma_wait3A_135 : memref<10240x64xf32, #tpu.memory_space<hbm>>) dst(%arg8 : memref<128x64xf32, #tpu.memory_space<vmem>>)
      %add3A_136 = arith.constant 0 : i32
      %add3A_137 = arith.addi %mul3A_127, %add3A_136 : i32
      %dma_start3A_138 = arith.constant 0 : i32
      %dma_start3A_139 = tpu.memref_slice %arg7[%add3A_137, %dma_start3A_138] : memref<80x128xi32, #tpu.memory_space<vmem>> -> memref<1x128xi32, #tpu.memory_space<vmem>>
      %dma_start3A_140 = tpu.memref_squeeze %dma_start3A_139 : memref<1x128xi32, #tpu.memory_space<vmem>> -> memref<128xi32, #tpu.memory_space<vmem>>
      %dma_start3A_141 = arith.constant 0 : i32
      %dma_start3A_142 = arith.constant 0 : i32
      %dma_start3A_143 = tpu.memref_slice %arg16[%dma_start3A_141, %dma_start3A_142] : memref<10240x64xf32, #tpu.memory_space<vmem_shared>> -> memref<10240x64xf32, #tpu.memory_space<vmem_shared>>
      tpu.enqueue_indirect_dma source(%arg8 : memref<128x64xf32, #tpu.memory_space<vmem>>) target(%dma_start3A_143 : memref<10240x64xf32, #tpu.memory_space<vmem_shared>>) offsets(%dma_start3A_140 : memref<128xi32, #tpu.memory_space<vmem>>) semaphore(%arg25 : memref<!tpu.dma_semaphore, #tpu.memory_space<semaphore_mem>>) {add = true}
      %add3A_144 = arith.constant 1 : i32
      %add3A_145 = arith.addi %mul3A_127, %add3A_144 : i32
      %dma_wait3A_146 = arith.constant 0 : i32
      %dma_wait3A_147 = tpu.memref_slice %arg6[%add3A_145, %dma_wait3A_146] : memref<80x128xi32, #tpu.memory_space<vmem>> -> memref<1x128xi32, #tpu.memory_space<vmem>>
      %dma_wait3A_148 = tpu.memref_squeeze %dma_wait3A_147 : memref<1x128xi32, #tpu.memory_space<vmem>> -> memref<128xi32, #tpu.memory_space<vmem>>
      %dma_wait3A_149 = arith.constant 0 : i32
      %dma_wait3A_150 = arith.constant 0 : i32
      %dma_wait3A_151 = tpu.memref_slice %arg2[%dma_wait3A_149, %dma_wait3A_150] : memref<10240x64xf32, #tpu.memory_space<hbm>> -> memref<10240x64xf32, #tpu.memory_space<hbm>>
      tpu.wait_indirect_dma semaphore(%arg18 : memref<!tpu.dma_semaphore, #tpu.memory_space<semaphore_mem>>) src(%dma_wait3A_151 : memref<10240x64xf32, #tpu.memory_space<hbm>>) dst(%arg9 : memref<128x64xf32, #tpu.memory_space<vmem>>)
      %add3A_152 = arith.constant 1 : i32
      %add3A_153 = arith.addi %mul3A_127, %add3A_152 : i32
      %dma_start3A_154 = arith.constant 0 : i32
      %dma_start3A_155 = tpu.memref_slice %arg7[%add3A_153, %dma_start3A_154] : memref<80x128xi32, #tpu.memory_space<vmem>> -> memref<1x128xi32, #tpu.memory_space<vmem>>
      %dma_start3A_156 = tpu.memref_squeeze %dma_start3A_155 : memref<1x128xi32, #tpu.memory_space<vmem>> -> memref<128xi32, #tpu.memory_space<vmem>>
      %dma_start3A_157 = arith.constant 0 : i32
      %dma_start3A_158 = arith.constant 0 : i32
      %dma_start3A_159 = tpu.memref_slice %arg16[%dma_start3A_157, %dma_start3A_158] : memref<10240x64xf32, #tpu.memory_space<vmem_shared>> -> memref<10240x64xf32, #tpu.memory_space<vmem_shared>>
      tpu.enqueue_indirect_dma source(%arg9 : memref<128x64xf32, #tpu.memory_space<vmem>>) target(%dma_start3A_159 : memref<10240x64xf32, #tpu.memory_space<vmem_shared>>) offsets(%dma_start3A_156 : memref<128xi32, #tpu.memory_space<vmem>>) semaphore(%arg26 : memref<!tpu.dma_semaphore, #tpu.memory_space<semaphore_mem>>) {add = true}
      %add3A_160 = arith.constant 2 : i32
      %add3A_161 = arith.addi %mul3A_127, %add3A_160 : i32
      %dma_wait3A_162 = arith.constant 0 : i32
      %dma_wait3A_163 = tpu.memref_slice %arg6[%add3A_161, %dma_wait3A_162] : memref<80x128xi32, #tpu.memory_space<vmem>> -> memref<1x128xi32, #tpu.memory_space<vmem>>
      %dma_wait3A_164 = tpu.memref_squeeze %dma_wait3A_163 : memref<1x128xi32, #tpu.memory_space<vmem>> -> memref<128xi32, #tpu.memory_space<vmem>>
      %dma_wait3A_165 = arith.constant 0 : i32
      %dma_wait3A_166 = arith.constant 0 : i32
      %dma_wait3A_167 = tpu.memref_slice %arg2[%dma_wait3A_165, %dma_wait3A_166] : memref<10240x64xf32, #tpu.memory_space<hbm>> -> memref<10240x64xf32, #tpu.memory_space<hbm>>
      tpu.wait_indirect_dma semaphore(%arg19 : memref<!tpu.dma_semaphore, #tpu.memory_space<semaphore_mem>>) src(%dma_wait3A_167 : memref<10240x64xf32, #tpu.memory_space<hbm>>) dst(%arg10 : memref<128x64xf32, #tpu.memory_space<vmem>>)
      %add3A_168 = arith.constant 2 : i32
      %add3A_169 = arith.addi %mul3A_127, %add3A_168 : i32
      %dma_start3A_170 = arith.constant 0 : i32
      %dma_start3A_171 = tpu.memref_slice %arg7[%add3A_169, %dma_start3A_170] : memref<80x128xi32, #tpu.memory_space<vmem>> -> memref<1x128xi32, #tpu.memory_space<vmem>>
      %dma_start3A_172 = tpu.memref_squeeze %dma_start3A_171 : memref<1x128xi32, #tpu.memory_space<vmem>> -> memref<128xi32, #tpu.memory_space<vmem>>
      %dma_start3A_173 = arith.constant 0 : i32
      %dma_start3A_174 = arith.constant 0 : i32
      %dma_start3A_175 = tpu.memref_slice %arg16[%dma_start3A_173, %dma_start3A_174] : memref<10240x64xf32, #tpu.memory_space<vmem_shared>> -> memref<10240x64xf32, #tpu.memory_space<vmem_shared>>
      tpu.enqueue_indirect_dma source(%arg10 : memref<128x64xf32, #tpu.memory_space<vmem>>) target(%dma_start3A_175 : memref<10240x64xf32, #tpu.memory_space<vmem_shared>>) offsets(%dma_start3A_172 : memref<128xi32, #tpu.memory_space<vmem>>) semaphore(%arg27 : memref<!tpu.dma_semaphore, #tpu.memory_space<semaphore_mem>>) {add = true}
      %add3A_176 = arith.constant 3 : i32
      %add3A_177 = arith.addi %mul3A_127, %add3A_176 : i32
      %dma_wait3A_178 = arith.constant 0 : i32
      %dma_wait3A_179 = tpu.memref_slice %arg6[%add3A_177, %dma_wait3A_178] : memref<80x128xi32, #tpu.memory_space<vmem>> -> memref<1x128xi32, #tpu.memory_space<vmem>>
      %dma_wait3A_180 = tpu.memref_squeeze %dma_wait3A_179 : memref<1x128xi32, #tpu.memory_space<vmem>> -> memref<128xi32, #tpu.memory_space<vmem>>
      %dma_wait3A_181 = arith.constant 0 : i32
      %dma_wait3A_182 = arith.constant 0 : i32
      %dma_wait3A_183 = tpu.memref_slice %arg2[%dma_wait3A_181, %dma_wait3A_182] : memref<10240x64xf32, #tpu.memory_space<hbm>> -> memref<10240x64xf32, #tpu.memory_space<hbm>>
      tpu.wait_indirect_dma semaphore(%arg20 : memref<!tpu.dma_semaphore, #tpu.memory_space<semaphore_mem>>) src(%dma_wait3A_183 : memref<10240x64xf32, #tpu.memory_space<hbm>>) dst(%arg11 : memref<128x64xf32, #tpu.memory_space<vmem>>)
      %add3A_184 = arith.constant 3 : i32
      %add3A_185 = arith.addi %mul3A_127, %add3A_184 : i32
      %dma_start3A_186 = arith.constant 0 : i32
      %dma_start3A_187 = tpu.memref_slice %arg7[%add3A_185, %dma_start3A_186] : memref<80x128xi32, #tpu.memory_space<vmem>> -> memref<1x128xi32, #tpu.memory_space<vmem>>
      %dma_start3A_188 = tpu.memref_squeeze %dma_start3A_187 : memref<1x128xi32, #tpu.memory_space<vmem>> -> memref<128xi32, #tpu.memory_space<vmem>>
      %dma_start3A_189 = arith.constant 0 : i32
      %dma_start3A_190 = arith.constant 0 : i32
      %dma_start3A_191 = tpu.memref_slice %arg16[%dma_start3A_189, %dma_start3A_190] : memref<10240x64xf32, #tpu.memory_space<vmem_shared>> -> memref<10240x64xf32, #tpu.memory_space<vmem_shared>>
      tpu.enqueue_indirect_dma source(%arg11 : memref<128x64xf32, #tpu.memory_space<vmem>>) target(%dma_start3A_191 : memref<10240x64xf32, #tpu.memory_space<vmem_shared>>) offsets(%dma_start3A_188 : memref<128xi32, #tpu.memory_space<vmem>>) semaphore(%arg28 : memref<!tpu.dma_semaphore, #tpu.memory_space<semaphore_mem>>) {add = true}
      %add3A_192 = arith.constant 4 : i32
      %add3A_193 = arith.addi %mul3A_127, %add3A_192 : i32
      %dma_wait3A_194 = arith.constant 0 : i32
      %dma_wait3A_195 = tpu.memref_slice %arg6[%add3A_193, %dma_wait3A_194] : memref<80x128xi32, #tpu.memory_space<vmem>> -> memref<1x128xi32, #tpu.memory_space<vmem>>
      %dma_wait3A_196 = tpu.memref_squeeze %dma_wait3A_195 : memref<1x128xi32, #tpu.memory_space<vmem>> -> memref<128xi32, #tpu.memory_space<vmem>>
      %dma_wait3A_197 = arith.constant 0 : i32
      %dma_wait3A_198 = arith.constant 0 : i32
      %dma_wait3A_199 = tpu.memref_slice %arg2[%dma_wait3A_197, %dma_wait3A_198] : memref<10240x64xf32, #tpu.memory_space<hbm>> -> memref<10240x64xf32, #tpu.memory_space<hbm>>
      tpu.wait_indirect_dma semaphore(%arg21 : memref<!tpu.dma_semaphore, #tpu.memory_space<semaphore_mem>>) src(%dma_wait3A_199 : memref<10240x64xf32, #tpu.memory_space<hbm>>) dst(%arg12 : memref<128x64xf32, #tpu.memory_space<vmem>>)
      %add3A_200 = arith.constant 4 : i32
      %add3A_201 = arith.addi %mul3A_127, %add3A_200 : i32
      %dma_start3A_202 = arith.constant 0 : i32
      %dma_start3A_203 = tpu.memref_slice %arg7[%add3A_201, %dma_start3A_202] : memref<80x128xi32, #tpu.memory_space<vmem>> -> memref<1x128xi32, #tpu.memory_space<vmem>>
      %dma_start3A_204 = tpu.memref_squeeze %dma_start3A_203 : memref<1x128xi32, #tpu.memory_space<vmem>> -> memref<128xi32, #tpu.memory_space<vmem>>
      %dma_start3A_205 = arith.constant 0 : i32
      %dma_start3A_206 = arith.constant 0 : i32
      %dma_start3A_207 = tpu.memref_slice %arg16[%dma_start3A_205, %dma_start3A_206] : memref<10240x64xf32, #tpu.memory_space<vmem_shared>> -> memref<10240x64xf32, #tpu.memory_space<vmem_shared>>
      tpu.enqueue_indirect_dma source(%arg12 : memref<128x64xf32, #tpu.memory_space<vmem>>) target(%dma_start3A_207 : memref<10240x64xf32, #tpu.memory_space<vmem_shared>>) offsets(%dma_start3A_204 : memref<128xi32, #tpu.memory_space<vmem>>) semaphore(%arg29 : memref<!tpu.dma_semaphore, #tpu.memory_space<semaphore_mem>>) {add = true}
      %add3A_208 = arith.constant 5 : i32
      %add3A_209 = arith.addi %mul3A_127, %add3A_208 : i32
      %dma_wait3A_210 = arith.constant 0 : i32
      %dma_wait3A_211 = tpu.memref_slice %arg6[%add3A_209, %dma_wait3A_210] : memref<80x128xi32, #tpu.memory_space<vmem>> -> memref<1x128xi32, #tpu.memory_space<vmem>>
      %dma_wait3A_212 = tpu.memref_squeeze %dma_wait3A_211 : memref<1x128xi32, #tpu.memory_space<vmem>> -> memref<128xi32, #tpu.memory_space<vmem>>
      %dma_wait3A_213 = arith.constant 0 : i32
      %dma_wait3A_214 = arith.constant 0 : i32
      %dma_wait3A_215 = tpu.memref_slice %arg2[%dma_wait3A_213, %dma_wait3A_214] : memref<10240x64xf32, #tpu.memory_space<hbm>> -> memref<10240x64xf32, #tpu.memory_space<hbm>>
      tpu.wait_indirect_dma semaphore(%arg22 : memref<!tpu.dma_semaphore, #tpu.memory_space<semaphore_mem>>) src(%dma_wait3A_215 : memref<10240x64xf32, #tpu.memory_space<hbm>>) dst(%arg13 : memref<128x64xf32, #tpu.memory_space<vmem>>)
      %add3A_216 = arith.constant 5 : i32
      %add3A_217 = arith.addi %mul3A_127, %add3A_216 : i32
      %dma_start3A_218 = arith.constant 0 : i32
      %dma_start3A_219 = tpu.memref_slice %arg7[%add3A_217, %dma_start3A_218] : memref<80x128xi32, #tpu.memory_space<vmem>> -> memref<1x128xi32, #tpu.memory_space<vmem>>
      %dma_start3A_220 = tpu.memref_squeeze %dma_start3A_219 : memref<1x128xi32, #tpu.memory_space<vmem>> -> memref<128xi32, #tpu.memory_space<vmem>>
      %dma_start3A_221 = arith.constant 0 : i32
      %dma_start3A_222 = arith.constant 0 : i32
      %dma_start3A_223 = tpu.memref_slice %arg16[%dma_start3A_221, %dma_start3A_222] : memref<10240x64xf32, #tpu.memory_space<vmem_shared>> -> memref<10240x64xf32, #tpu.memory_space<vmem_shared>>
      tpu.enqueue_indirect_dma source(%arg13 : memref<128x64xf32, #tpu.memory_space<vmem>>) target(%dma_start3A_223 : memref<10240x64xf32, #tpu.memory_space<vmem_shared>>) offsets(%dma_start3A_220 : memref<128xi32, #tpu.memory_space<vmem>>) semaphore(%arg30 : memref<!tpu.dma_semaphore, #tpu.memory_space<semaphore_mem>>) {add = true}
      %add3A_224 = arith.constant 6 : i32
      %add3A_225 = arith.addi %mul3A_127, %add3A_224 : i32
      %dma_wait3A_226 = arith.constant 0 : i32
      %dma_wait3A_227 = tpu.memref_slice %arg6[%add3A_225, %dma_wait3A_226] : memref<80x128xi32, #tpu.memory_space<vmem>> -> memref<1x128xi32, #tpu.memory_space<vmem>>
      %dma_wait3A_228 = tpu.memref_squeeze %dma_wait3A_227 : memref<1x128xi32, #tpu.memory_space<vmem>> -> memref<128xi32, #tpu.memory_space<vmem>>
      %dma_wait3A_229 = arith.constant 0 : i32
      %dma_wait3A_230 = arith.constant 0 : i32
      %dma_wait3A_231 = tpu.memref_slice %arg2[%dma_wait3A_229, %dma_wait3A_230] : memref<10240x64xf32, #tpu.memory_space<hbm>> -> memref<10240x64xf32, #tpu.memory_space<hbm>>
      tpu.wait_indirect_dma semaphore(%arg23 : memref<!tpu.dma_semaphore, #tpu.memory_space<semaphore_mem>>) src(%dma_wait3A_231 : memref<10240x64xf32, #tpu.memory_space<hbm>>) dst(%arg14 : memref<128x64xf32, #tpu.memory_space<vmem>>)
      %add3A_232 = arith.constant 6 : i32
      %add3A_233 = arith.addi %mul3A_127, %add3A_232 : i32
      %dma_start3A_234 = arith.constant 0 : i32
      %dma_start3A_235 = tpu.memref_slice %arg7[%add3A_233, %dma_start3A_234] : memref<80x128xi32, #tpu.memory_space<vmem>> -> memref<1x128xi32, #tpu.memory_space<vmem>>
      %dma_start3A_236 = tpu.memref_squeeze %dma_start3A_235 : memref<1x128xi32, #tpu.memory_space<vmem>> -> memref<128xi32, #tpu.memory_space<vmem>>
      %dma_start3A_237 = arith.constant 0 : i32
      %dma_start3A_238 = arith.constant 0 : i32
      %dma_start3A_239 = tpu.memref_slice %arg16[%dma_start3A_237, %dma_start3A_238] : memref<10240x64xf32, #tpu.memory_space<vmem_shared>> -> memref<10240x64xf32, #tpu.memory_space<vmem_shared>>
      tpu.enqueue_indirect_dma source(%arg14 : memref<128x64xf32, #tpu.memory_space<vmem>>) target(%dma_start3A_239 : memref<10240x64xf32, #tpu.memory_space<vmem_shared>>) offsets(%dma_start3A_236 : memref<128xi32, #tpu.memory_space<vmem>>) semaphore(%arg31 : memref<!tpu.dma_semaphore, #tpu.memory_space<semaphore_mem>>) {add = true}
      %add3A_240 = arith.constant 7 : i32
      %add3A_241 = arith.addi %mul3A_127, %add3A_240 : i32
      %dma_wait3A_242 = arith.constant 0 : i32
      %dma_wait3A_243 = tpu.memref_slice %arg6[%add3A_241, %dma_wait3A_242] : memref<80x128xi32, #tpu.memory_space<vmem>> -> memref<1x128xi32, #tpu.memory_space<vmem>>
      %dma_wait3A_244 = tpu.memref_squeeze %dma_wait3A_243 : memref<1x128xi32, #tpu.memory_space<vmem>> -> memref<128xi32, #tpu.memory_space<vmem>>
      %dma_wait3A_245 = arith.constant 0 : i32
      %dma_wait3A_246 = arith.constant 0 : i32
      %dma_wait3A_247 = tpu.memref_slice %arg2[%dma_wait3A_245, %dma_wait3A_246] : memref<10240x64xf32, #tpu.memory_space<hbm>> -> memref<10240x64xf32, #tpu.memory_space<hbm>>
      tpu.wait_indirect_dma semaphore(%arg24 : memref<!tpu.dma_semaphore, #tpu.memory_space<semaphore_mem>>) src(%dma_wait3A_247 : memref<10240x64xf32, #tpu.memory_space<hbm>>) dst(%arg15 : memref<128x64xf32, #tpu.memory_space<vmem>>)
      %add3A_248 = arith.constant 7 : i32
      %add3A_249 = arith.addi %mul3A_127, %add3A_248 : i32
      %dma_start3A_250 = arith.constant 0 : i32
      %dma_start3A_251 = tpu.memref_slice %arg7[%add3A_249, %dma_start3A_250] : memref<80x128xi32, #tpu.memory_space<vmem>> -> memref<1x128xi32, #tpu.memory_space<vmem>>
      %dma_start3A_252 = tpu.memref_squeeze %dma_start3A_251 : memref<1x128xi32, #tpu.memory_space<vmem>> -> memref<128xi32, #tpu.memory_space<vmem>>
      %dma_start3A_253 = arith.constant 0 : i32
      %dma_start3A_254 = arith.constant 0 : i32
      %dma_start3A_255 = tpu.memref_slice %arg16[%dma_start3A_253, %dma_start3A_254] : memref<10240x64xf32, #tpu.memory_space<vmem_shared>> -> memref<10240x64xf32, #tpu.memory_space<vmem_shared>>
      tpu.enqueue_indirect_dma source(%arg15 : memref<128x64xf32, #tpu.memory_space<vmem>>) target(%dma_start3A_255 : memref<10240x64xf32, #tpu.memory_space<vmem_shared>>) offsets(%dma_start3A_252 : memref<128xi32, #tpu.memory_space<vmem>>) semaphore(%arg32 : memref<!tpu.dma_semaphore, #tpu.memory_space<semaphore_mem>>) {add = true}
      %add3A_256 = arith.constant 1 : i32
      %add3A_257 = arith.addi %scan3A_125, %add3A_256 : i32
      %lt3A = arith.constant 10 : i32
      %lt3A_258 = arith.cmpi slt, %add3A_257, %lt3A : i32
      %convert_element_type3A = arith.extui %lt3A_258 : i1 to i32
      %cond3A = arith.constant 0 : i32
      %cond3A_259 = arith.cmpi ne, %convert_element_type3A, %cond3A : i32
      scf.if %cond3A_259 {
        %dma_wait3A_260 = arith.constant 0 : i32
        %dma_wait3A_261 = arith.constant 0 : i32
        %dma_wait3A_262 = tpu.memref_slice %arg2[%dma_wait3A_260, %dma_wait3A_261] : memref<10240x64xf32, #tpu.memory_space<hbm>> -> memref<128x64xf32, #tpu.memory_space<hbm>>
        %dma_wait3A_263 = arith.constant 0 : i32
        %dma_wait3A_264 = arith.constant 0 : i32
        %dma_wait3A_265 = tpu.memref_slice %arg2[%dma_wait3A_263, %dma_wait3A_264] : memref<10240x64xf32, #tpu.memory_space<hbm>> -> memref<128x64xf32, #tpu.memory_space<hbm>>
        tpu.wait_dma2 semaphore(%arg25 : memref<!tpu.dma_semaphore, #tpu.memory_space<semaphore_mem>>) src(%dma_wait3A_265 : memref<128x64xf32, #tpu.memory_space<hbm>>) dst(%arg8 : memref<128x64xf32, #tpu.memory_space<vmem>>)
        %add3A_266 = arith.constant 1 : i32
        %add3A_267 = arith.addi %scan3A_125, %add3A_266 : i32
        %mul3A_268 = arith.constant 8 : i32
        %mul3A_269 = arith.muli %mul3A_268, %add3A_267 : i32
        %add3A_270 = arith.constant 0 : i32
        %add3A_271 = arith.addi %mul3A_269, %add3A_270 : i32
        %dma_start3A_272 = arith.constant 0 : i32
        %dma_start3A_273 = tpu.memref_slice %arg6[%add3A_271, %dma_start3A_272] : memref<80x128xi32, #tpu.memory_space<vmem>> -> memref<1x128xi32, #tpu.memory_space<vmem>>
        %dma_start3A_274 = tpu.memref_squeeze %dma_start3A_273 : memref<1x128xi32, #tpu.memory_space<vmem>> -> memref<128xi32, #tpu.memory_space<vmem>>
        %dma_start3A_275 = arith.constant 0 : i32
        %dma_start3A_276 = arith.constant 0 : i32
        %dma_start3A_277 = tpu.memref_slice %arg2[%dma_start3A_275, %dma_start3A_276] : memref<10240x64xf32, #tpu.memory_space<hbm>> -> memref<10240x64xf32, #tpu.memory_space<hbm>>
        tpu.enqueue_indirect_dma source(%dma_start3A_277 : memref<10240x64xf32, #tpu.memory_space<hbm>>) target(%arg8 : memref<128x64xf32, #tpu.memory_space<vmem>>) offsets(%dma_start3A_274 : memref<128xi32, #tpu.memory_space<vmem>>) semaphore(%arg17 : memref<!tpu.dma_semaphore, #tpu.memory_space<semaphore_mem>>)
        %dma_wait3A_278 = arith.constant 0 : i32
        %dma_wait3A_279 = arith.constant 0 : i32
        %dma_wait3A_280 = tpu.memref_slice %arg2[%dma_wait3A_278, %dma_wait3A_279] : memref<10240x64xf32, #tpu.memory_space<hbm>> -> memref<128x64xf32, #tpu.memory_space<hbm>>
        %dma_wait3A_281 = arith.constant 0 : i32
        %dma_wait3A_282 = arith.constant 0 : i32
        %dma_wait3A_283 = tpu.memref_slice %arg2[%dma_wait3A_281, %dma_wait3A_282] : memref<10240x64xf32, #tpu.memory_space<hbm>> -> memref<128x64xf32, #tpu.memory_space<hbm>>
        tpu.wait_dma2 semaphore(%arg26 : memref<!tpu.dma_semaphore, #tpu.memory_space<semaphore_mem>>) src(%dma_wait3A_283 : memref<128x64xf32, #tpu.memory_space<hbm>>) dst(%arg9 : memref<128x64xf32, #tpu.memory_space<vmem>>)
        %add3A_284 = arith.constant 1 : i32
        %add3A_285 = arith.addi %scan3A_125, %add3A_284 : i32
        %mul3A_286 = arith.constant 8 : i32
        %mul3A_287 = arith.muli %mul3A_286, %add3A_285 : i32
        %add3A_288 = arith.constant 1 : i32
        %add3A_289 = arith.addi %mul3A_287, %add3A_288 : i32
        %dma_start3A_290 = arith.constant 0 : i32
        %dma_start3A_291 = tpu.memref_slice %arg6[%add3A_289, %dma_start3A_290] : memref<80x128xi32, #tpu.memory_space<vmem>> -> memref<1x128xi32, #tpu.memory_space<vmem>>
        %dma_start3A_292 = tpu.memref_squeeze %dma_start3A_291 : memref<1x128xi32, #tpu.memory_space<vmem>> -> memref<128xi32, #tpu.memory_space<vmem>>
        %dma_start3A_293 = arith.constant 0 : i32
        %dma_start3A_294 = arith.constant 0 : i32
        %dma_start3A_295 = tpu.memref_slice %arg2[%dma_start3A_293, %dma_start3A_294] : memref<10240x64xf32, #tpu.memory_space<hbm>> -> memref<10240x64xf32, #tpu.memory_space<hbm>>
        tpu.enqueue_indirect_dma source(%dma_start3A_295 : memref<10240x64xf32, #tpu.memory_space<hbm>>) target(%arg9 : memref<128x64xf32, #tpu.memory_space<vmem>>) offsets(%dma_start3A_292 : memref<128xi32, #tpu.memory_space<vmem>>) semaphore(%arg18 : memref<!tpu.dma_semaphore, #tpu.memory_space<semaphore_mem>>)
        %dma_wait3A_296 = arith.constant 0 : i32
        %dma_wait3A_297 = arith.constant 0 : i32
        %dma_wait3A_298 = tpu.memref_slice %arg2[%dma_wait3A_296, %dma_wait3A_297] : memref<10240x64xf32, #tpu.memory_space<hbm>> -> memref<128x64xf32, #tpu.memory_space<hbm>>
        %dma_wait3A_299 = arith.constant 0 : i32
        %dma_wait3A_300 = arith.constant 0 : i32
        %dma_wait3A_301 = tpu.memref_slice %arg2[%dma_wait3A_299, %dma_wait3A_300] : memref<10240x64xf32, #tpu.memory_space<hbm>> -> memref<128x64xf32, #tpu.memory_space<hbm>>
        tpu.wait_dma2 semaphore(%arg27 : memref<!tpu.dma_semaphore, #tpu.memory_space<semaphore_mem>>) src(%dma_wait3A_301 : memref<128x64xf32, #tpu.memory_space<hbm>>) dst(%arg10 : memref<128x64xf32, #tpu.memory_space<vmem>>)
        %add3A_302 = arith.constant 1 : i32
        %add3A_303 = arith.addi %scan3A_125, %add3A_302 : i32
        %mul3A_304 = arith.constant 8 : i32
        %mul3A_305 = arith.muli %mul3A_304, %add3A_303 : i32
        %add3A_306 = arith.constant 2 : i32
        %add3A_307 = arith.addi %mul3A_305, %add3A_306 : i32
        %dma_start3A_308 = arith.constant 0 : i32
        %dma_start3A_309 = tpu.memref_slice %arg6[%add3A_307, %dma_start3A_308] : memref<80x128xi32, #tpu.memory_space<vmem>> -> memref<1x128xi32, #tpu.memory_space<vmem>>
        %dma_start3A_310 = tpu.memref_squeeze %dma_start3A_309 : memref<1x128xi32, #tpu.memory_space<vmem>> -> memref<128xi32, #tpu.memory_space<vmem>>
        %dma_start3A_311 = arith.constant 0 : i32
        %dma_start3A_312 = arith.constant 0 : i32
        %dma_start3A_313 = tpu.memref_slice %arg2[%dma_start3A_311, %dma_start3A_312] : memref<10240x64xf32, #tpu.memory_space<hbm>> -> memref<10240x64xf32, #tpu.memory_space<hbm>>
        tpu.enqueue_indirect_dma source(%dma_start3A_313 : memref<10240x64xf32, #tpu.memory_space<hbm>>) target(%arg10 : memref<128x64xf32, #tpu.memory_space<vmem>>) offsets(%dma_start3A_310 : memref<128xi32, #tpu.memory_space<vmem>>) semaphore(%arg19 : memref<!tpu.dma_semaphore, #tpu.memory_space<semaphore_mem>>)
        %dma_wait3A_314 = arith.constant 0 : i32
        %dma_wait3A_315 = arith.constant 0 : i32
        %dma_wait3A_316 = tpu.memref_slice %arg2[%dma_wait3A_314, %dma_wait3A_315] : memref<10240x64xf32, #tpu.memory_space<hbm>> -> memref<128x64xf32, #tpu.memory_space<hbm>>
        %dma_wait3A_317 = arith.constant 0 : i32
        %dma_wait3A_318 = arith.constant 0 : i32
        %dma_wait3A_319 = tpu.memref_slice %arg2[%dma_wait3A_317, %dma_wait3A_318] : memref<10240x64xf32, #tpu.memory_space<hbm>> -> memref<128x64xf32, #tpu.memory_space<hbm>>
        tpu.wait_dma2 semaphore(%arg28 : memref<!tpu.dma_semaphore, #tpu.memory_space<semaphore_mem>>) src(%dma_wait3A_319 : memref<128x64xf32, #tpu.memory_space<hbm>>) dst(%arg11 : memref<128x64xf32, #tpu.memory_space<vmem>>)
        %add3A_320 = arith.constant 1 : i32
        %add3A_321 = arith.addi %scan3A_125, %add3A_320 : i32
        %mul3A_322 = arith.constant 8 : i32
        %mul3A_323 = arith.muli %mul3A_322, %add3A_321 : i32
        %add3A_324 = arith.constant 3 : i32
        %add3A_325 = arith.addi %mul3A_323, %add3A_324 : i32
        %dma_start3A_326 = arith.constant 0 : i32
        %dma_start3A_327 = tpu.memref_slice %arg6[%add3A_325, %dma_start3A_326] : memref<80x128xi32, #tpu.memory_space<vmem>> -> memref<1x128xi32, #tpu.memory_space<vmem>>
        %dma_start3A_328 = tpu.memref_squeeze %dma_start3A_327 : memref<1x128xi32, #tpu.memory_space<vmem>> -> memref<128xi32, #tpu.memory_space<vmem>>
        %dma_start3A_329 = arith.constant 0 : i32
        %dma_start3A_330 = arith.constant 0 : i32
        %dma_start3A_331 = tpu.memref_slice %arg2[%dma_start3A_329, %dma_start3A_330] : memref<10240x64xf32, #tpu.memory_space<hbm>> -> memref<10240x64xf32, #tpu.memory_space<hbm>>
        tpu.enqueue_indirect_dma source(%dma_start3A_331 : memref<10240x64xf32, #tpu.memory_space<hbm>>) target(%arg11 : memref<128x64xf32, #tpu.memory_space<vmem>>) offsets(%dma_start3A_328 : memref<128xi32, #tpu.memory_space<vmem>>) semaphore(%arg20 : memref<!tpu.dma_semaphore, #tpu.memory_space<semaphore_mem>>)
        %dma_wait3A_332 = arith.constant 0 : i32
        %dma_wait3A_333 = arith.constant 0 : i32
        %dma_wait3A_334 = tpu.memref_slice %arg2[%dma_wait3A_332, %dma_wait3A_333] : memref<10240x64xf32, #tpu.memory_space<hbm>> -> memref<128x64xf32, #tpu.memory_space<hbm>>
        %dma_wait3A_335 = arith.constant 0 : i32
        %dma_wait3A_336 = arith.constant 0 : i32
        %dma_wait3A_337 = tpu.memref_slice %arg2[%dma_wait3A_335, %dma_wait3A_336] : memref<10240x64xf32, #tpu.memory_space<hbm>> -> memref<128x64xf32, #tpu.memory_space<hbm>>
        tpu.wait_dma2 semaphore(%arg29 : memref<!tpu.dma_semaphore, #tpu.memory_space<semaphore_mem>>) src(%dma_wait3A_337 : memref<128x64xf32, #tpu.memory_space<hbm>>) dst(%arg12 : memref<128x64xf32, #tpu.memory_space<vmem>>)
        %add3A_338 = arith.constant 1 : i32
        %add3A_339 = arith.addi %scan3A_125, %add3A_338 : i32
        %mul3A_340 = arith.constant 8 : i32
        %mul3A_341 = arith.muli %mul3A_340, %add3A_339 : i32
        %add3A_342 = arith.constant 4 : i32
        %add3A_343 = arith.addi %mul3A_341, %add3A_342 : i32
        %dma_start3A_344 = arith.constant 0 : i32
        %dma_start3A_345 = tpu.memref_slice %arg6[%add3A_343, %dma_start3A_344] : memref<80x128xi32, #tpu.memory_space<vmem>> -> memref<1x128xi32, #tpu.memory_space<vmem>>
        %dma_start3A_346 = tpu.memref_squeeze %dma_start3A_345 : memref<1x128xi32, #tpu.memory_space<vmem>> -> memref<128xi32, #tpu.memory_space<vmem>>
        %dma_start3A_347 = arith.constant 0 : i32
        %dma_start3A_348 = arith.constant 0 : i32
        %dma_start3A_349 = tpu.memref_slice %arg2[%dma_start3A_347, %dma_start3A_348] : memref<10240x64xf32, #tpu.memory_space<hbm>> -> memref<10240x64xf32, #tpu.memory_space<hbm>>
        tpu.enqueue_indirect_dma source(%dma_start3A_349 : memref<10240x64xf32, #tpu.memory_space<hbm>>) target(%arg12 : memref<128x64xf32, #tpu.memory_space<vmem>>) offsets(%dma_start3A_346 : memref<128xi32, #tpu.memory_space<vmem>>) semaphore(%arg21 : memref<!tpu.dma_semaphore, #tpu.memory_space<semaphore_mem>>)
        %dma_wait3A_350 = arith.constant 0 : i32
        %dma_wait3A_351 = arith.constant 0 : i32
        %dma_wait3A_352 = tpu.memref_slice %arg2[%dma_wait3A_350, %dma_wait3A_351] : memref<10240x64xf32, #tpu.memory_space<hbm>> -> memref<128x64xf32, #tpu.memory_space<hbm>>
        %dma_wait3A_353 = arith.constant 0 : i32
        %dma_wait3A_354 = arith.constant 0 : i32
        %dma_wait3A_355 = tpu.memref_slice %arg2[%dma_wait3A_353, %dma_wait3A_354] : memref<10240x64xf32, #tpu.memory_space<hbm>> -> memref<128x64xf32, #tpu.memory_space<hbm>>
        tpu.wait_dma2 semaphore(%arg30 : memref<!tpu.dma_semaphore, #tpu.memory_space<semaphore_mem>>) src(%dma_wait3A_355 : memref<128x64xf32, #tpu.memory_space<hbm>>) dst(%arg13 : memref<128x64xf32, #tpu.memory_space<vmem>>)
        %add3A_356 = arith.constant 1 : i32
        %add3A_357 = arith.addi %scan3A_125, %add3A_356 : i32
        %mul3A_358 = arith.constant 8 : i32
        %mul3A_359 = arith.muli %mul3A_358, %add3A_357 : i32
        %add3A_360 = arith.constant 5 : i32
        %add3A_361 = arith.addi %mul3A_359, %add3A_360 : i32
        %dma_start3A_362 = arith.constant 0 : i32
        %dma_start3A_363 = tpu.memref_slice %arg6[%add3A_361, %dma_start3A_362] : memref<80x128xi32, #tpu.memory_space<vmem>> -> memref<1x128xi32, #tpu.memory_space<vmem>>
        %dma_start3A_364 = tpu.memref_squeeze %dma_start3A_363 : memref<1x128xi32, #tpu.memory_space<vmem>> -> memref<128xi32, #tpu.memory_space<vmem>>
        %dma_start3A_365 = arith.constant 0 : i32
        %dma_start3A_366 = arith.constant 0 : i32
        %dma_start3A_367 = tpu.memref_slice %arg2[%dma_start3A_365, %dma_start3A_366] : memref<10240x64xf32, #tpu.memory_space<hbm>> -> memref<10240x64xf32, #tpu.memory_space<hbm>>
        tpu.enqueue_indirect_dma source(%dma_start3A_367 : memref<10240x64xf32, #tpu.memory_space<hbm>>) target(%arg13 : memref<128x64xf32, #tpu.memory_space<vmem>>) offsets(%dma_start3A_364 : memref<128xi32, #tpu.memory_space<vmem>>) semaphore(%arg22 : memref<!tpu.dma_semaphore, #tpu.memory_space<semaphore_mem>>)
        %dma_wait3A_368 = arith.constant 0 : i32
        %dma_wait3A_369 = arith.constant 0 : i32
        %dma_wait3A_370 = tpu.memref_slice %arg2[%dma_wait3A_368, %dma_wait3A_369] : memref<10240x64xf32, #tpu.memory_space<hbm>> -> memref<128x64xf32, #tpu.memory_space<hbm>>
        %dma_wait3A_371 = arith.constant 0 : i32
        %dma_wait3A_372 = arith.constant 0 : i32
        %dma_wait3A_373 = tpu.memref_slice %arg2[%dma_wait3A_371, %dma_wait3A_372] : memref<10240x64xf32, #tpu.memory_space<hbm>> -> memref<128x64xf32, #tpu.memory_space<hbm>>
        tpu.wait_dma2 semaphore(%arg31 : memref<!tpu.dma_semaphore, #tpu.memory_space<semaphore_mem>>) src(%dma_wait3A_373 : memref<128x64xf32, #tpu.memory_space<hbm>>) dst(%arg14 : memref<128x64xf32, #tpu.memory_space<vmem>>)
        %add3A_374 = arith.constant 1 : i32
        %add3A_375 = arith.addi %scan3A_125, %add3A_374 : i32
        %mul3A_376 = arith.constant 8 : i32
        %mul3A_377 = arith.muli %mul3A_376, %add3A_375 : i32
        %add3A_378 = arith.constant 6 : i32
        %add3A_379 = arith.addi %mul3A_377, %add3A_378 : i32
        %dma_start3A_380 = arith.constant 0 : i32
        %dma_start3A_381 = tpu.memref_slice %arg6[%add3A_379, %dma_start3A_380] : memref<80x128xi32, #tpu.memory_space<vmem>> -> memref<1x128xi32, #tpu.memory_space<vmem>>
        %dma_start3A_382 = tpu.memref_squeeze %dma_start3A_381 : memref<1x128xi32, #tpu.memory_space<vmem>> -> memref<128xi32, #tpu.memory_space<vmem>>
        %dma_start3A_383 = arith.constant 0 : i32
        %dma_start3A_384 = arith.constant 0 : i32
        %dma_start3A_385 = tpu.memref_slice %arg2[%dma_start3A_383, %dma_start3A_384] : memref<10240x64xf32, #tpu.memory_space<hbm>> -> memref<10240x64xf32, #tpu.memory_space<hbm>>
        tpu.enqueue_indirect_dma source(%dma_start3A_385 : memref<10240x64xf32, #tpu.memory_space<hbm>>) target(%arg14 : memref<128x64xf32, #tpu.memory_space<vmem>>) offsets(%dma_start3A_382 : memref<128xi32, #tpu.memory_space<vmem>>) semaphore(%arg23 : memref<!tpu.dma_semaphore, #tpu.memory_space<semaphore_mem>>)
        %dma_wait3A_386 = arith.constant 0 : i32
        %dma_wait3A_387 = arith.constant 0 : i32
        %dma_wait3A_388 = tpu.memref_slice %arg2[%dma_wait3A_386, %dma_wait3A_387] : memref<10240x64xf32, #tpu.memory_space<hbm>> -> memref<128x64xf32, #tpu.memory_space<hbm>>
        %dma_wait3A_389 = arith.constant 0 : i32
        %dma_wait3A_390 = arith.constant 0 : i32
        %dma_wait3A_391 = tpu.memref_slice %arg2[%dma_wait3A_389, %dma_wait3A_390] : memref<10240x64xf32, #tpu.memory_space<hbm>> -> memref<128x64xf32, #tpu.memory_space<hbm>>
        tpu.wait_dma2 semaphore(%arg32 : memref<!tpu.dma_semaphore, #tpu.memory_space<semaphore_mem>>) src(%dma_wait3A_391 : memref<128x64xf32, #tpu.memory_space<hbm>>) dst(%arg15 : memref<128x64xf32, #tpu.memory_space<vmem>>)
        %add3A_392 = arith.constant 1 : i32
        %add3A_393 = arith.addi %scan3A_125, %add3A_392 : i32
        %mul3A_394 = arith.constant 8 : i32
        %mul3A_395 = arith.muli %mul3A_394, %add3A_393 : i32
        %add3A_396 = arith.constant 7 : i32
        %add3A_397 = arith.addi %mul3A_395, %add3A_396 : i32
        %dma_start3A_398 = arith.constant 0 : i32
        %dma_start3A_399 = tpu.memref_slice %arg6[%add3A_397, %dma_start3A_398] : memref<80x128xi32, #tpu.memory_space<vmem>> -> memref<1x128xi32, #tpu.memory_space<vmem>>
        %dma_start3A_400 = tpu.memref_squeeze %dma_start3A_399 : memref<1x128xi32, #tpu.memory_space<vmem>> -> memref<128xi32, #tpu.memory_space<vmem>>
        %dma_start3A_401 = arith.constant 0 : i32
        %dma_start3A_402 = arith.constant 0 : i32
        %dma_start3A_403 = tpu.memref_slice %arg2[%dma_start3A_401, %dma_start3A_402] : memref<10240x64xf32, #tpu.memory_space<hbm>> -> memref<10240x64xf32, #tpu.memory_space<hbm>>
        tpu.enqueue_indirect_dma source(%dma_start3A_403 : memref<10240x64xf32, #tpu.memory_space<hbm>>) target(%arg15 : memref<128x64xf32, #tpu.memory_space<vmem>>) offsets(%dma_start3A_400 : memref<128xi32, #tpu.memory_space<vmem>>) semaphore(%arg24 : memref<!tpu.dma_semaphore, #tpu.memory_space<semaphore_mem>>)
      } else {
      }
    }
    %scan3A_72 = arith.constant 10 : i32
    %dma_wait3A = arith.constant 0 : i32
    %dma_wait3A_73 = arith.constant 0 : i32
    %dma_wait3A_74 = tpu.memref_slice %arg2[%dma_wait3A, %dma_wait3A_73] : memref<10240x64xf32, #tpu.memory_space<hbm>> -> memref<128x64xf32, #tpu.memory_space<hbm>>
    %dma_wait3A_75 = arith.constant 0 : i32
    %dma_wait3A_76 = arith.constant 0 : i32
    %dma_wait3A_77 = tpu.memref_slice %arg2[%dma_wait3A_75, %dma_wait3A_76] : memref<10240x64xf32, #tpu.memory_space<hbm>> -> memref<128x64xf32, #tpu.memory_space<hbm>>
    tpu.wait_dma2 semaphore(%arg25 : memref<!tpu.dma_semaphore, #tpu.memory_space<semaphore_mem>>) src(%dma_wait3A_77 : memref<128x64xf32, #tpu.memory_space<hbm>>) dst(%arg8 : memref<128x64xf32, #tpu.memory_space<vmem>>)
    %dma_wait3A_78 = arith.constant 0 : i32
    %dma_wait3A_79 = arith.constant 0 : i32
    %dma_wait3A_80 = tpu.memref_slice %arg2[%dma_wait3A_78, %dma_wait3A_79] : memref<10240x64xf32, #tpu.memory_space<hbm>> -> memref<128x64xf32, #tpu.memory_space<hbm>>
    %dma_wait3A_81 = arith.constant 0 : i32
    %dma_wait3A_82 = arith.constant 0 : i32
    %dma_wait3A_83 = tpu.memref_slice %arg2[%dma_wait3A_81, %dma_wait3A_82] : memref<10240x64xf32, #tpu.memory_space<hbm>> -> memref<128x64xf32, #tpu.memory_space<hbm>>
    tpu.wait_dma2 semaphore(%arg26 : memref<!tpu.dma_semaphore, #tpu.memory_space<semaphore_mem>>) src(%dma_wait3A_83 : memref<128x64xf32, #tpu.memory_space<hbm>>) dst(%arg9 : memref<128x64xf32, #tpu.memory_space<vmem>>)
    %dma_wait3A_84 = arith.constant 0 : i32
    %dma_wait3A_85 = arith.constant 0 : i32
    %dma_wait3A_86 = tpu.memref_slice %arg2[%dma_wait3A_84, %dma_wait3A_85] : memref<10240x64xf32, #tpu.memory_space<hbm>> -> memref<128x64xf32, #tpu.memory_space<hbm>>
    %dma_wait3A_87 = arith.constant 0 : i32
    %dma_wait3A_88 = arith.constant 0 : i32
    %dma_wait3A_89 = tpu.memref_slice %arg2[%dma_wait3A_87, %dma_wait3A_88] : memref<10240x64xf32, #tpu.memory_space<hbm>> -> memref<128x64xf32, #tpu.memory_space<hbm>>
    tpu.wait_dma2 semaphore(%arg27 : memref<!tpu.dma_semaphore, #tpu.memory_space<semaphore_mem>>) src(%dma_wait3A_89 : memref<128x64xf32, #tpu.memory_space<hbm>>) dst(%arg10 : memref<128x64xf32, #tpu.memory_space<vmem>>)
    %dma_wait3A_90 = arith.constant 0 : i32
    %dma_wait3A_91 = arith.constant 0 : i32
    %dma_wait3A_92 = tpu.memref_slice %arg2[%dma_wait3A_90, %dma_wait3A_91] : memref<10240x64xf32, #tpu.memory_space<hbm>> -> memref<128x64xf32, #tpu.memory_space<hbm>>
    %dma_wait3A_93 = arith.constant 0 : i32
    %dma_wait3A_94 = arith.constant 0 : i32
    %dma_wait3A_95 = tpu.memref_slice %arg2[%dma_wait3A_93, %dma_wait3A_94] : memref<10240x64xf32, #tpu.memory_space<hbm>> -> memref<128x64xf32, #tpu.memory_space<hbm>>
    tpu.wait_dma2 semaphore(%arg28 : memref<!tpu.dma_semaphore, #tpu.memory_space<semaphore_mem>>) src(%dma_wait3A_95 : memref<128x64xf32, #tpu.memory_space<hbm>>) dst(%arg11 : memref<128x64xf32, #tpu.memory_space<vmem>>)
    %dma_wait3A_96 = arith.constant 0 : i32
    %dma_wait3A_97 = arith.constant 0 : i32
    %dma_wait3A_98 = tpu.memref_slice %arg2[%dma_wait3A_96, %dma_wait3A_97] : memref<10240x64xf32, #tpu.memory_space<hbm>> -> memref<128x64xf32, #tpu.memory_space<hbm>>
    %dma_wait3A_99 = arith.constant 0 : i32
    %dma_wait3A_100 = arith.constant 0 : i32
    %dma_wait3A_101 = tpu.memref_slice %arg2[%dma_wait3A_99, %dma_wait3A_100] : memref<10240x64xf32, #tpu.memory_space<hbm>> -> memref<128x64xf32, #tpu.memory_space<hbm>>
    tpu.wait_dma2 semaphore(%arg29 : memref<!tpu.dma_semaphore, #tpu.memory_space<semaphore_mem>>) src(%dma_wait3A_101 : memref<128x64xf32, #tpu.memory_space<hbm>>) dst(%arg12 : memref<128x64xf32, #tpu.memory_space<vmem>>)
    %dma_wait3A_102 = arith.constant 0 : i32
    %dma_wait3A_103 = arith.constant 0 : i32
    %dma_wait3A_104 = tpu.memref_slice %arg2[%dma_wait3A_102, %dma_wait3A_103] : memref<10240x64xf32, #tpu.memory_space<hbm>> -> memref<128x64xf32, #tpu.memory_space<hbm>>
    %dma_wait3A_105 = arith.constant 0 : i32
    %dma_wait3A_106 = arith.constant 0 : i32
    %dma_wait3A_107 = tpu.memref_slice %arg2[%dma_wait3A_105, %dma_wait3A_106] : memref<10240x64xf32, #tpu.memory_space<hbm>> -> memref<128x64xf32, #tpu.memory_space<hbm>>
    tpu.wait_dma2 semaphore(%arg30 : memref<!tpu.dma_semaphore, #tpu.memory_space<semaphore_mem>>) src(%dma_wait3A_107 : memref<128x64xf32, #tpu.memory_space<hbm>>) dst(%arg13 : memref<128x64xf32, #tpu.memory_space<vmem>>)
    %dma_wait3A_108 = arith.constant 0 : i32
    %dma_wait3A_109 = arith.constant 0 : i32
    %dma_wait3A_110 = tpu.memref_slice %arg2[%dma_wait3A_108, %dma_wait3A_109] : memref<10240x64xf32, #tpu.memory_space<hbm>> -> memref<128x64xf32, #tpu.memory_space<hbm>>
    %dma_wait3A_111 = arith.constant 0 : i32
    %dma_wait3A_112 = arith.constant 0 : i32
    %dma_wait3A_113 = tpu.memref_slice %arg2[%dma_wait3A_111, %dma_wait3A_112] : memref<10240x64xf32, #tpu.memory_space<hbm>> -> memref<128x64xf32, #tpu.memory_space<hbm>>
    tpu.wait_dma2 semaphore(%arg31 : memref<!tpu.dma_semaphore, #tpu.memory_space<semaphore_mem>>) src(%dma_wait3A_113 : memref<128x64xf32, #tpu.memory_space<hbm>>) dst(%arg14 : memref<128x64xf32, #tpu.memory_space<vmem>>)
    %dma_wait3A_114 = arith.constant 0 : i32
    %dma_wait3A_115 = arith.constant 0 : i32
    %dma_wait3A_116 = tpu.memref_slice %arg2[%dma_wait3A_114, %dma_wait3A_115] : memref<10240x64xf32, #tpu.memory_space<hbm>> -> memref<128x64xf32, #tpu.memory_space<hbm>>
    %dma_wait3A_117 = arith.constant 0 : i32
    %dma_wait3A_118 = arith.constant 0 : i32
    %dma_wait3A_119 = tpu.memref_slice %arg2[%dma_wait3A_117, %dma_wait3A_118] : memref<10240x64xf32, #tpu.memory_space<hbm>> -> memref<128x64xf32, #tpu.memory_space<hbm>>
    tpu.wait_dma2 semaphore(%arg32 : memref<!tpu.dma_semaphore, #tpu.memory_space<semaphore_mem>>) src(%dma_wait3A_119 : memref<128x64xf32, #tpu.memory_space<hbm>>) dst(%arg15 : memref<128x64xf32, #tpu.memory_space<vmem>>)
    %barrier3A_120 = arith.constant 0 : index
    tpu.barrier barrier_id(%barrier3A_120)
    %mul3A_121 = arith.constant 640 : i32
    %mul3A_122 = arith.muli %arg1, %mul3A_121 : i32
    %mul3A_123 = arith.constant 640 : i32
    %mul3A_124 = arith.muli %arg1, %mul3A_123 : i32
    "tpu.region"() ({
      %run_scoped3A = tpu.sem_alloc : memref<!tpu.dma_semaphore, #tpu.memory_space<semaphore_mem>>
      %dma_start3A_125 = arith.constant 0 : i32
      %dma_start3A_126 = tpu.memref_slice %arg5[%arg0, %mul3A_124, %dma_start3A_125] : memref<2x10240x64xf32, #tpu.memory_space<hbm>> -> memref<1x640x64xf32, #tpu.memory_space<hbm>>
      %dma_start3A_127 = tpu.memref_squeeze %dma_start3A_126 : memref<1x640x64xf32, #tpu.memory_space<hbm>> -> memref<640x64xf32, #tpu.memory_space<hbm>>
      %dma_start3A_128 = arith.constant 0 : i32
      %dma_start3A_129 = tpu.memref_slice %arg16[%mul3A_122, %dma_start3A_128] : memref<10240x64xf32, #tpu.memory_space<vmem_shared>> -> memref<640x64xf32, #tpu.memory_space<vmem_shared>>
      tpu.enqueue_dma source(%dma_start3A_129 : memref<640x64xf32, #tpu.memory_space<vmem_shared>>) target(%dma_start3A_127 : memref<640x64xf32, #tpu.memory_space<hbm>>) target_semaphore(%run_scoped3A : memref<!tpu.dma_semaphore, #tpu.memory_space<semaphore_mem>>)
      %dma_wait3A_130 = arith.constant 0 : i32
      %dma_wait3A_131 = tpu.memref_slice %arg5[%arg0, %mul3A_124, %dma_wait3A_130] : memref<2x10240x64xf32, #tpu.memory_space<hbm>> -> memref<1x640x64xf32, #tpu.memory_space<hbm>>
      %dma_wait3A_132 = tpu.memref_squeeze %dma_wait3A_131 : memref<1x640x64xf32, #tpu.memory_space<hbm>> -> memref<640x64xf32, #tpu.memory_space<hbm>>
      %dma_wait3A_133 = arith.constant 0 : i32
      %dma_wait3A_134 = tpu.memref_slice %arg16[%mul3A_122, %dma_wait3A_133] : memref<10240x64xf32, #tpu.memory_space<vmem_shared>> -> memref<640x64xf32, #tpu.memory_space<vmem_shared>>
      tpu.wait_dma2 semaphore(%run_scoped3A : memref<!tpu.dma_semaphore, #tpu.memory_space<semaphore_mem>>) src(%dma_wait3A_134 : memref<640x64xf32, #tpu.memory_space<vmem_shared>>) dst(%dma_wait3A_132 : memref<640x64xf32, #tpu.memory_space<hbm>>)
      tpu.yield
    }) : () -> ()
    return
  }
}

module attributes {stable_mosaic.version = 14 : i64} {
  func.func @_tc1_body(%arg0: i32, %arg1: memref<1024x128xf32, #tpu.memory_space<vmem>>, %arg2: memref<1024x128xf32, #tpu.memory_space<vmem>>, %arg3: memref<128x64xf32, #tpu.memory_space<vmem>>, %arg4: memref<2x1024xf32, #tpu.memory_space<vmem>>, %arg5: memref<2x1024xf32, #tpu.memory_space<vmem>>, %arg6: memref<1024x128xf32, #tpu.memory_space<vmem>>) attributes {dimension_semantics = [#tpu.dimension_semantics<arbitrary>], iteration_bounds = array<i64: 5>, scalar_prefetch = 0 : i64, scratch_operands = 0 : i64, tpu.core_type = #tpu.core_type<tc>, window_params = [{transform_indices = @transform_0, window_bounds = array<i64: 1024, 128>}, {transform_indices = @transform_1, window_bounds = array<i64: 1024, 128>}, {pipeline_mode = #tpu.pipeline_mode<synchronous>, transform_indices = @transform_2, window_bounds = array<i64: 128, 64>}, {transform_indices = @transform_3, window_bounds = array<i64: 2, 1024>}, {transform_indices = @transform_4, window_bounds = array<i64: 2, 1024>}, {transform_indices = @transform_5, window_bounds = array<i64: 1024, 128>}]} {
    %get3A = arith.constant 0 : index
    %get3A_0 = arith.constant 0 : index
    %get3A_1 = vector.load %arg3[%get3A, %get3A_0] : memref<128x64xf32, #tpu.memory_space<vmem>>, vector<128x64xf32>
    %get3A_2 = arith.constant 0 : index
    %get3A_3 = arith.constant 0 : index
    %get3A_4 = vector.load %arg1[%get3A_2, %get3A_3] : memref<1024x128xf32, #tpu.memory_space<vmem>>, vector<1024x128xf32>
    %dot_general3A = arith.constant dense<0.000000e+00> : vector<1024x64xf32>
    %dot_general3A_5 = tpu.matmul %get3A_4, %get3A_1, %dot_general3A {dimension_numbers = #tpu.dot_dimension_numbers<[1], [0], [0], [1], [0, 0, 1, 1], [], []>, transpose_lhs_hint = false} : vector<1024x128xf32>, vector<128x64xf32>, vector<1024x64xf32> -> vector<1024x64xf32>
    %get3A_6 = arith.constant 0 : index
    %get3A_7 = arith.constant 0 : index
    %get3A_8 = vector.load %arg2[%get3A_6, %get3A_7] : memref<1024x128xf32, #tpu.memory_space<vmem>>, vector<1024x128xf32>
    %dot_general3A_9 = arith.constant dense<0.000000e+00> : vector<1024x64xf32>
    %dot_general3A_10 = tpu.matmul %get3A_8, %get3A_1, %dot_general3A_9 {dimension_numbers = #tpu.dot_dimension_numbers<[1], [0], [0], [1], [0, 0, 1, 1], [], []>, transpose_lhs_hint = false} : vector<1024x128xf32>, vector<128x64xf32>, vector<1024x64xf32> -> vector<1024x64xf32>
    %concatenate3A = tpu.concatenate %dot_general3A_5, %dot_general3A_10 in 1 : vector<1024x64xf32>, vector<1024x64xf32> -> vector<1024x128xf32>
    %get3A_11 = arith.constant 0 : index
    %get3A_12 = arith.constant 0 : index
    %get3A_13 = vector.load %arg4[%get3A_11, %get3A_12] : memref<2x1024xf32, #tpu.memory_space<vmem>>, vector<2x1024xf32>
    %get3A_14 = arith.constant 0 : index
    %get3A_15 = arith.constant 0 : index
    %get3A_16 = vector.load %arg5[%get3A_14, %get3A_15] : memref<2x1024xf32, #tpu.memory_space<vmem>>, vector<2x1024xf32>
    %slice3A = vector.extract_strided_slice %get3A_13 {offsets = [0, 0], sizes = [1, 1024], strides = [1, 1]} : vector<2x1024xf32> to vector<1x1024xf32>
    %add3A = arith.constant 2.000000e+00 : f32
    %add3A_17 = vector.broadcast %add3A : f32 to vector<1x1024xf32>
    %add3A_18 = arith.addf %add3A_17, %slice3A : vector<1x1024xf32>
    %slice3A_19 = vector.extract_strided_slice %get3A_13 {offsets = [1, 0], sizes = [1, 1024], strides = [1, 1]} : vector<2x1024xf32> to vector<1x1024xf32>
    %add3A_20 = arith.addf %add3A_18, %slice3A_19 : vector<1x1024xf32>
    %rsqrt3A = math.rsqrt %add3A_20 : vector<1x1024xf32>
    %transpose3A = tpu.transpose %rsqrt3A, [1, 0] : vector<1x1024xf32> -> vector<1024x1xf32>
    %slice3A_21 = vector.extract_strided_slice %get3A_16 {offsets = [0, 0], sizes = [1, 1024], strides = [1, 1]} : vector<2x1024xf32> to vector<1x1024xf32>
    %add3A_22 = arith.constant 2.000000e+00 : f32
    %add3A_23 = vector.broadcast %add3A_22 : f32 to vector<1x1024xf32>
    %add3A_24 = arith.addf %add3A_23, %slice3A_21 : vector<1x1024xf32>
    %slice3A_25 = vector.extract_strided_slice %get3A_16 {offsets = [1, 0], sizes = [1, 1024], strides = [1, 1]} : vector<2x1024xf32> to vector<1x1024xf32>
    %add3A_26 = arith.addf %add3A_24, %slice3A_25 : vector<1x1024xf32>
    %rsqrt3A_27 = math.rsqrt %add3A_26 : vector<1x1024xf32>
    %transpose3A_28 = tpu.transpose %rsqrt3A_27, [1, 0] : vector<1x1024xf32> -> vector<1024x1xf32>
    %broadcast_in_dim3A = vector.shape_cast %transpose3A : vector<1024x1xf32> to vector<1024x1xf32>
    %broadcast_in_dim3A_29 = vector.broadcast %broadcast_in_dim3A : vector<1024x1xf32> to vector<1024x64xf32>
    %broadcast_in_dim3A_30 = vector.shape_cast %transpose3A_28 : vector<1024x1xf32> to vector<1024x1xf32>
    %broadcast_in_dim3A_31 = vector.broadcast %broadcast_in_dim3A_30 : vector<1024x1xf32> to vector<1024x64xf32>
    %concatenate3A_32 = tpu.concatenate %broadcast_in_dim3A_29, %broadcast_in_dim3A_31 in 1 : vector<1024x64xf32>, vector<1024x64xf32> -> vector<1024x128xf32>
    %mul3A = arith.mulf %concatenate3A, %concatenate3A_32 : vector<1024x128xf32>
    %swap3A = arith.constant 0 : index
    %swap3A_33 = arith.constant 0 : index
    %swap3A_34 = vector.load %arg6[%swap3A, %swap3A_33] : memref<1024x128xf32, #tpu.memory_space<vmem>>, vector<1024x128xf32>
    tpu.vector_store %arg6[%swap3A, %swap3A_33], %mul3A {strides = array<i32>} : memref<1024x128xf32, #tpu.memory_space<vmem>>, vector<1024x128xf32>,
    return
  }
  func.func @transform_0(%arg0: i32) -> (i32, i32) {
    %c0_i32 = arith.constant 0 : i32
    %c0_i32_0 = arith.constant 0 : i32
    return %arg0, %c0_i32 : i32, i32
  }
  func.func @transform_1(%arg0: i32) -> (i32, i32) {
    %add3A = arith.constant 5 : i32
    %add3A_0 = arith.addi %arg0, %add3A : i32
    %c0_i32 = arith.constant 0 : i32
    %c0_i32_1 = arith.constant 0 : i32
    return %add3A_0, %c0_i32 : i32, i32
  }
  func.func @transform_2(%arg0: i32) -> (i32, i32) {
    %c0_i32 = arith.constant 0 : i32
    %c0_i32_0 = arith.constant 0 : i32
    %c0_i32_1 = arith.constant 0 : i32
    return %c0_i32, %c0_i32_0 : i32, i32
  }
  func.func @transform_3(%arg0: i32) -> (i32, i32) {
    %c0_i32 = arith.constant 0 : i32
    %c0_i32_0 = arith.constant 0 : i32
    return %c0_i32, %arg0 : i32, i32
  }
  func.func @transform_4(%arg0: i32) -> (i32, i32) {
    %add3A = arith.constant 5 : i32
    %add3A_0 = arith.addi %arg0, %add3A : i32
    %c0_i32 = arith.constant 0 : i32
    %c0_i32_1 = arith.constant 0 : i32
    return %c0_i32, %add3A_0 : i32, i32
  }
  func.func @transform_5(%arg0: i32) -> (i32, i32) {
    %c0_i32 = arith.constant 0 : i32
    %c0_i32_0 = arith.constant 0 : i32
    return %arg0, %c0_i32 : i32, i32
  }
}

module attributes {stable_mosaic.version = 14 : i64} {
  func.func @_tc2_body(%arg0: i32, %arg1: memref<2x1024x128xf32, #tpu.memory_space<vmem>>, %arg2: memref<1024x128xf32, #tpu.memory_space<vmem>>, %arg3: memref<2x1024xf32, #tpu.memory_space<vmem>>, %arg4: memref<2x1024xf32, #tpu.memory_space<vmem>>, %arg5: memref<1x128xf32, #tpu.memory_space<vmem>>, %arg6: memref<64x64xf32, #tpu.memory_space<vmem>>, %arg7: memref<1024x128xf32, #tpu.memory_space<vmem>>) attributes {dimension_semantics = [#tpu.dimension_semantics<arbitrary>], iteration_bounds = array<i64: 5>, scalar_prefetch = 0 : i64, scratch_operands = 0 : i64, tpu.core_type = #tpu.core_type<tc>, window_params = [{transform_indices = @transform_0, window_bounds = array<i64: 2, 1024, 128>}, {transform_indices = @transform_1, window_bounds = array<i64: 1024, 128>}, {transform_indices = @transform_2, window_bounds = array<i64: 2, 1024>}, {transform_indices = @transform_3, window_bounds = array<i64: 2, 1024>}, {pipeline_mode = #tpu.pipeline_mode<synchronous>, transform_indices = @transform_4, window_bounds = array<i64: 1, 128>}, {pipeline_mode = #tpu.pipeline_mode<synchronous>, transform_indices = @transform_5, window_bounds = array<i64: 64, 64>}, {transform_indices = @transform_6, window_bounds = array<i64: 1024, 128>}]} {
    %get3A = arith.constant 0 : index
    %get3A_0 = arith.constant 0 : index
    %get3A_1 = vector.load %arg3[%get3A, %get3A_0] : memref<2x1024xf32, #tpu.memory_space<vmem>>, vector<2x1024xf32>
    %get3A_2 = arith.constant 0 : index
    %get3A_3 = arith.constant 0 : index
    %get3A_4 = vector.load %arg4[%get3A_2, %get3A_3] : memref<2x1024xf32, #tpu.memory_space<vmem>>, vector<2x1024xf32>
    %slice3A = vector.extract_strided_slice %get3A_1 {offsets = [0, 0], sizes = [1, 1024], strides = [1, 1]} : vector<2x1024xf32> to vector<1x1024xf32>
    %add3A = arith.constant 2.000000e+00 : f32
    %add3A_5 = vector.broadcast %add3A : f32 to vector<1x1024xf32>
    %add3A_6 = arith.addf %add3A_5, %slice3A : vector<1x1024xf32>
    %slice3A_7 = vector.extract_strided_slice %get3A_1 {offsets = [1, 0], sizes = [1, 1024], strides = [1, 1]} : vector<2x1024xf32> to vector<1x1024xf32>
    %add3A_8 = arith.addf %add3A_6, %slice3A_7 : vector<1x1024xf32>
    %rsqrt3A = math.rsqrt %add3A_8 : vector<1x1024xf32>
    %transpose3A = tpu.transpose %rsqrt3A, [1, 0] : vector<1x1024xf32> -> vector<1024x1xf32>
    %slice3A_9 = vector.extract_strided_slice %get3A_4 {offsets = [0, 0], sizes = [1, 1024], strides = [1, 1]} : vector<2x1024xf32> to vector<1x1024xf32>
    %add3A_10 = arith.constant 2.000000e+00 : f32
    %add3A_11 = vector.broadcast %add3A_10 : f32 to vector<1x1024xf32>
    %add3A_12 = arith.addf %add3A_11, %slice3A_9 : vector<1x1024xf32>
    %slice3A_13 = vector.extract_strided_slice %get3A_4 {offsets = [1, 0], sizes = [1, 1024], strides = [1, 1]} : vector<2x1024xf32> to vector<1x1024xf32>
    %add3A_14 = arith.addf %add3A_12, %slice3A_13 : vector<1x1024xf32>
    %rsqrt3A_15 = math.rsqrt %add3A_14 : vector<1x1024xf32>
    %transpose3A_16 = tpu.transpose %rsqrt3A_15, [1, 0] : vector<1x1024xf32> -> vector<1024x1xf32>
    %broadcast_in_dim3A = vector.shape_cast %transpose3A : vector<1024x1xf32> to vector<1024x1xf32>
    %broadcast_in_dim3A_17 = vector.broadcast %broadcast_in_dim3A : vector<1024x1xf32> to vector<1024x64xf32>
    %broadcast_in_dim3A_18 = vector.shape_cast %transpose3A_16 : vector<1024x1xf32> to vector<1024x1xf32>
    %broadcast_in_dim3A_19 = vector.broadcast %broadcast_in_dim3A_18 : vector<1024x1xf32> to vector<1024x64xf32>
    %concatenate3A = tpu.concatenate %broadcast_in_dim3A_17, %broadcast_in_dim3A_19 in 1 : vector<1024x64xf32>, vector<1024x64xf32> -> vector<1024x128xf32>
    %get3A_20 = arith.constant 0 : index
    %get3A_21 = arith.constant 0 : index
    %get3A_22 = arith.constant 0 : index
    %get3A_23 = vector.load %arg1[%get3A_20, %get3A_21, %get3A_22] : memref<2x1024x128xf32, #tpu.memory_space<vmem>>, vector<2x1024x128xf32>
    %slice3A_24 = vector.extract_strided_slice %get3A_23 {offsets = [0, 0, 0], sizes = [1, 1024, 128], strides = [1, 1, 1]} : vector<2x1024x128xf32> to vector<1x1024x128xf32>
    %squeeze3A = vector.shape_cast %slice3A_24 : vector<1x1024x128xf32> to vector<1024x128xf32>
    %slice3A_25 = vector.extract_strided_slice %get3A_23 {offsets = [1, 0, 0], sizes = [1, 1024, 128], strides = [1, 1, 1]} : vector<2x1024x128xf32> to vector<1x1024x128xf32>
    %squeeze3A_26 = vector.shape_cast %slice3A_25 : vector<1x1024x128xf32> to vector<1024x128xf32>
    %add3A_27 = arith.addf %squeeze3A, %squeeze3A_26 : vector<1024x128xf32>
    %mul3A = arith.mulf %concatenate3A, %add3A_27 : vector<1024x128xf32>
    %mul3A_28 = arith.constant 2.000000e+00 : f32
    %mul3A_29 = vector.broadcast %mul3A_28 : f32 to vector<1024x128xf32>
    %mul3A_30 = arith.mulf %mul3A_29, %concatenate3A : vector<1024x128xf32>
    %get3A_31 = arith.constant 0 : index
    %get3A_32 = arith.constant 0 : index
    %get3A_33 = vector.load %arg2[%get3A_31, %get3A_32] : memref<1024x128xf32, #tpu.memory_space<vmem>>, vector<1024x128xf32>
    %mul3A_34 = arith.mulf %mul3A_30, %get3A_33 : vector<1024x128xf32>
    %add3A_35 = arith.addf %mul3A, %mul3A_34 : vector<1024x128xf32>
    %get3A_36 = arith.constant 0 : index
    %get3A_37 = arith.constant 0 : index
    %get3A_38 = vector.load %arg5[%get3A_36, %get3A_37] : memref<1x128xf32, #tpu.memory_space<vmem>>, vector<1x128xf32>
    %add3A_39 = vector.broadcast %get3A_38 : vector<1x128xf32> to vector<1024x128xf32>
    %add3A_40 = arith.addf %add3A_35, %add3A_39 : vector<1024x128xf32>
    %max3A = arith.constant 0.000000e+00 : f32
    %max3A_41 = vector.broadcast %max3A : f32 to vector<1024x128xf32>
    %max3A_42 = arith.maximumf %add3A_40, %max3A_41 : vector<1024x128xf32>
    %get3A_43 = arith.constant 0 : index
    %get3A_44 = arith.constant 0 : index
    %get3A_45 = vector.load %arg6[%get3A_43, %get3A_44] : memref<64x64xf32, #tpu.memory_space<vmem>>, vector<64x64xf32>
    %slice3A_46 = vector.extract_strided_slice %max3A_42 {offsets = [0, 0], sizes = [1024, 64], strides = [1, 1]} : vector<1024x128xf32> to vector<1024x64xf32>
    %dot_general3A = arith.constant dense<0.000000e+00> : vector<1024x64xf32>
    %dot_general3A_47 = tpu.matmul %slice3A_46, %get3A_45, %dot_general3A {dimension_numbers = #tpu.dot_dimension_numbers<[1], [0], [0], [1], [0, 0, 1, 1], [], []>, transpose_lhs_hint = false} : vector<1024x64xf32>, vector<64x64xf32>, vector<1024x64xf32> -> vector<1024x64xf32>
    %slice3A_48 = vector.extract_strided_slice %max3A_42 {offsets = [0, 64], sizes = [1024, 64], strides = [1, 1]} : vector<1024x128xf32> to vector<1024x64xf32>
    %dot_general3A_49 = arith.constant dense<0.000000e+00> : vector<1024x64xf32>
    %dot_general3A_50 = tpu.matmul %slice3A_48, %get3A_45, %dot_general3A_49 {dimension_numbers = #tpu.dot_dimension_numbers<[1], [0], [0], [1], [0, 0, 1, 1], [], []>, transpose_lhs_hint = false} : vector<1024x64xf32>, vector<64x64xf32>, vector<1024x64xf32> -> vector<1024x64xf32>
    %concatenate3A_51 = tpu.concatenate %dot_general3A_47, %dot_general3A_50 in 1 : vector<1024x64xf32>, vector<1024x64xf32> -> vector<1024x128xf32>
    %mul3A_52 = arith.mulf %concatenate3A_51, %concatenate3A : vector<1024x128xf32>
    %swap3A = arith.constant 0 : index
    %swap3A_53 = arith.constant 0 : index
    %swap3A_54 = vector.load %arg7[%swap3A, %swap3A_53] : memref<1024x128xf32, #tpu.memory_space<vmem>>, vector<1024x128xf32>
    tpu.vector_store %arg7[%swap3A, %swap3A_53], %mul3A_52 {strides = array<i32>} : memref<1024x128xf32, #tpu.memory_space<vmem>>, vector<1024x128xf32>,
    return
  }
  func.func @transform_0(%arg0: i32) -> (i32, i32, i32) {
    %c0_i32 = arith.constant 0 : i32
    %c0_i32_0 = arith.constant 0 : i32
    %c0_i32_1 = arith.constant 0 : i32
    return %c0_i32, %arg0, %c0_i32_0 : i32, i32, i32
  }
  func.func @transform_1(%arg0: i32) -> (i32, i32) {
    %c0_i32 = arith.constant 0 : i32
    %c0_i32_0 = arith.constant 0 : i32
    return %arg0, %c0_i32 : i32, i32
  }
  func.func @transform_2(%arg0: i32) -> (i32, i32) {
    %c0_i32 = arith.constant 0 : i32
    %c0_i32_0 = arith.constant 0 : i32
    return %c0_i32, %arg0 : i32, i32
  }
  func.func @transform_3(%arg0: i32) -> (i32, i32) {
    %add3A = arith.constant 5 : i32
    %add3A_0 = arith.addi %arg0, %add3A : i32
    %c0_i32 = arith.constant 0 : i32
    %c0_i32_1 = arith.constant 0 : i32
    return %c0_i32, %add3A_0 : i32, i32
  }
  func.func @transform_4(%arg0: i32) -> (i32, i32) {
    %c0_i32 = arith.constant 0 : i32
    %c0_i32_0 = arith.constant 0 : i32
    %c0_i32_1 = arith.constant 0 : i32
    return %c0_i32, %c0_i32_0 : i32, i32
  }
  func.func @transform_5(%arg0: i32) -> (i32, i32) {
    %c0_i32 = arith.constant 0 : i32
    %c0_i32_0 = arith.constant 0 : i32
    %c0_i32_1 = arith.constant 0 : i32
    return %c0_i32, %c0_i32_0 : i32, i32
  }
  func.func @transform_6(%arg0: i32) -> (i32, i32) {
    %c0_i32 = arith.constant 0 : i32
    %c0_i32_0 = arith.constant 0 : i32
    return %arg0, %c0_i32 : i32, i32
  }
}

module attributes {stable_mosaic.version = 14 : i64} {
  func.func @_tc3_body(%arg0: i32, %arg1: memref<2x1024x128xf32, #tpu.memory_space<vmem>>, %arg2: memref<1024x128xf32, #tpu.memory_space<vmem>>, %arg3: memref<2x1024xf32, #tpu.memory_space<vmem>>, %arg4: memref<2x1024xf32, #tpu.memory_space<vmem>>, %arg5: memref<1x64xf32, #tpu.memory_space<vmem>>, %arg6: memref<1024x64xf32, #tpu.memory_space<vmem>>, %arg7: memref<1024x64xf32, #tpu.memory_space<vmem>>) attributes {dimension_semantics = [#tpu.dimension_semantics<arbitrary>], iteration_bounds = array<i64: 5>, scalar_prefetch = 0 : i64, scratch_operands = 0 : i64, tpu.core_type = #tpu.core_type<tc>, window_params = [{transform_indices = @transform_0, window_bounds = array<i64: 2, 1024, 128>}, {transform_indices = @transform_1, window_bounds = array<i64: 1024, 128>}, {transform_indices = @transform_2, window_bounds = array<i64: 2, 1024>}, {transform_indices = @transform_3, window_bounds = array<i64: 2, 1024>}, {pipeline_mode = #tpu.pipeline_mode<synchronous>, transform_indices = @transform_4, window_bounds = array<i64: 1, 64>}, {transform_indices = @transform_5, window_bounds = array<i64: 1024, 64>}, {transform_indices = @transform_6, window_bounds = array<i64: 1024, 64>}]} {
    %get3A = arith.constant 0 : index
    %get3A_0 = arith.constant 0 : index
    %get3A_1 = vector.load %arg3[%get3A, %get3A_0] : memref<2x1024xf32, #tpu.memory_space<vmem>>, vector<2x1024xf32>
    %get3A_2 = arith.constant 0 : index
    %get3A_3 = arith.constant 0 : index
    %get3A_4 = vector.load %arg4[%get3A_2, %get3A_3] : memref<2x1024xf32, #tpu.memory_space<vmem>>, vector<2x1024xf32>
    %slice3A = vector.extract_strided_slice %get3A_1 {offsets = [0, 0], sizes = [1, 1024], strides = [1, 1]} : vector<2x1024xf32> to vector<1x1024xf32>
    %add3A = arith.constant 2.000000e+00 : f32
    %add3A_5 = vector.broadcast %add3A : f32 to vector<1x1024xf32>
    %add3A_6 = arith.addf %add3A_5, %slice3A : vector<1x1024xf32>
    %slice3A_7 = vector.extract_strided_slice %get3A_1 {offsets = [1, 0], sizes = [1, 1024], strides = [1, 1]} : vector<2x1024xf32> to vector<1x1024xf32>
    %add3A_8 = arith.addf %add3A_6, %slice3A_7 : vector<1x1024xf32>
    %rsqrt3A = math.rsqrt %add3A_8 : vector<1x1024xf32>
    %transpose3A = tpu.transpose %rsqrt3A, [1, 0] : vector<1x1024xf32> -> vector<1024x1xf32>
    %slice3A_9 = vector.extract_strided_slice %get3A_4 {offsets = [0, 0], sizes = [1, 1024], strides = [1, 1]} : vector<2x1024xf32> to vector<1x1024xf32>
    %add3A_10 = arith.constant 2.000000e+00 : f32
    %add3A_11 = vector.broadcast %add3A_10 : f32 to vector<1x1024xf32>
    %add3A_12 = arith.addf %add3A_11, %slice3A_9 : vector<1x1024xf32>
    %slice3A_13 = vector.extract_strided_slice %get3A_4 {offsets = [1, 0], sizes = [1, 1024], strides = [1, 1]} : vector<2x1024xf32> to vector<1x1024xf32>
    %add3A_14 = arith.addf %add3A_12, %slice3A_13 : vector<1x1024xf32>
    %rsqrt3A_15 = math.rsqrt %add3A_14 : vector<1x1024xf32>
    %transpose3A_16 = tpu.transpose %rsqrt3A_15, [1, 0] : vector<1x1024xf32> -> vector<1024x1xf32>
    %broadcast_in_dim3A = vector.shape_cast %transpose3A : vector<1024x1xf32> to vector<1024x1xf32>
    %broadcast_in_dim3A_17 = vector.broadcast %broadcast_in_dim3A : vector<1024x1xf32> to vector<1024x64xf32>
    %broadcast_in_dim3A_18 = vector.shape_cast %transpose3A_16 : vector<1024x1xf32> to vector<1024x1xf32>
    %broadcast_in_dim3A_19 = vector.broadcast %broadcast_in_dim3A_18 : vector<1024x1xf32> to vector<1024x64xf32>
    %concatenate3A = tpu.concatenate %broadcast_in_dim3A_17, %broadcast_in_dim3A_19 in 1 : vector<1024x64xf32>, vector<1024x64xf32> -> vector<1024x128xf32>
    %get3A_20 = arith.constant 0 : index
    %get3A_21 = arith.constant 0 : index
    %get3A_22 = arith.constant 0 : index
    %get3A_23 = vector.load %arg1[%get3A_20, %get3A_21, %get3A_22] : memref<2x1024x128xf32, #tpu.memory_space<vmem>>, vector<2x1024x128xf32>
    %slice3A_24 = vector.extract_strided_slice %get3A_23 {offsets = [0, 0, 0], sizes = [1, 1024, 128], strides = [1, 1, 1]} : vector<2x1024x128xf32> to vector<1x1024x128xf32>
    %squeeze3A = vector.shape_cast %slice3A_24 : vector<1x1024x128xf32> to vector<1024x128xf32>
    %slice3A_25 = vector.extract_strided_slice %get3A_23 {offsets = [1, 0, 0], sizes = [1, 1024, 128], strides = [1, 1, 1]} : vector<2x1024x128xf32> to vector<1x1024x128xf32>
    %squeeze3A_26 = vector.shape_cast %slice3A_25 : vector<1x1024x128xf32> to vector<1024x128xf32>
    %add3A_27 = arith.addf %squeeze3A, %squeeze3A_26 : vector<1024x128xf32>
    %mul3A = arith.mulf %concatenate3A, %add3A_27 : vector<1024x128xf32>
    %mul3A_28 = arith.constant 2.000000e+00 : f32
    %mul3A_29 = vector.broadcast %mul3A_28 : f32 to vector<1024x128xf32>
    %mul3A_30 = arith.mulf %mul3A_29, %concatenate3A : vector<1024x128xf32>
    %get3A_31 = arith.constant 0 : index
    %get3A_32 = arith.constant 0 : index
    %get3A_33 = vector.load %arg2[%get3A_31, %get3A_32] : memref<1024x128xf32, #tpu.memory_space<vmem>>, vector<1024x128xf32>
    %mul3A_34 = arith.mulf %mul3A_30, %get3A_33 : vector<1024x128xf32>
    %add3A_35 = arith.addf %mul3A, %mul3A_34 : vector<1024x128xf32>
    %get3A_36 = arith.constant 0 : index
    %get3A_37 = arith.constant 0 : index
    %get3A_38 = vector.load %arg5[%get3A_36, %get3A_37] : memref<1x64xf32, #tpu.memory_space<vmem>>, vector<1x64xf32>
    %slice3A_39 = vector.extract_strided_slice %add3A_35 {offsets = [0, 0], sizes = [1024, 64], strides = [1, 1]} : vector<1024x128xf32> to vector<1024x64xf32>
    %add3A_40 = vector.broadcast %get3A_38 : vector<1x64xf32> to vector<1024x64xf32>
    %add3A_41 = arith.addf %slice3A_39, %add3A_40 : vector<1024x64xf32>
    %reduce_max3A = arith.constant dense<0xFF800000> : vector<1024xf32>
    %reduce_max3A_42 = vector.multi_reduction <maximumf>, %add3A_41, %reduce_max3A [1] : vector<1024x64xf32> to vector<1024xf32>
    %broadcast_in_dim3A_43 = vector.shape_cast %reduce_max3A_42 : vector<1024xf32> to vector<1024x1xf32>
    %sub3A = vector.broadcast %broadcast_in_dim3A_43 : vector<1024x1xf32> to vector<1024x64xf32>
    %sub3A_44 = arith.subf %add3A_41, %sub3A : vector<1024x64xf32>
    %exp3A = math.exp %sub3A_44 : vector<1024x64xf32>
    %sub3A_45 = vector.broadcast %broadcast_in_dim3A_43 : vector<1024x1xf32> to vector<1024x64xf32>
    %sub3A_46 = arith.subf %add3A_41, %sub3A_45 : vector<1024x64xf32>
    %reduce_sum3A = arith.constant dense<0.000000e+00> : vector<1024xf32>
    %reduce_sum3A_47 = vector.multi_reduction <add>, %exp3A, %reduce_sum3A [1] : vector<1024x64xf32> to vector<1024xf32>
    %broadcast_in_dim3A_48 = vector.shape_cast %reduce_sum3A_47 : vector<1024xf32> to vector<1024x1xf32>
    %log3A = math.log %broadcast_in_dim3A_48 : vector<1024x1xf32>
    %sub3A_49 = vector.broadcast %log3A : vector<1024x1xf32> to vector<1024x64xf32>
    %sub3A_50 = arith.subf %sub3A_46, %sub3A_49 : vector<1024x64xf32>
    %swap3A = arith.constant 0 : index
    %swap3A_51 = arith.constant 0 : index
    %swap3A_52 = vector.load %arg6[%swap3A, %swap3A_51] : memref<1024x64xf32, #tpu.memory_space<vmem>>, vector<1024x64xf32>
    tpu.vector_store %arg6[%swap3A, %swap3A_51], %sub3A_50 {strides = array<i32>} : memref<1024x64xf32, #tpu.memory_space<vmem>>, vector<1024x64xf32>,
    %slice3A_53 = vector.extract_strided_slice %add3A_35 {offsets = [0, 64], sizes = [1024, 64], strides = [1, 1]} : vector<1024x128xf32> to vector<1024x64xf32>
    %add3A_54 = vector.broadcast %get3A_38 : vector<1x64xf32> to vector<1024x64xf32>
    %add3A_55 = arith.addf %slice3A_53, %add3A_54 : vector<1024x64xf32>
    %reduce_max3A_56 = arith.constant dense<0xFF800000> : vector<1024xf32>
    %reduce_max3A_57 = vector.multi_reduction <maximumf>, %add3A_55, %reduce_max3A_56 [1] : vector<1024x64xf32> to vector<1024xf32>
    %broadcast_in_dim3A_58 = vector.shape_cast %reduce_max3A_57 : vector<1024xf32> to vector<1024x1xf32>
    %sub3A_59 = vector.broadcast %broadcast_in_dim3A_58 : vector<1024x1xf32> to vector<1024x64xf32>
    %sub3A_60 = arith.subf %add3A_55, %sub3A_59 : vector<1024x64xf32>
    %exp3A_61 = math.exp %sub3A_60 : vector<1024x64xf32>
    %sub3A_62 = vector.broadcast %broadcast_in_dim3A_58 : vector<1024x1xf32> to vector<1024x64xf32>
    %sub3A_63 = arith.subf %add3A_55, %sub3A_62 : vector<1024x64xf32>
    %reduce_sum3A_64 = arith.constant dense<0.000000e+00> : vector<1024xf32>
    %reduce_sum3A_65 = vector.multi_reduction <add>, %exp3A_61, %reduce_sum3A_64 [1] : vector<1024x64xf32> to vector<1024xf32>
    %broadcast_in_dim3A_66 = vector.shape_cast %reduce_sum3A_65 : vector<1024xf32> to vector<1024x1xf32>
    %log3A_67 = math.log %broadcast_in_dim3A_66 : vector<1024x1xf32>
    %sub3A_68 = vector.broadcast %log3A_67 : vector<1024x1xf32> to vector<1024x64xf32>
    %sub3A_69 = arith.subf %sub3A_63, %sub3A_68 : vector<1024x64xf32>
    %swap3A_70 = arith.constant 0 : index
    %swap3A_71 = arith.constant 0 : index
    %swap3A_72 = vector.load %arg7[%swap3A_70, %swap3A_71] : memref<1024x64xf32, #tpu.memory_space<vmem>>, vector<1024x64xf32>
    tpu.vector_store %arg7[%swap3A_70, %swap3A_71], %sub3A_69 {strides = array<i32>} : memref<1024x64xf32, #tpu.memory_space<vmem>>, vector<1024x64xf32>,
    return
  }
  func.func @transform_0(%arg0: i32) -> (i32, i32, i32) {
    %c0_i32 = arith.constant 0 : i32
    %c0_i32_0 = arith.constant 0 : i32
    %c0_i32_1 = arith.constant 0 : i32
    return %c0_i32, %arg0, %c0_i32_0 : i32, i32, i32
  }
  func.func @transform_1(%arg0: i32) -> (i32, i32) {
    %c0_i32 = arith.constant 0 : i32
    %c0_i32_0 = arith.constant 0 : i32
    return %arg0, %c0_i32 : i32, i32
  }
  func.func @transform_2(%arg0: i32) -> (i32, i32) {
    %c0_i32 = arith.constant 0 : i32
    %c0_i32_0 = arith.constant 0 : i32
    return %c0_i32, %arg0 : i32, i32
  }
  func.func @transform_3(%arg0: i32) -> (i32, i32) {
    %add3A = arith.constant 5 : i32
    %add3A_0 = arith.addi %arg0, %add3A : i32
    %c0_i32 = arith.constant 0 : i32
    %c0_i32_1 = arith.constant 0 : i32
    return %c0_i32, %add3A_0 : i32, i32
  }
  func.func @transform_4(%arg0: i32) -> (i32, i32) {
    %c0_i32 = arith.constant 0 : i32
    %c0_i32_0 = arith.constant 0 : i32
    %c0_i32_1 = arith.constant 0 : i32
    return %c0_i32, %c0_i32_0 : i32, i32
  }
  func.func @transform_5(%arg0: i32) -> (i32, i32) {
    %c0_i32 = arith.constant 0 : i32
    %c0_i32_0 = arith.constant 0 : i32
    return %arg0, %c0_i32 : i32, i32
  }
  func.func @transform_6(%arg0: i32) -> (i32, i32) {
    %c0_i32 = arith.constant 0 : i32
    %c0_i32_0 = arith.constant 0 : i32
    return %arg0, %c0_i32 : i32, i32
  }
}

</mosaic_0001>

<sc_bundles>
// kernel: kernel.11.cloned.1.call-start
scs
__scs_entry_jumppad:
0x0: {  	(pc) =	sbr.rel $0x88, $3  }
0x1: {  	(tag) =	ssettag $0x0;
	lr =	simm.s32 $0x1  }
0x2: {  	[smem:$0x3F9B] =	sst lr;
	_ =	strace $0xD0000000  }
0x3: {  	_ = 	snop  }
0x4: {  	_ = 	snop  }
0x5: {  	_ = 	snop  }
0x6: {  	_ = 	snop  }
0x7: {  	_ = 	snop  }
__scs_overlays_trampoline_lowered:
0x8: {  	[smem:$0x3FAA] =	sst s0  }
0x9: {  	[smem:$0x3FAB] =	sst s1  }
0xa: {  	[smem:$0x3FAC] =	sst s2  }
0xb: {  	[smem:$0x3FAD] =	sst s3  }
0xc: {  	[smem:$0x3FAE] =	sst s4  }
0xd: {  	[smem:$0x3FAF] =	sst s5  }
0xe: {  	[smem:$0x3FB0] =	sst s6  }
0xf: {  	[smem:$0x3FB1] =	sst s7  }
0x10: {  	[smem:$0x3FB2] =	sst s8  }
0x11: {  	[smem:$0x3FB3] =	sst s9;
	s0 =	simm.s32 @!p0 $0x0  }
0x12: {  	s1 =	sld [smem:$0x3F99];
	s0 =	simm.s32 @p0 $0x1  }
0x13: {  	[smem:$0x3FB4] =	sst s0;
	s0 =	simm.s32 @!p1 $0x0  }
0x14: {  	s2 =	sld [smem:$0x3F98];
	s0 =	simm.s32 @p1 $0x1  }
0x15: {  	[smem:$0x3FB5] =	sst s0;
	s0 =	simm.s32 @!p2 $0x0  }
0x16: {  	s3 =	sld [smem:$0x3FDB];
	s0 =	simm.s32 @p2 $0x1  }
0x17: {  	s4 =	simm.s32 $0x1BF5;
	[smem:$0x3FB7] =	sst s0  }
0x18: {  	s0 =	sld [smem:$0x3F9A];
	_ =	swait.ge [sflag:s4], $0x0  }
0x19: {  	s7 =	sld [smem:$0x3F9B]  }
0x1a: {  	s8 =	sadd.s32 $0xFFFFE003, lr  }
0x1b: {  	s9 =	sadd.s32 $0xFFFFFEF7, lr;
	s5 =	simm.s32 $0xFFFFFFFF;
	p2 =	slt.u32 s8, $0xFFFFF086  }
0x1c: {  	p1 =	slt.u32 s9, $0xF7A;
	s5 =	simm.s32 @!p2 $0x0  }
0x1d: {  	s5 =	simm.s32 @p1 $0x1;
	p0 =	seq.s32 s7, s2  }
0x1e: {  	s7 =	smul.u32 @!p0 $0xF7A, s2;
	p2 =	seq.s32 @!p0 s5, $0x0  }
0x1f: {  	s9 =	smul.u32 $0xF7A, s1;
	s8 =	simm.s32 @!p0 $0x1BF5;
	p2 =	por !p2, p0  }
0x20: {  	[sflag:s8] =	ssyncset.s32 @!p0 $0xFFFFF086;
	s6 =	sadd.s32 @!p0 s3, s7;
	s7 =	simm.s32 @!p0 $0x108  }
0x21: {  	s3 =	sadd.s32 s3, s9;
	s6 =	sadd.s32 @!p0 $0x88, s6;
	s7 =	simm.s32 @p2 $0x1082  }
0x22: {  	[simem:s7], [sflag:s8] =	dma.local @!p0 [hbm:s6], $0xF7A  }
0x23: {  	s9 =	sor.u32 $0xD0000000, s2;
	s6 =	simm.s32 $0x108;
	_ =	swait.ge @!p0 [sflag:s8], $0x0  }
0x24: {  	s3 =	sadd.s32 $0x88, s3;
	s6 =	simm.s32 @!p1 $0x1082;
	[sflag:s4] =	ssyncset.s32 $0xFFFFF086  }
0x25: {  	[simem:s6], [sflag:s4] =	dma.local [hbm:s3], $0xF7A  }
0x26: {  	[smem:$0x3F9B] =	sst s1;
	(tag) =	ssettag s2;
	_ =	strace s9  }
0x27: {  	s1 =	sld [smem:$0x3FAB]  }
0x28: {  	s2 =	sld [smem:$0x3FAC]  }
0x29: {  	s4 =	sld [smem:$0x3FAE]  }
0x2a: {  	p0 =	seq.s32 s5, $0x0;
	s5 =	sld [smem:$0x3FAF]  }
0x2b: {  	s6 =	sld [smem:$0x3FB0]  }
0x2c: {  	s7 =	sld [smem:$0x3FB1]  }
0x2d: {  	s3 =	simm.s32 $0x108;
	s8 =	sld [smem:$0x3FB2]  }
0x2e: {  	s3 =	simm.s32 @!p0 $0x1082;
	s9 =	sld [smem:$0x3FB3]  }
0x2f: {  	lr =	sadd.s32 s0, s3;
	s0 =	sld [smem:$0x3FAA]  }
0x30: {  	s3 =	sld [smem:$0x3FAD]  }
0x31: {  	[smem:$0x3FB6] =	sst s10  }
0x32: {  	s10 =	sld [smem:$0x3FB4];
	_ =	sdelay $0x3  }
0x33: {  	p0 =	seq.s32 s10, $0x1;
	s10 =	sld [smem:$0x3FB6];
	_ =	sdelay $0x3  }
0x34: {  	[smem:$0x3FB6] =	sst s10  }
0x35: {  	s10 =	sld [smem:$0x3FB5];
	_ =	sdelay $0x3  }
0x36: {  	p1 =	seq.s32 s10, $0x1;
	s10 =	sld [smem:$0x3FB6];
	_ =	sdelay $0x3  }
0x37: {  	[smem:$0x3FB6] =	sst s10  }
0x38: {  	s10 =	sld [smem:$0x3FB7]  }
0x39: {  	_ = 	snop;
	(pc) =	sbr.ind lr, $3  }
0x3a: {  	_ = 	snop  }
0x3b: {  	_ = 	snop  }
0x3c: {  	p2 =	seq.s32 s10, $0x1;
	s10 =	sld [smem:$0x3FB6]  }
0x3d: {  	_ =	shalt  }
0x3e: {  	_ =	shalt  }
0x3f: {  	_ =	shalt  }
0x40: {  	_ =	shalt  }
0x41: {  	_ =	shalt  }
0x42: {  	_ =	shalt  }
0x43: {  	_ =	shalt  }
0x44: {  	_ =	shalt  }
0x45: {  	_ =	shalt  }
0x46: {  	_ =	shalt  }
0x47: {  	_ =	shalt  }
0x48: {  	_ =	shalt  }
0x49: {  	_ =	shalt  }
0x4a: {  	_ =	shalt  }
0x4b: {  	_ =	shalt  }
0x4c: {  	_ =	shalt  }
0x4d: {  	_ =	shalt  }
0x4e: {  	_ =	shalt  }
0x4f: {  	_ =	shalt  }
0x50: {  	_ =	shalt  }
0x51: {  	_ =	shalt  }
0x52: {  	_ =	shalt  }
0x53: {  	_ =	shalt  }
0x54: {  	_ =	shalt  }
0x55: {  	_ =	shalt  }
0x56: {  	_ =	shalt  }
0x57: {  	_ =	shalt  }
0x58: {  	_ =	shalt  }
0x59: {  	_ =	shalt  }
0x5a: {  	_ =	shalt  }
0x5b: {  	_ =	shalt  }
0x5c: {  	_ =	shalt  }
0x5d: {  	_ =	shalt  }
0x5e: {  	_ =	shalt  }
0x5f: {  	_ =	shalt  }
0x60: {  	_ =	shalt  }
0x61: {  	_ =	shalt  }
0x62: {  	_ =	shalt  }
0x63: {  	_ =	shalt  }
0x64: {  	_ =	shalt  }
0x65: {  	_ =	shalt  }
0x66: {  	_ =	shalt  }
0x67: {  	_ =	shalt  }
0x68: {  	_ =	shalt  }
0x69: {  	_ =	shalt  }
0x6a: {  	_ =	shalt  }
0x6b: {  	_ =	shalt  }
0x6c: {  	_ =	shalt  }
0x6d: {  	_ =	shalt  }
0x6e: {  	_ =	shalt  }
0x6f: {  	_ =	shalt  }
0x70: {  	_ =	shalt  }
0x71: {  	_ =	shalt  }
0x72: {  	_ =	shalt  }
0x73: {  	_ =	shalt  }
0x74: {  	_ =	shalt  }
0x75: {  	_ =	shalt  }
0x76: {  	_ =	shalt  }
0x77: {  	_ =	shalt  }
0x78: {  	_ =	shalt  }
0x79: {  	_ =	shalt  }
0x7a: {  	_ =	shalt  }
0x7b: {  	_ =	shalt  }
0x7c: {  	_ =	shalt  }
0x7d: {  	_ =	shalt  }
0x7e: {  	_ =	shalt  }
0x7f: {  	_ =	shalt  }
0x80: {  	_ =	shalt  }
0x81: {  	_ =	shalt  }
0x82: {  	_ =	shalt  }
0x83: {  	_ =	shalt  }
0x84: {  	_ =	shalt  }
0x85: {  	_ =	shalt  }
0x86: {  	_ =	shalt  }
0x87: {  	_ =	shalt  }
.Lfunc_end0:
.L_simem_size_0:
called_computation.1_lowered:
.L_overlay_start_0:
0x88: {  	s2 =	sld [smem:$0x3FD9]  }
0x89: {  	s3 =	sld [smem:$0x3FFE];
	_ =	sdelay $0x1  }
0x8a: {  	s1 =	srdreg.scid  }
0x8b: {  	s0 =	sand.u32 $0x1, s1  }
0x8c: {  	s16 =	sshll.u32 s0, $0xA;
	s2 =	sadd.s32 s3, s2  }
0x8d: {  	s2 =	sadd.s32 s2, s16  }
0x8e: {  	[smem:$0x3FC2] =	sst s2  }
0x8f: {  	_ = 	snop  }
0x90: {  	(tm) =	ssettm $0x1  }
0x91: {  	s17 =	sld [smem:$0x3FFB];
	_ =	sdelay $0x3  }
0x92: {  	_ =	strace s17  }
0x93: {  	s2 =	sld [smem:$0x3FFC];
	_ =	sdelay $0x3  }
0x94: {  	_ =	strace s2  }
0x95: {  	s2 =	sld [smem:$0x3FFD];
	_ =	sdelay $0x3  }
0x96: {  	_ =	strace s2  }
0x97: {  	_ =	strace $0x8FFFFFFF  }
0x98: {  	s18 =	sld [smem:$0x3FDB];
	_ =	sdelay $0x1  }
0x99: {  	s19 =	simm.s32 $_scs_section_size  }
0x9a: {  	s4 =	simm.s32 $_size__tile_overlayer_lowered;
	s5 =	simm.s32 $_tile_overlayer_lowered  }
0x9b: {  	s22 =	simm.s32 $0x1BFF;
	s21 =	sshll.u32 s5, $0x1;
	s2 =	sadd.s32 s19, s18  }
0x9c: {  	s6 =	simm.s32 $0x0;
	s20 =	sshll.u32 s4, $0x1;
	s4 =	sadd.s32 s21, s2  }
0x9d: {  	[timem:s6], [sflag:s22] =	dma.local [hbm:s4], s20  }
0x9e: {  	_ =	swait.ge [sflag:s22], s20  }
0x9f: {  	s3 =	ssub.s32 $0x0, s20;
	[sflag:s22] =	ssyncset.done $0x0  }
0xa0: {  	[sflag:s22] =	ssyncadd.s32 s3;
	_ =	sdelay $0x1  }
0xa1: {  	s23 =	simm.s32 $0x1B8B  }
0xa2: {  	_ =	swait.ge [sflag:s23], $0x1  }
0xa3: {  	[sflag:s23] =	ssyncset.done $0x0  }
0xa4: {  	s25 =	simm.s32 $0x1B8E;
	s24 =	sld [smem:$0x3FFE];
	[sflag:s23] =	ssyncadd.s32 $0xFFFFFFFF  }
0xa5: {  	s26 =	simm.s32 $execute0_lowered;
	[smem:$0x3FD2] =	sst s25  }
0xa6: {  	s4 =	sshll.u32 s26, $0x1;
	_ =	strace $0x80000049;
	[dreg:$0x1] =	wrdreg $0xFFFFFFFF  }
0xa7: {  	s28 =	simm.s32 $_size_execute0_lowered;
	s2 =	sadd.s32 s2, s4;
	[dreg:$0x0] =	wrdreg $0x0  }
0xa8: {  	s4 =	sshll.u32 s28, $0x1;
	[dreg:$0x2] =	wrdreg s2  }
0xa9: {  	[dreg:$0x3] =	wrdreg s4  }
0xaa: {  	[dreg:$0x4] =	wrdreg $0xC0  }
0xab: {  	_ =	task [dreg:s6], $0x5FFFF  }
0xac: {  	[dreg:$0x1] =	wrdreg $0xFFFFFFFF  }
0xad: {  	[dreg:$0x0] =	wrdreg $0x60  }
0xae: {  	[dreg:$0x2] =	wrdreg s24  }
0xaf: {  	[dreg:$0x3] =	wrdreg $0x150000  }
0xb0: {  	[dreg:$0x4] =	wrdreg $0x9  }
0xb1: {  	_ =	task.clear_ibuf [dreg:s6], $0x5FFFF;
	_ =	strace $0x90000049  }
0xb2: {  	s29 =	simm.s32 $0x9;
	_ =	strace $0x8000004B  }
0xb3: {  	_ =	swait.ge [sflag:s29], $0x1  }
0xb4: {  	[sflag:s29] =	ssyncadd.s32 $0xFFFFFFFF  }
0xb5: {  	_ =	strace $0x9000004B  }
0xb6: {  	_ =	sfence  }
0xb7: {  	s30 =	sld [smem:$0x0];
	_ =	sdelay $0x2  }
0xb8: {  	s31 =	sshll.u32 s1, $0xD;
	s1 =	sshrl.u32 s1, $0x2  }
0xb9: {  	s3 =	sand.u32 $0x4000, s31;
	s1 =	sadd.s32 s1, s30  }
0xba: {  	s0 =	sor.u32 s3, s0;
	s1 =	sshll.u32 s1, $0x11  }
0xbb: {  	s0 =	sor.u32 s1, s0  }
0xbc: {  	s0 =	sadd.s32 $0x8F2B, s0  }
0xbd: {  	[sflag:s0] =	ssyncadd.remote.s32 $0x1  }
0xbe: {  	_ =	sfence.sel $0xFFFF  }
0xbf: {  	[dreg:$0x0] =	wrdreg $0xFFFFFFFF;
	(pc) =	sbr.abs _section_cstart, $3  }
0xc0: {  	[dreg:$0x1] =	wrdreg $0xFFFFFFFF  }
0xc1: {  	_ =	task.clear_ibuf [dreg:s6], $0x2FFFF;
	_ =	strace $0x9FFFFFFF  }
0xc2: {  	(tm) =	ssettm $0x7FFFFFFF  }
0xc3: {  	_ =	shalt  }
tec
execute0_lowered:
.L_overlay_start_1:
0x0: {  	(tag) =	ssettag $0x1  }
0x1: {  	s0 =	srdreg.scid;
	s5 =	rddreg [dreg:$0x0]  }
0x2: {  	s3 =	stileid.u32;
	s2 =	rddreg [dreg:$0x1]  }
0x3: {  	s25 =	simm.s32 $0x0;
	s14 =	simm.s32 $0x5000;
	s15 =	simm.s32 $0x11  }
0x4: {  	s20 =	simm.s32 $0x9000;
	s28 =	simm.s32 $0xF000;
	s30 =	simm.s32 $0x11000  }
0x5: {  	s29 =	simm.s32 $0x6;
	s31 =	simm.s32 $0x8;
	s10 =	simm.s32 $0xD  }
0x6: {  	s11 =	simm.s32 $0xE;
	s12 =	simm.s32 $0xF;
	s13 =	simm.s32 $0x10  }
0x7: {  	s0 =	sand.u32 $0x1, s0;
	[smem:$0x7FF] =	sst s25;
	s7 =	smul.u32 $0xA000, s3  }
0x8: {  	s4 =	sadd.s32 $0x17800, s5;
	s8 =	smul.u32 $0x28000, s3;
	s1 =	sshll.u32 s0, $0x4  }
0x9: {  	s6 =	smul.u32 $0xA0000, s0;
	_ =	strace $0x8000004A;
	s0 =	ssub.s32 $0x2, s0  }
0xa: {  	s1 =	sor.u32 s3, s1;
	s9 =	sshrl.u32 s0, $0x1;
	s8 =	sshrl.u32 s8, $0x2  }
0xb: {  	s19 =	sadd.s32 s7, s2;
	s1 =	smul.u32 $0x500, s1;
	s6 =	sadd.s32 s7, s6  }
0xc: {  	s0 =	ssub.s32 s0, s9;
	s16 =	sadd.s32 s8, s2;
	s26 =	sshrl.u32 s19, $0x3  }
0xd: {  	s19 =	simm.s32 $0x2;
	s7 =	simm.s32 $0xA;
	[dreg:$0x4] =	wrdreg s16  }
0xe: {  	s8 =	simm.s32 $0xB;
	s0 =	smax.u32 s0, $0x1;
	[dreg:$0xd] =	wrdreg s26  }
0xf: {  	s9 =	simm.s32 $0xC;
	s21 =	sadd.s32 $0x2000, s16;
	[dreg:$0x8] =	wrdreg s0  }
0x10: {  	s6 =	sshrl.u32 s6, $0x3;
	s22 =	sadd.s32 $0x4000, s16;
	[dreg:$0x9] =	wrdreg s21  }
0x11: {  	s23 =	sadd.s32 $0x6000, s16;
	s24 =	sadd.s32 $0x8000, s16;
	[dreg:$0xa] =	wrdreg s22  }
0x12: {  	s16 =	simm.s32 $0x1;
	s26 =	simm.s32 $0x5;
	[dreg:$0xb] =	wrdreg s23  }
0x13: {  	s1 =	sadd.s32 s1, s5;
	s5 =	sadd.s32 s6, s5;
	[dreg:$0xc] =	wrdreg s24  }
0x14: {  	s22 =	simm.s32 $0xB000;
	s24 =	simm.s32 $0xD000;
	s17 =	sadd.s32 $0xD800, s1  }
0x15: {  	s21 =	simm.s32 $0x3;
	s1 =	sadd.s32 $0x3800, s1;
	[dreg:$0x5] =	wrdreg s17  }
0x16: {  	s23 =	simm.s32 $0x4;
	s18 =	sadd.s32 $0x2B800, s5;
	[dreg:$0x6] =	wrdreg s1  }
0x17: {  	s0 =	simm.s32 $0x7;
	s6 =	simm.s32 $0x9;
	[dreg:$0x7] =	wrdreg s18  }
0x18: {  	v0 =	vimm.f32 $0.0e+00;
	s17 =	simm.s32 $0x80;
	s18 =	simm.s32 $0x7000;
	s1 =	simm.s32 $0x13000  }
.LBB2_1:
0x19: {  	[dreg:$0x3] =	wrdreg s25;
	s25 =	simm.s32 $0x100;
	s5 =	simm.s32 $0x0  }
.LBB2_2:
0x1a: {  	p0 =	sne.s32 s25, $0x7F00;
	[tilespmem:s5+$0x5030] =	vst v0;
	s3 =	smov.u32 s25;
	s25 =	sadd.s32 $0x100, s25  }
.Ltmp0:
0x1b: {  	[tilespmem:s5+$0x5020] =	vst v0;
	(pc) =	sbr.rel @p0 .LBB2_2-.Ltmp0, $3  }
0x1c: {  	[tilespmem:s5+$0x5000] =	vst v0  }
0x1d: {  	[tilespmem:s5+$0x5010] =	vst v0;
	_ =	sdelay $0x1  }
0x1e: {  	s5 =	sshra.s32 s3, $0x2  }
0x1f: {  	[tilespmem:s5+$0x5030] =	vst v0  }
0x20: {  	[tilespmem:s5+$0x5020] =	vst v0  }
0x21: {  	[tilespmem:s5+$0x5000] =	vst v0  }
0x22: {  	[tilespmem:s5+$0x5010] =	vst v0;
	s3 =	rddreg [dreg:$0x4]  }
0x23: {  	[spmem:s3] =	stream.linear.scatter [tilespmem:s14], [sflag:$0x11], $0x2000, $0x38;
	[tilespmem:$0x1F000] =	vst v63  }
0x24: {  	_ =	swait.ge [sflag:s15], $0x2000  }
0x25: {  	[sflag:s15] =	ssyncset.done $0x0  }
0x26: {  	s25 =	rddreg [dreg:$0x9];
	[sflag:s15] =	ssyncadd.s32 $0xFFFFE000  }
0x27: {  	[spmem:s25] =	stream.linear.scatter [tilespmem:s14], [sflag:$0x11], $0x2000, $0x38;
	[tilespmem:$0x1F000] =	vst v63  }
0x28: {  	_ =	swait.ge [sflag:s15], $0x2000  }
0x29: {  	[sflag:s15] =	ssyncset.done $0x0  }
0x2a: {  	s5 =	rddreg [dreg:$0xa];
	[sflag:s15] =	ssyncadd.s32 $0xFFFFE000  }
0x2b: {  	[spmem:s5] =	stream.linear.scatter [tilespmem:s14], [sflag:$0x11], $0x2000, $0x38;
	[tilespmem:$0x1F000] =	vst v63  }
0x2c: {  	_ =	swait.ge [sflag:s15], $0x2000  }
0x2d: {  	[sflag:s15] =	ssyncset.done $0x0  }
0x2e: {  	s25 =	rddreg [dreg:$0xb];
	[sflag:s15] =	ssyncadd.s32 $0xFFFFE000  }
0x2f: {  	[spmem:s25] =	stream.linear.scatter [tilespmem:s14], [sflag:$0x11], $0x2000, $0x38;
	[tilespmem:$0x1F000] =	vst v63  }
0x30: {  	_ =	swait.ge [sflag:s15], $0x2000  }
0x31: {  	[sflag:s15] =	ssyncset.done $0x0  }
0x32: {  	s5 =	rddreg [dreg:$0xc];
	[sflag:s15] =	ssyncadd.s32 $0xFFFFE000  }
0x33: {  	[spmem:s5] =	stream.linear.scatter [tilespmem:s14], [sflag:$0x11], $0x2000, $0x38;
	[tilespmem:$0x1F000] =	vst v63  }
0x34: {  	_ =	swait.ge [sflag:s15], $0x2000  }
0x35: {  	[sflag:s15] =	ssyncset.done $0x0  }
0x36: {  	s3 =	simm.s32 $0x0;
	s25 =	rddreg [dreg:$0x5];
	[sflag:s15] =	ssyncadd.s32 $0xFFFFE000  }
0x37: {  	[tilespmem:s3], [sflag:$0x11] =	stream.linear.gather [hbm4b:s25+s3], $0x2800, $0x38;
	[tilespmem:$0x1F000] =	vst v63  }
0x38: {  	_ =	swait.ge [sflag:s15], $0x2800  }
0x39: {  	[sflag:s15] =	ssyncset.done $0x0  }
0x3a: {  	s25 =	simm.s32 $0x2800;
	s5 =	rddreg [dreg:$0x6];
	[sflag:s15] =	ssyncadd.s32 $0xFFFFD800  }
0x3b: {  	[tilespmem:s25], [sflag:$0x11] =	stream.linear.gather [hbm4b:s5+s3], $0x2800, $0x38;
	[tilespmem:$0x1F000] =	vst v63  }
0x3c: {  	_ =	swait.ge [sflag:s15], $0x2800  }
0x3d: {  	[sflag:s15] =	ssyncset.done $0x0  }
0x3e: {  	[sflag:s15] =	ssyncadd.s32 $0xFFFFD800  }
0x3f: {  	[bflag:$0x0] =	sbarrier.arrive $0xFFFF  }
0x40: {  	[tilespmem:s14], [sflag:$0x1] =	stream.indirect.gather [hbm4b:s4+s17], $0x40, s3, s17, $0xb8;
	[tilespmem:$0x1F000] =	vst v63  }
0x41: {  	_ = 	snop  }
0x42: {  	[tilespmem:s18], [sflag:$0x2] =	stream.indirect.gather [hbm4b:s4+s17], $0x40, s17, s17, $0xb8;
	[tilespmem:$0x1F000] =	vst v63  }
0x43: {  	s25 =	simm.s32 $0x100  }
0x44: {  	[tilespmem:s20], [sflag:$0x3] =	stream.indirect.gather [hbm4b:s4+s17], $0x40, s25, s17, $0xb8;
	[tilespmem:$0x1F000] =	vst v63  }
0x45: {  	s5 =	simm.s32 $0x180  }
0x46: {  	[tilespmem:s22], [sflag:$0x4] =	stream.indirect.gather [hbm4b:s4+s17], $0x40, s5, s17, $0xb8;
	[tilespmem:$0x1F000] =	vst v63  }
0x47: {  	s25 =	simm.s32 $0x200  }
0x48: {  	[tilespmem:s24], [sflag:$0x5] =	stream.indirect.gather [hbm4b:s4+s17], $0x40, s25, s17, $0xb8;
	[tilespmem:$0x1F000] =	vst v63  }
0x49: {  	s5 =	simm.s32 $0x280  }
0x4a: {  	[tilespmem:s28], [sflag:$0x6] =	stream.indirect.gather [hbm4b:s4+s17], $0x40, s5, s17, $0xb8;
	[tilespmem:$0x1F000] =	vst v63  }
0x4b: {  	s25 =	simm.s32 $0x300  }
0x4c: {  	[tilespmem:s30], [sflag:$0x7] =	stream.indirect.gather [hbm4b:s4+s17], $0x40, s25, s17, $0xb8;
	[tilespmem:$0x1F000] =	vst v63  }
0x4d: {  	s5 =	simm.s32 $0x380  }
0x4e: {  	[tilespmem:s1], [sflag:$0x8] =	stream.indirect.gather [hbm4b:s4+s17], $0x40, s5, s17, $0xb8;
	[tilespmem:$0x1F000] =	vst v63  }
0x4f: {  	_ =	swait.ge [sflag:s16], $0x2000  }
0x50: {  	[sflag:s16] =	ssyncset.done $0x0  }
0x51: {  	s25 =	simm.s32 $0x2800;
	[sflag:s16] =	ssyncadd.s32 $0xFFFFE000  }
0x52: {  	[spmem:s2] =	stream.indirect.scatter.add.f32 [tilespmem:s14], [sflag:$0x9], $0x40, s25, s17, $0xb8;
	[tilespmem:$0x1F000] =	vst v63  }
0x53: {  	_ =	swait.ge [sflag:s19], $0x2000  }
0x54: {  	[sflag:s19] =	ssyncset.done $0x0  }
0x55: {  	s5 =	simm.s32 $0x2880;
	[sflag:s19] =	ssyncadd.s32 $0xFFFFE000  }
0x56: {  	[spmem:s2] =	stream.indirect.scatter.add.f32 [tilespmem:s18], [sflag:$0xA], $0x40, s5, s17, $0xb8;
	[tilespmem:$0x1F000] =	vst v63  }
0x57: {  	_ =	swait.ge [sflag:s21], $0x2000  }
0x58: {  	[sflag:s21] =	ssyncset.done $0x0  }
0x59: {  	s25 =	simm.s32 $0x2900;
	[sflag:s21] =	ssyncadd.s32 $0xFFFFE000  }
0x5a: {  	[spmem:s2] =	stream.indirect.scatter.add.f32 [tilespmem:s20], [sflag:$0xB], $0x40, s25, s17, $0xb8;
	[tilespmem:$0x1F000] =	vst v63  }
0x5b: {  	_ =	swait.ge [sflag:s23], $0x2000  }
0x5c: {  	[sflag:s23] =	ssyncset.done $0x0  }
0x5d: {  	s5 =	simm.s32 $0x2980;
	[sflag:s23] =	ssyncadd.s32 $0xFFFFE000  }
0x5e: {  	[spmem:s2] =	stream.indirect.scatter.add.f32 [tilespmem:s22], [sflag:$0xC], $0x40, s5, s17, $0xb8;
	[tilespmem:$0x1F000] =	vst v63  }
0x5f: {  	_ =	swait.ge [sflag:s26], $0x2000  }
0x60: {  	[sflag:s26] =	ssyncset.done $0x0  }
0x61: {  	s25 =	simm.s32 $0x2A00;
	[sflag:s26] =	ssyncadd.s32 $0xFFFFE000  }
0x62: {  	[spmem:s2] =	stream.indirect.scatter.add.f32 [tilespmem:s24], [sflag:$0xD], $0x40, s25, s17, $0xb8;
	[tilespmem:$0x1F000] =	vst v63  }
0x63: {  	_ =	swait.ge [sflag:s29], $0x2000  }
0x64: {  	[sflag:s29] =	ssyncset.done $0x0  }
0x65: {  	s5 =	simm.s32 $0x2A80;
	[sflag:s29] =	ssyncadd.s32 $0xFFFFE000  }
0x66: {  	[spmem:s2] =	stream.indirect.scatter.add.f32 [tilespmem:s28], [sflag:$0xE], $0x40, s5, s17, $0xb8;
	[tilespmem:$0x1F000] =	vst v63  }
0x67: {  	_ =	swait.ge [sflag:s0], $0x2000  }
0x68: {  	[sflag:s0] =	ssyncset.done $0x0  }
0x69: {  	s25 =	simm.s32 $0x2B00;
	[sflag:s0] =	ssyncadd.s32 $0xFFFFE000  }
0x6a: {  	[spmem:s2] =	stream.indirect.scatter.add.f32 [tilespmem:s30], [sflag:$0xF], $0x40, s25, s17, $0xb8;
	[tilespmem:$0x1F000] =	vst v63  }
0x6b: {  	_ =	swait.ge [sflag:s31], $0x2000  }
0x6c: {  	[sflag:s31] =	ssyncset.done $0x0  }
0x6d: {  	s5 =	simm.s32 $0x2B80;
	[sflag:s31] =	ssyncadd.s32 $0xFFFFE000  }
0x6e: {  	[spmem:s2] =	stream.indirect.scatter.add.f32 [tilespmem:s1], [sflag:$0x10], $0x40, s5, s17, $0xb8;
	[tilespmem:$0x1F000] =	vst v63  }
0x6f: {  	_ =	swait.ge [sflag:s6], $0x2000  }
0x70: {  	[sflag:s6] =	ssyncset.done $0x0  }
0x71: {  	s25 =	simm.s32 $0x400;
	[sflag:s6] =	ssyncadd.s32 $0xFFFFE000  }
0x72: {  	[tilespmem:s14], [sflag:$0x1] =	stream.indirect.gather [hbm4b:s4+s17], $0x40, s25, s17, $0xb8;
	[tilespmem:$0x1F000] =	vst v63  }
0x73: {  	_ =	swait.ge [sflag:s7], $0x2000  }
0x74: {  	[sflag:s7] =	ssyncset.done $0x0  }
0x75: {  	s5 =	simm.s32 $0x480;
	[sflag:s7] =	ssyncadd.s32 $0xFFFFE000  }
0x76: {  	[tilespmem:s18], [sflag:$0x2] =	stream.indirect.gather [hbm4b:s4+s17], $0x40, s5, s17, $0xb8;
	[tilespmem:$0x1F000] =	vst v63  }
0x77: {  	_ =	swait.ge [sflag:s8], $0x2000  }
0x78: {  	[sflag:s8] =	ssyncset.done $0x0  }
0x79: {  	s25 =	simm.s32 $0x500;
	[sflag:s8] =	ssyncadd.s32 $0xFFFFE000  }
0x7a: {  	[tilespmem:s20], [sflag:$0x3] =	stream.indirect.gather [hbm4b:s4+s17], $0x40, s25, s17, $0xb8;
	[tilespmem:$0x1F000] =	vst v63  }
0x7b: {  	_ =	swait.ge [sflag:s9], $0x2000  }
0x7c: {  	[sflag:s9] =	ssyncset.done $0x0  }
0x7d: {  	s5 =	simm.s32 $0x580;
	[sflag:s9] =	ssyncadd.s32 $0xFFFFE000  }
0x7e: {  	[tilespmem:s22], [sflag:$0x4] =	stream.indirect.gather [hbm4b:s4+s17], $0x40, s5, s17, $0xb8;
	[tilespmem:$0x1F000] =	vst v63  }
0x7f: {  	_ =	swait.ge [sflag:s10], $0x2000  }
0x80: {  	[sflag:s10] =	ssyncset.done $0x0  }
0x81: {  	s25 =	simm.s32 $0x600;
	[sflag:s10] =	ssyncadd.s32 $0xFFFFE000  }
0x82: {  	[tilespmem:s24], [sflag:$0x5] =	stream.indirect.gather [hbm4b:s4+s17], $0x40, s25, s17, $0xb8;
	[tilespmem:$0x1F000] =	vst v63  }
0x83: {  	_ =	swait.ge [sflag:s11], $0x2000  }
0x84: {  	[sflag:s11] =	ssyncset.done $0x0  }
0x85: {  	s5 =	simm.s32 $0x680;
	[sflag:s11] =	ssyncadd.s32 $0xFFFFE000  }
0x86: {  	[tilespmem:s28], [sflag:$0x6] =	stream.indirect.gather [hbm4b:s4+s17], $0x40, s5, s17, $0xb8;
	[tilespmem:$0x1F000] =	vst v63  }
0x87: {  	_ =	swait.ge [sflag:s12], $0x2000  }
0x88: {  	[sflag:s12] =	ssyncset.done $0x0  }
0x89: {  	s25 =	simm.s32 $0x700;
	[sflag:s12] =	ssyncadd.s32 $0xFFFFE000  }
0x8a: {  	[tilespmem:s30], [sflag:$0x7] =	stream.indirect.gather [hbm4b:s4+s17], $0x40, s25, s17, $0xb8;
	[tilespmem:$0x1F000] =	vst v63  }
0x8b: {  	_ =	swait.ge [sflag:s13], $0x2000  }
0x8c: {  	[sflag:s13] =	ssyncset.done $0x0  }
0x8d: {  	s5 =	simm.s32 $0x780;
	s25 =	simm.s32 $0x1000;
	[sflag:s13] =	ssyncadd.s32 $0xFFFFE000  }
.LBB2_4:
0x8e: {  	[tilespmem:s1], [sflag:$0x8] =	stream.indirect.gather [hbm4b:s4+s17], $0x40, s5, s17, $0xb8;
	[tilespmem:$0x1F000] =	vst v63  }
0x8f: {  	s3 =	smov.u32 s25  }
0x90: {  	p0 =	sne.s32 s25, $0x8000;
	s25 =	sadd.s32 $0x1000, s25;
	_ =	swait.ge [sflag:s16], $0x2000  }
0x91: {  	s5 =	sshra.s32 s3, $0x2;
	[sflag:s16] =	ssyncset.done $0x0  }
0x92: {  	s3 =	sadd.s32 $0x2800, s5;
	[sflag:s16] =	ssyncadd.s32 $0xFFFFE000  }
0x93: {  	[spmem:s2] =	stream.indirect.scatter.add.f32 [tilespmem:s14], [sflag:$0x9], $0x40, s3, s17, $0xb8;
	[tilespmem:$0x1F000] =	vst v63  }
0x94: {  	_ =	swait.ge [sflag:s19], $0x2000  }
0x95: {  	[sflag:s19] =	ssyncset.done $0x0  }
0x96: {  	s3 =	sadd.s32 $0x2880, s5;
	[sflag:s19] =	ssyncadd.s32 $0xFFFFE000  }
0x97: {  	[spmem:s2] =	stream.indirect.scatter.add.f32 [tilespmem:s18], [sflag:$0xA], $0x40, s3, s17, $0xb8;
	[tilespmem:$0x1F000] =	vst v63  }
0x98: {  	_ =	swait.ge [sflag:s21], $0x2000  }
0x99: {  	[sflag:s21] =	ssyncset.done $0x0  }
0x9a: {  	s3 =	sadd.s32 $0x2900, s5;
	[sflag:s21] =	ssyncadd.s32 $0xFFFFE000  }
0x9b: {  	[spmem:s2] =	stream.indirect.scatter.add.f32 [tilespmem:s20], [sflag:$0xB], $0x40, s3, s17, $0xb8;
	[tilespmem:$0x1F000] =	vst v63  }
0x9c: {  	_ =	swait.ge [sflag:s23], $0x2000  }
0x9d: {  	[sflag:s23] =	ssyncset.done $0x0  }
0x9e: {  	s3 =	sadd.s32 $0x2980, s5;
	[sflag:s23] =	ssyncadd.s32 $0xFFFFE000  }
0x9f: {  	[spmem:s2] =	stream.indirect.scatter.add.f32 [tilespmem:s22], [sflag:$0xC], $0x40, s3, s17, $0xb8;
	[tilespmem:$0x1F000] =	vst v63  }
0xa0: {  	_ =	swait.ge [sflag:s26], $0x2000  }
0xa1: {  	[sflag:s26] =	ssyncset.done $0x0  }
0xa2: {  	s3 =	sadd.s32 $0x2A00, s5;
	[sflag:s26] =	ssyncadd.s32 $0xFFFFE000  }
0xa3: {  	[spmem:s2] =	stream.indirect.scatter.add.f32 [tilespmem:s24], [sflag:$0xD], $0x40, s3, s17, $0xb8;
	[tilespmem:$0x1F000] =	vst v63  }
0xa4: {  	_ =	swait.ge [sflag:s29], $0x2000  }
0xa5: {  	[sflag:s29] =	ssyncset.done $0x0  }
0xa6: {  	s3 =	sadd.s32 $0x2A80, s5;
	[sflag:s29] =	ssyncadd.s32 $0xFFFFE000  }
0xa7: {  	[spmem:s2] =	stream.indirect.scatter.add.f32 [tilespmem:s28], [sflag:$0xE], $0x40, s3, s17, $0xb8;
	[tilespmem:$0x1F000] =	vst v63  }
0xa8: {  	_ =	swait.ge [sflag:s0], $0x2000  }
0xa9: {  	[sflag:s0] =	ssyncset.done $0x0  }
0xaa: {  	s3 =	sadd.s32 $0x2B00, s5;
	[sflag:s0] =	ssyncadd.s32 $0xFFFFE000  }
0xab: {  	[spmem:s2] =	stream.indirect.scatter.add.f32 [tilespmem:s30], [sflag:$0xF], $0x40, s3, s17, $0xb8;
	[tilespmem:$0x1F000] =	vst v63  }
0xac: {  	_ =	swait.ge [sflag:s31], $0x2000  }
0xad: {  	[sflag:s31] =	ssyncset.done $0x0  }
0xae: {  	s3 =	sadd.s32 $0x2B80, s5;
	[sflag:s31] =	ssyncadd.s32 $0xFFFFE000  }
0xaf: {  	[spmem:s2] =	stream.indirect.scatter.add.f32 [tilespmem:s1], [sflag:$0x10], $0x40, s3, s17, $0xb8;
	[tilespmem:$0x1F000] =	vst v63  }
0xb0: {  	_ =	swait.ge [sflag:s6], $0x2000  }
0xb1: {  	[sflag:s6] =	ssyncset.done $0x0  }
0xb2: {  	s3 =	sadd.s32 $0x400, s5;
	[sflag:s6] =	ssyncadd.s32 $0xFFFFE000  }
0xb3: {  	[tilespmem:s14], [sflag:$0x1] =	stream.indirect.gather [hbm4b:s4+s17], $0x40, s3, s17, $0xb8;
	[tilespmem:$0x1F000] =	vst v63  }
0xb4: {  	_ =	swait.ge [sflag:s7], $0x2000  }
0xb5: {  	[sflag:s7] =	ssyncset.done $0x0  }
0xb6: {  	s3 =	sadd.s32 $0x480, s5;
	[sflag:s7] =	ssyncadd.s32 $0xFFFFE000  }
0xb7: {  	[tilespmem:s18], [sflag:$0x2] =	stream.indirect.gather [hbm4b:s4+s17], $0x40, s3, s17, $0xb8;
	[tilespmem:$0x1F000] =	vst v63  }
0xb8: {  	_ =	swait.ge [sflag:s8], $0x2000  }
0xb9: {  	[sflag:s8] =	ssyncset.done $0x0  }
0xba: {  	s3 =	sadd.s32 $0x500, s5;
	[sflag:s8] =	ssyncadd.s32 $0xFFFFE000  }
0xbb: {  	[tilespmem:s20], [sflag:$0x3] =	stream.indirect.gather [hbm4b:s4+s17], $0x40, s3, s17, $0xb8;
	[tilespmem:$0x1F000] =	vst v63  }
0xbc: {  	_ =	swait.ge [sflag:s9], $0x2000  }
0xbd: {  	[sflag:s9] =	ssyncset.done $0x0  }
0xbe: {  	s3 =	sadd.s32 $0x580, s5;
	[sflag:s9] =	ssyncadd.s32 $0xFFFFE000  }
0xbf: {  	[tilespmem:s22], [sflag:$0x4] =	stream.indirect.gather [hbm4b:s4+s17], $0x40, s3, s17, $0xb8;
	[tilespmem:$0x1F000] =	vst v63  }
0xc0: {  	_ =	swait.ge [sflag:s10], $0x2000  }
0xc1: {  	[sflag:s10] =	ssyncset.done $0x0  }
0xc2: {  	s3 =	sadd.s32 $0x600, s5;
	[sflag:s10] =	ssyncadd.s32 $0xFFFFE000  }
0xc3: {  	[tilespmem:s24], [sflag:$0x5] =	stream.indirect.gather [hbm4b:s4+s17], $0x40, s3, s17, $0xb8;
	[tilespmem:$0x1F000] =	vst v63  }
0xc4: {  	_ =	swait.ge [sflag:s11], $0x2000  }
0xc5: {  	[sflag:s11] =	ssyncset.done $0x0  }
0xc6: {  	s3 =	sadd.s32 $0x680, s5;
	[sflag:s11] =	ssyncadd.s32 $0xFFFFE000  }
0xc7: {  	[tilespmem:s28], [sflag:$0x6] =	stream.indirect.gather [hbm4b:s4+s17], $0x40, s3, s17, $0xb8;
	[tilespmem:$0x1F000] =	vst v63  }
0xc8: {  	_ =	swait.ge [sflag:s12], $0x2000  }
0xc9: {  	[sflag:s12] =	ssyncset.done $0x0  }
.Ltmp1:
0xca: {  	s3 =	sadd.s32 $0x700, s5;
	[sflag:s12] =	ssyncadd.s32 $0xFFFFE000;
	(pc) =	sbr.rel @p0 .LBB2_4-.Ltmp1, $4  }
0xcb: {  	[tilespmem:s30], [sflag:$0x7] =	stream.indirect.gather [hbm4b:s4+s17], $0x40, s3, s17, $0xb8;
	[tilespmem:$0x1F000] =	vst v63  }
0xcc: {  	_ =	swait.ge [sflag:s13], $0x2000  }
0xcd: {  	[sflag:s13] =	ssyncset.done $0x0  }
0xce: {  	s5 =	sadd.s32 $0x780, s5;
	[sflag:s13] =	ssyncadd.s32 $0xFFFFE000  }
0xcf: {  	[tilespmem:s1], [sflag:$0x8] =	stream.indirect.gather [hbm4b:s4+s17], $0x40, s5, s17, $0xb8;
	[tilespmem:$0x1F000] =	vst v63  }
0xd0: {  	_ =	swait.ge [sflag:s16], $0x2000  }
0xd1: {  	[sflag:s16] =	ssyncset.done $0x0  }
0xd2: {  	s3 =	simm.s32 $0x4C00;
	[sflag:s16] =	ssyncadd.s32 $0xFFFFE000  }
0xd3: {  	[spmem:s2] =	stream.indirect.scatter.add.f32 [tilespmem:s14], [sflag:$0x9], $0x40, s3, s17, $0xb8;
	[tilespmem:$0x1F000] =	vst v63  }
0xd4: {  	_ =	swait.ge [sflag:s19], $0x2000  }
0xd5: {  	[sflag:s19] =	ssyncset.done $0x0  }
0xd6: {  	s5 =	simm.s32 $0x4C80;
	[sflag:s19] =	ssyncadd.s32 $0xFFFFE000  }
0xd7: {  	[spmem:s2] =	stream.indirect.scatter.add.f32 [tilespmem:s18], [sflag:$0xA], $0x40, s5, s17, $0xb8;
	[tilespmem:$0x1F000] =	vst v63  }
0xd8: {  	_ =	swait.ge [sflag:s21], $0x2000  }
0xd9: {  	[sflag:s21] =	ssyncset.done $0x0  }
0xda: {  	s25 =	simm.s32 $0x4D00;
	[sflag:s21] =	ssyncadd.s32 $0xFFFFE000  }
0xdb: {  	[spmem:s2] =	stream.indirect.scatter.add.f32 [tilespmem:s20], [sflag:$0xB], $0x40, s25, s17, $0xb8;
	[tilespmem:$0x1F000] =	vst v63  }
0xdc: {  	_ =	swait.ge [sflag:s23], $0x2000  }
0xdd: {  	[sflag:s23] =	ssyncset.done $0x0  }
0xde: {  	s5 =	simm.s32 $0x4D80;
	[sflag:s23] =	ssyncadd.s32 $0xFFFFE000  }
0xdf: {  	[spmem:s2] =	stream.indirect.scatter.add.f32 [tilespmem:s22], [sflag:$0xC], $0x40, s5, s17, $0xb8;
	[tilespmem:$0x1F000] =	vst v63  }
0xe0: {  	_ =	swait.ge [sflag:s26], $0x2000  }
0xe1: {  	[sflag:s26] =	ssyncset.done $0x0  }
0xe2: {  	s25 =	simm.s32 $0x4E00;
	[sflag:s26] =	ssyncadd.s32 $0xFFFFE000  }
0xe3: {  	[spmem:s2] =	stream.indirect.scatter.add.f32 [tilespmem:s24], [sflag:$0xD], $0x40, s25, s17, $0xb8;
	[tilespmem:$0x1F000] =	vst v63  }
0xe4: {  	_ =	swait.ge [sflag:s29], $0x2000  }
0xe5: {  	[sflag:s29] =	ssyncset.done $0x0  }
0xe6: {  	s5 =	simm.s32 $0x4E80;
	[sflag:s29] =	ssyncadd.s32 $0xFFFFE000  }
0xe7: {  	[spmem:s2] =	stream.indirect.scatter.add.f32 [tilespmem:s28], [sflag:$0xE], $0x40, s5, s17, $0xb8;
	[tilespmem:$0x1F000] =	vst v63  }
0xe8: {  	_ =	swait.ge [sflag:s0], $0x2000  }
0xe9: {  	[sflag:s0] =	ssyncset.done $0x0  }
0xea: {  	s25 =	simm.s32 $0x4F00;
	[sflag:s0] =	ssyncadd.s32 $0xFFFFE000  }
0xeb: {  	[spmem:s2] =	stream.indirect.scatter.add.f32 [tilespmem:s30], [sflag:$0xF], $0x40, s25, s17, $0xb8;
	[tilespmem:$0x1F000] =	vst v63  }
0xec: {  	_ =	swait.ge [sflag:s31], $0x2000  }
0xed: {  	[sflag:s31] =	ssyncset.done $0x0  }
0xee: {  	s5 =	simm.s32 $0x4F80;
	[sflag:s31] =	ssyncadd.s32 $0xFFFFE000  }
0xef: {  	[spmem:s2] =	stream.indirect.scatter.add.f32 [tilespmem:s1], [sflag:$0x10], $0x40, s5, s17, $0xb8;
	[tilespmem:$0x1F000] =	vst v63  }
0xf0: {  	_ =	swait.ge [sflag:s6], $0x2000  }
0xf1: {  	[sflag:s6] =	ssyncset.done $0x0  }
0xf2: {  	[sflag:s6] =	ssyncadd.s32 $0xFFFFE000  }
0xf3: {  	_ =	swait.ge [sflag:s7], $0x2000  }
0xf4: {  	[sflag:s7] =	ssyncset.done $0x0  }
0xf5: {  	[sflag:s7] =	ssyncadd.s32 $0xFFFFE000  }
0xf6: {  	_ =	swait.ge [sflag:s8], $0x2000  }
0xf7: {  	[sflag:s8] =	ssyncset.done $0x0  }
0xf8: {  	[sflag:s8] =	ssyncadd.s32 $0xFFFFE000  }
0xf9: {  	_ =	swait.ge [sflag:s9], $0x2000  }
0xfa: {  	[sflag:s9] =	ssyncset.done $0x0  }
0xfb: {  	[sflag:s9] =	ssyncadd.s32 $0xFFFFE000  }
0xfc: {  	_ =	swait.ge [sflag:s10], $0x2000  }
0xfd: {  	[sflag:s10] =	ssyncset.done $0x0  }
0xfe: {  	[sflag:s10] =	ssyncadd.s32 $0xFFFFE000  }
0xff: {  	_ =	swait.ge [sflag:s11], $0x2000  }
0x100: {  	[sflag:s11] =	ssyncset.done $0x0  }
0x101: {  	[sflag:s11] =	ssyncadd.s32 $0xFFFFE000  }
0x102: {  	_ =	swait.ge [sflag:s12], $0x2000  }
0x103: {  	[sflag:s12] =	ssyncset.done $0x0  }
0x104: {  	[sflag:s12] =	ssyncadd.s32 $0xFFFFE000  }
0x105: {  	_ =	swait.ge [sflag:s13], $0x2000  }
0x106: {  	[sflag:s13] =	ssyncset.done $0x0  }
0x107: {  	[sflag:s13] =	ssyncadd.s32 $0xFFFFE000  }
0x108: {  	s25 =	stileid.u32;
	[bflag:$0x0] =	sbarrier.arrive $0xFFFF  }
0x109: {  	s3 =	sshll.u32 s25, $0x6;
	s5 =	rddreg [dreg:$0x7]  }
0x10a: {  	s3 =	sor.u32 $0x1C11, s3;
	s25 =	rddreg [dreg:$0xd]  }
0x10b: {  	[hbm:s5], [sflag:s3] =	dma.local [spmem:s25], $0x1400  }
0x10c: {  	_ =	swait.ge [sflag:s15], $0x1400  }
0x10d: {  	s3 =	rddreg [dreg:$0x3]  }
0x10e: {  	s5 =	rddreg [dreg:$0x8];
	s25 =	sadd.s32 $0x1, s3  }
0x10f: {  	p0 =	sne.s32 s25, s5  }
.Ltmp2:
0x110: {  	_ = 	snop;
	(pc) =	sbr.rel @p0 .LBB2_1-.Ltmp2, $3  }
0x111: {  	_ =	sdelay $0x1  }
0x112: {  	[sflag:s15] =	ssyncset.done $0x0  }
0x113: {  	[sflag:s15] =	ssyncadd.s32 $0xFFFFEC00  }
0x114: {  	_ =	sfence.sel $0x180000  }
0x115: {  	[bflag:$0x0] =	sbarrier.arrive $0xFFFF  }
0x116: {  	_ =	strace $0x9000004A  }
0x117: {  	s0 =	stileid.u32;
	[bflag:$0x2] =	sbarrier.arrive $0xFFFF  }
0x118: {  	p0 =	sne.s32 s0, $0x0;
	s0 =	rddreg [dreg:$0x2]  }
0x119: {  	s0 =	sadd.s32 @!p0 $0x100000, s0  }
0x11a: {  	[sflag:s0] =	ssyncadd.tile.s32 @!p0 $0x1;
	_ =	shalt  }
.Lfunc_end2:
_tile_overlayer_lowered:
.L_overlay_start_2:
0x11b: {  	(tag) =	ssettag $0x2  }
0x11c: {  	s0 =	rddreg [dreg:$0x0];
	s2 =	stileid.u32  }
0x11d: {  	s1 =	rddreg [dreg:$0x1];
	p0 =	sne.s32 s2, $0x0  }
0x11e: {  	s3 =	rddreg [dreg:$0x2];
	[bflag:$0x3] =	sbarrier.arrive $0xFFFF;
	s2 =	simm.s32 @!p0 $0x1C11  }
0x11f: {  	[timem:s3], [sflag:s2] =	dma.local @!p0 [hbm:s0], s1  }
0x120: {  	s0 =	simm.s32 @!p0 $0x11  }
0x121: {  	_ =	swait.ge @!p0 [sflag:s0], s1  }
0x122: {  	s1 =	ssub.s32 @!p0 $0x0, s1;
	[sflag:s0] =	ssyncset.done @!p0 $0x0  }
0x123: {  	[sflag:s0] =	ssyncadd.s32 @!p0 s1  }
0x124: {  	[bflag:$0x3] =	sbarrier.arrive $0xFFFF  }
0x125: {  	_ =	shalt  }

// kernel: kernel.14.cloned.1.call-start
scs
__scs_entry_jumppad:
0x0: {  	(pc) =	sbr.rel $0x88, $3  }
0x1: {  	(tag) =	ssettag $0x0;
	lr =	simm.s32 $0x1  }
0x2: {  	[smem:$0x3F9B] =	sst lr;
	_ =	strace $0xD0000000  }
0x3: {  	_ = 	snop  }
0x4: {  	_ = 	snop  }
0x5: {  	_ = 	snop  }
0x6: {  	_ = 	snop  }
0x7: {  	_ = 	snop  }
__scs_overlays_trampoline_lowered:
0x8: {  	[smem:$0x3FAA] =	sst s0  }
0x9: {  	[smem:$0x3FAB] =	sst s1  }
0xa: {  	[smem:$0x3FAC] =	sst s2  }
0xb: {  	[smem:$0x3FAD] =	sst s3  }
0xc: {  	[smem:$0x3FAE] =	sst s4  }
0xd: {  	[smem:$0x3FAF] =	sst s5  }
0xe: {  	[smem:$0x3FB0] =	sst s6  }
0xf: {  	[smem:$0x3FB1] =	sst s7  }
0x10: {  	[smem:$0x3FB2] =	sst s8  }
0x11: {  	[smem:$0x3FB3] =	sst s9;
	s0 =	simm.s32 @!p0 $0x0  }
0x12: {  	s1 =	sld [smem:$0x3F99];
	s0 =	simm.s32 @p0 $0x1  }
0x13: {  	[smem:$0x3FB4] =	sst s0;
	s0 =	simm.s32 @!p1 $0x0  }
0x14: {  	s2 =	sld [smem:$0x3F98];
	s0 =	simm.s32 @p1 $0x1  }
0x15: {  	[smem:$0x3FB5] =	sst s0;
	s0 =	simm.s32 @!p2 $0x0  }
0x16: {  	s3 =	sld [smem:$0x3FDB];
	s0 =	simm.s32 @p2 $0x1  }
0x17: {  	s4 =	simm.s32 $0x1BF5;
	[smem:$0x3FB7] =	sst s0  }
0x18: {  	s0 =	sld [smem:$0x3F9A];
	_ =	swait.ge [sflag:s4], $0x0  }
0x19: {  	s7 =	sld [smem:$0x3F9B]  }
0x1a: {  	s8 =	sadd.s32 $0xFFFFE003, lr  }
0x1b: {  	s9 =	sadd.s32 $0xFFFFFEF7, lr;
	s5 =	simm.s32 $0xFFFFFFFF;
	p2 =	slt.u32 s8, $0xFFFFF086  }
0x1c: {  	p1 =	slt.u32 s9, $0xF7A;
	s5 =	simm.s32 @!p2 $0x0  }
0x1d: {  	s5 =	simm.s32 @p1 $0x1;
	p0 =	seq.s32 s7, s2  }
0x1e: {  	s7 =	smul.u32 @!p0 $0xF7A, s2;
	p2 =	seq.s32 @!p0 s5, $0x0  }
0x1f: {  	s9 =	smul.u32 $0xF7A, s1;
	s8 =	simm.s32 @!p0 $0x1BF5;
	p2 =	por !p2, p0  }
0x20: {  	[sflag:s8] =	ssyncset.s32 @!p0 $0xFFFFF086;
	s6 =	sadd.s32 @!p0 s3, s7;
	s7 =	simm.s32 @!p0 $0x108  }
0x21: {  	s3 =	sadd.s32 s3, s9;
	s6 =	sadd.s32 @!p0 $0x88, s6;
	s7 =	simm.s32 @p2 $0x1082  }
0x22: {  	[simem:s7], [sflag:s8] =	dma.local @!p0 [hbm:s6], $0xF7A  }
0x23: {  	s9 =	sor.u32 $0xD0000000, s2;
	s6 =	simm.s32 $0x108;
	_ =	swait.ge @!p0 [sflag:s8], $0x0  }
0x24: {  	s3 =	sadd.s32 $0x88, s3;
	s6 =	simm.s32 @!p1 $0x1082;
	[sflag:s4] =	ssyncset.s32 $0xFFFFF086  }
0x25: {  	[simem:s6], [sflag:s4] =	dma.local [hbm:s3], $0xF7A  }
0x26: {  	[smem:$0x3F9B] =	sst s1;
	(tag) =	ssettag s2;
	_ =	strace s9  }
0x27: {  	s1 =	sld [smem:$0x3FAB]  }
0x28: {  	s2 =	sld [smem:$0x3FAC]  }
0x29: {  	s4 =	sld [smem:$0x3FAE]  }
0x2a: {  	p0 =	seq.s32 s5, $0x0;
	s5 =	sld [smem:$0x3FAF]  }
0x2b: {  	s6 =	sld [smem:$0x3FB0]  }
0x2c: {  	s7 =	sld [smem:$0x3FB1]  }
0x2d: {  	s3 =	simm.s32 $0x108;
	s8 =	sld [smem:$0x3FB2]  }
0x2e: {  	s3 =	simm.s32 @!p0 $0x1082;
	s9 =	sld [smem:$0x3FB3]  }
0x2f: {  	lr =	sadd.s32 s0, s3;
	s0 =	sld [smem:$0x3FAA]  }
0x30: {  	s3 =	sld [smem:$0x3FAD]  }
0x31: {  	[smem:$0x3FB6] =	sst s10  }
0x32: {  	s10 =	sld [smem:$0x3FB4];
	_ =	sdelay $0x3  }
0x33: {  	p0 =	seq.s32 s10, $0x1;
	s10 =	sld [smem:$0x3FB6];
	_ =	sdelay $0x3  }
0x34: {  	[smem:$0x3FB6] =	sst s10  }
0x35: {  	s10 =	sld [smem:$0x3FB5];
	_ =	sdelay $0x3  }
0x36: {  	p1 =	seq.s32 s10, $0x1;
	s10 =	sld [smem:$0x3FB6];
	_ =	sdelay $0x3  }
0x37: {  	[smem:$0x3FB6] =	sst s10  }
0x38: {  	s10 =	sld [smem:$0x3FB7]  }
0x39: {  	_ = 	snop;
	(pc) =	sbr.ind lr, $3  }
0x3a: {  	_ = 	snop  }
0x3b: {  	_ = 	snop  }
0x3c: {  	p2 =	seq.s32 s10, $0x1;
	s10 =	sld [smem:$0x3FB6]  }
0x3d: {  	_ =	shalt  }
0x3e: {  	_ =	shalt  }
0x3f: {  	_ =	shalt  }
0x40: {  	_ =	shalt  }
0x41: {  	_ =	shalt  }
0x42: {  	_ =	shalt  }
0x43: {  	_ =	shalt  }
0x44: {  	_ =	shalt  }
0x45: {  	_ =	shalt  }
0x46: {  	_ =	shalt  }
0x47: {  	_ =	shalt  }
0x48: {  	_ =	shalt  }
0x49: {  	_ =	shalt  }
0x4a: {  	_ =	shalt  }
0x4b: {  	_ =	shalt  }
0x4c: {  	_ =	shalt  }
0x4d: {  	_ =	shalt  }
0x4e: {  	_ =	shalt  }
0x4f: {  	_ =	shalt  }
0x50: {  	_ =	shalt  }
0x51: {  	_ =	shalt  }
0x52: {  	_ =	shalt  }
0x53: {  	_ =	shalt  }
0x54: {  	_ =	shalt  }
0x55: {  	_ =	shalt  }
0x56: {  	_ =	shalt  }
0x57: {  	_ =	shalt  }
0x58: {  	_ =	shalt  }
0x59: {  	_ =	shalt  }
0x5a: {  	_ =	shalt  }
0x5b: {  	_ =	shalt  }
0x5c: {  	_ =	shalt  }
0x5d: {  	_ =	shalt  }
0x5e: {  	_ =	shalt  }
0x5f: {  	_ =	shalt  }
0x60: {  	_ =	shalt  }
0x61: {  	_ =	shalt  }
0x62: {  	_ =	shalt  }
0x63: {  	_ =	shalt  }
0x64: {  	_ =	shalt  }
0x65: {  	_ =	shalt  }
0x66: {  	_ =	shalt  }
0x67: {  	_ =	shalt  }
0x68: {  	_ =	shalt  }
0x69: {  	_ =	shalt  }
0x6a: {  	_ =	shalt  }
0x6b: {  	_ =	shalt  }
0x6c: {  	_ =	shalt  }
0x6d: {  	_ =	shalt  }
0x6e: {  	_ =	shalt  }
0x6f: {  	_ =	shalt  }
0x70: {  	_ =	shalt  }
0x71: {  	_ =	shalt  }
0x72: {  	_ =	shalt  }
0x73: {  	_ =	shalt  }
0x74: {  	_ =	shalt  }
0x75: {  	_ =	shalt  }
0x76: {  	_ =	shalt  }
0x77: {  	_ =	shalt  }
0x78: {  	_ =	shalt  }
0x79: {  	_ =	shalt  }
0x7a: {  	_ =	shalt  }
0x7b: {  	_ =	shalt  }
0x7c: {  	_ =	shalt  }
0x7d: {  	_ =	shalt  }
0x7e: {  	_ =	shalt  }
0x7f: {  	_ =	shalt  }
0x80: {  	_ =	shalt  }
0x81: {  	_ =	shalt  }
0x82: {  	_ =	shalt  }
0x83: {  	_ =	shalt  }
0x84: {  	_ =	shalt  }
0x85: {  	_ =	shalt  }
0x86: {  	_ =	shalt  }
0x87: {  	_ =	shalt  }
.Lfunc_end0:
.L_simem_size_0:
called_computation.2_lowered:
.L_overlay_start_0:
0x88: {  	s2 =	sld [smem:$0x3FD9]  }
0x89: {  	s3 =	sld [smem:$0x3FFE];
	_ =	sdelay $0x1  }
0x8a: {  	s1 =	srdreg.scid  }
0x8b: {  	s0 =	sand.u32 $0x1, s1  }
0x8c: {  	s16 =	sshll.u32 s0, $0xA;
	s2 =	sadd.s32 s3, s2  }
0x8d: {  	s2 =	sadd.s32 s2, s16  }
0x8e: {  	[smem:$0x3FC2] =	sst s2  }
0x8f: {  	_ = 	snop  }
0x90: {  	(tm) =	ssettm $0x1  }
0x91: {  	s17 =	sld [smem:$0x3FFB];
	_ =	sdelay $0x3  }
0x92: {  	_ =	strace s17  }
0x93: {  	s2 =	sld [smem:$0x3FFC];
	_ =	sdelay $0x3  }
0x94: {  	_ =	strace s2  }
0x95: {  	s2 =	sld [smem:$0x3FFD];
	_ =	sdelay $0x3  }
0x96: {  	_ =	strace s2  }
0x97: {  	_ =	strace $0x8FFFFFFF  }
0x98: {  	s18 =	sld [smem:$0x3FDB];
	_ =	sdelay $0x1  }
0x99: {  	s19 =	simm.s32 $_scs_section_size  }
0x9a: {  	s4 =	simm.s32 $_size__tile_overlayer_lowered;
	s5 =	simm.s32 $_tile_overlayer_lowered  }
0x9b: {  	s22 =	simm.s32 $0x1BFF;
	s21 =	sshll.u32 s5, $0x1;
	s2 =	sadd.s32 s19, s18  }
0x9c: {  	s6 =	simm.s32 $0x0;
	s20 =	sshll.u32 s4, $0x1;
	s4 =	sadd.s32 s21, s2  }
0x9d: {  	[timem:s6], [sflag:s22] =	dma.local [hbm:s4], s20  }
0x9e: {  	_ =	swait.ge [sflag:s22], s20  }
0x9f: {  	s3 =	ssub.s32 $0x0, s20;
	[sflag:s22] =	ssyncset.done $0x0  }
0xa0: {  	[sflag:s22] =	ssyncadd.s32 s3;
	_ =	sdelay $0x1  }
0xa1: {  	s23 =	simm.s32 $0x1B8B  }
0xa2: {  	_ =	swait.ge [sflag:s23], $0x1  }
0xa3: {  	[sflag:s23] =	ssyncset.done $0x0  }
0xa4: {  	s25 =	simm.s32 $0x1B8E;
	s24 =	sld [smem:$0x3FFE];
	[sflag:s23] =	ssyncadd.s32 $0xFFFFFFFF  }
0xa5: {  	s26 =	simm.s32 $execute0_lowered;
	[smem:$0x3FD2] =	sst s25  }
0xa6: {  	s4 =	sshll.u32 s26, $0x1;
	_ =	strace $0x8000004C;
	[dreg:$0x1] =	wrdreg $0xFFFFFFFF  }
0xa7: {  	s28 =	simm.s32 $_size_execute0_lowered;
	s2 =	sadd.s32 s2, s4;
	[dreg:$0x0] =	wrdreg $0x0  }
0xa8: {  	s4 =	sshll.u32 s28, $0x1;
	[dreg:$0x2] =	wrdreg s2  }
0xa9: {  	[dreg:$0x3] =	wrdreg s4  }
0xaa: {  	[dreg:$0x4] =	wrdreg $0xC0  }
0xab: {  	_ =	task [dreg:s6], $0x5FFFF  }
0xac: {  	[dreg:$0x1] =	wrdreg $0xFFFFFFFF  }
0xad: {  	[dreg:$0x0] =	wrdreg $0x60  }
0xae: {  	[dreg:$0x2] =	wrdreg s24  }
0xaf: {  	[dreg:$0x3] =	wrdreg $0x150000  }
0xb0: {  	[dreg:$0x4] =	wrdreg $0x9  }
0xb1: {  	_ =	task.clear_ibuf [dreg:s6], $0x5FFFF;
	_ =	strace $0x9000004C  }
0xb2: {  	s29 =	simm.s32 $0x9;
	_ =	strace $0x8000004E  }
0xb3: {  	_ =	swait.ge [sflag:s29], $0x1  }
0xb4: {  	[sflag:s29] =	ssyncadd.s32 $0xFFFFFFFF  }
0xb5: {  	_ =	strace $0x9000004E  }
0xb6: {  	_ =	sfence  }
0xb7: {  	s30 =	sld [smem:$0x0];
	_ =	sdelay $0x2  }
0xb8: {  	s31 =	sshll.u32 s1, $0xD;
	s1 =	sshrl.u32 s1, $0x2  }
0xb9: {  	s3 =	sand.u32 $0x4000, s31;
	s1 =	sadd.s32 s1, s30  }
0xba: {  	s0 =	sor.u32 s3, s0;
	s1 =	sshll.u32 s1, $0x11  }
0xbb: {  	s0 =	sor.u32 s1, s0  }
0xbc: {  	s0 =	sadd.s32 $0x8F2B, s0  }
0xbd: {  	[sflag:s0] =	ssyncadd.remote.s32 $0x1  }
0xbe: {  	_ =	sfence.sel $0xFFFF  }
0xbf: {  	[dreg:$0x0] =	wrdreg $0xFFFFFFFF;
	(pc) =	sbr.abs _section_cstart, $3  }
0xc0: {  	[dreg:$0x1] =	wrdreg $0xFFFFFFFF  }
0xc1: {  	_ =	task.clear_ibuf [dreg:s6], $0x2FFFF;
	_ =	strace $0x9FFFFFFF  }
0xc2: {  	(tm) =	ssettm $0x7FFFFFFF  }
0xc3: {  	_ =	shalt  }
tec
execute0_lowered:
.L_overlay_start_1:
0x0: {  	(tag) =	ssettag $0x1  }
0x1: {  	s0 =	srdreg.scid;
	s5 =	rddreg [dreg:$0x0]  }
0x2: {  	s3 =	stileid.u32;
	s2 =	rddreg [dreg:$0x1]  }
0x3: {  	s25 =	simm.s32 $0x0;
	s14 =	simm.s32 $0x5000;
	s15 =	simm.s32 $0x11  }
0x4: {  	s20 =	simm.s32 $0x9000;
	s28 =	simm.s32 $0xF000;
	s30 =	simm.s32 $0x11000  }
0x5: {  	s29 =	simm.s32 $0x6;
	s31 =	simm.s32 $0x8;
	s10 =	simm.s32 $0xD  }
0x6: {  	s11 =	simm.s32 $0xE;
	s12 =	simm.s32 $0xF;
	s13 =	simm.s32 $0x10  }
0x7: {  	s0 =	sand.u32 $0x1, s0;
	[smem:$0x7FF] =	sst s25;
	s7 =	smul.u32 $0xA000, s3  }
0x8: {  	s4 =	sadd.s32 $0x17800, s5;
	s8 =	smul.u32 $0x28000, s3;
	s1 =	sshll.u32 s0, $0x4  }
0x9: {  	s6 =	smul.u32 $0xA0000, s0;
	_ =	strace $0x8000004D;
	s0 =	ssub.s32 $0x2, s0  }
0xa: {  	s1 =	sor.u32 s3, s1;
	s9 =	sshrl.u32 s0, $0x1;
	s8 =	sshrl.u32 s8, $0x2  }
0xb: {  	s19 =	sadd.s32 s7, s2;
	s1 =	smul.u32 $0x500, s1;
	s6 =	sadd.s32 s7, s6  }
0xc: {  	s0 =	ssub.s32 s0, s9;
	s16 =	sadd.s32 s8, s2;
	s26 =	sshrl.u32 s19, $0x3  }
0xd: {  	s19 =	simm.s32 $0x2;
	s7 =	simm.s32 $0xA;
	[dreg:$0x4] =	wrdreg s16  }
0xe: {  	s8 =	simm.s32 $0xB;
	s0 =	smax.u32 s0, $0x1;
	[dreg:$0xd] =	wrdreg s26  }
0xf: {  	s9 =	simm.s32 $0xC;
	s21 =	sadd.s32 $0x2000, s16;
	[dreg:$0x8] =	wrdreg s0  }
0x10: {  	s6 =	sshrl.u32 s6, $0x3;
	s22 =	sadd.s32 $0x4000, s16;
	[dreg:$0x9] =	wrdreg s21  }
0x11: {  	s23 =	sadd.s32 $0x6000, s16;
	s24 =	sadd.s32 $0x8000, s16;
	[dreg:$0xa] =	wrdreg s22  }
0x12: {  	s16 =	simm.s32 $0x1;
	s26 =	simm.s32 $0x5;
	[dreg:$0xb] =	wrdreg s23  }
0x13: {  	s1 =	sadd.s32 s1, s5;
	s5 =	sadd.s32 s6, s5;
	[dreg:$0xc] =	wrdreg s24  }
0x14: {  	s22 =	simm.s32 $0xB000;
	s24 =	simm.s32 $0xD000;
	s17 =	sadd.s32 $0xD800, s1  }
0x15: {  	s21 =	simm.s32 $0x3;
	s1 =	sadd.s32 $0x3800, s1;
	[dreg:$0x5] =	wrdreg s17  }
0x16: {  	s23 =	simm.s32 $0x4;
	s18 =	sadd.s32 $0x2B800, s5;
	[dreg:$0x6] =	wrdreg s1  }
0x17: {  	s0 =	simm.s32 $0x7;
	s6 =	simm.s32 $0x9;
	[dreg:$0x7] =	wrdreg s18  }
0x18: {  	v0 =	vimm.f32 $0.0e+00;
	s17 =	simm.s32 $0x80;
	s18 =	simm.s32 $0x7000;
	s1 =	simm.s32 $0x13000  }
.LBB2_1:
0x19: {  	[dreg:$0x3] =	wrdreg s25;
	s25 =	simm.s32 $0x100;
	s5 =	simm.s32 $0x0  }
.LBB2_2:
0x1a: {  	p0 =	sne.s32 s25, $0x7F00;
	[tilespmem:s5+$0x5030] =	vst v0;
	s3 =	smov.u32 s25;
	s25 =	sadd.s32 $0x100, s25  }
.Ltmp0:
0x1b: {  	[tilespmem:s5+$0x5020] =	vst v0;
	(pc) =	sbr.rel @p0 .LBB2_2-.Ltmp0, $3  }
0x1c: {  	[tilespmem:s5+$0x5000] =	vst v0  }
0x1d: {  	[tilespmem:s5+$0x5010] =	vst v0;
	_ =	sdelay $0x1  }
0x1e: {  	s5 =	sshra.s32 s3, $0x2  }
0x1f: {  	[tilespmem:s5+$0x5030] =	vst v0  }
0x20: {  	[tilespmem:s5+$0x5020] =	vst v0  }
0x21: {  	[tilespmem:s5+$0x5000] =	vst v0  }
0x22: {  	[tilespmem:s5+$0x5010] =	vst v0;
	s3 =	rddreg [dreg:$0x4]  }
0x23: {  	[spmem:s3] =	stream.linear.scatter [tilespmem:s14], [sflag:$0x11], $0x2000, $0x38;
	[tilespmem:$0x1F000] =	vst v63  }
0x24: {  	_ =	swait.ge [sflag:s15], $0x2000  }
0x25: {  	[sflag:s15] =	ssyncset.done $0x0  }
0x26: {  	s25 =	rddreg [dreg:$0x9];
	[sflag:s15] =	ssyncadd.s32 $0xFFFFE000  }
0x27: {  	[spmem:s25] =	stream.linear.scatter [tilespmem:s14], [sflag:$0x11], $0x2000, $0x38;
	[tilespmem:$0x1F000] =	vst v63  }
0x28: {  	_ =	swait.ge [sflag:s15], $0x2000  }
0x29: {  	[sflag:s15] =	ssyncset.done $0x0  }
0x2a: {  	s5 =	rddreg [dreg:$0xa];
	[sflag:s15] =	ssyncadd.s32 $0xFFFFE000  }
0x2b: {  	[spmem:s5] =	stream.linear.scatter [tilespmem:s14], [sflag:$0x11], $0x2000, $0x38;
	[tilespmem:$0x1F000] =	vst v63  }
0x2c: {  	_ =	swait.ge [sflag:s15], $0x2000  }
0x2d: {  	[sflag:s15] =	ssyncset.done $0x0  }
0x2e: {  	s25 =	rddreg [dreg:$0xb];
	[sflag:s15] =	ssyncadd.s32 $0xFFFFE000  }
0x2f: {  	[spmem:s25] =	stream.linear.scatter [tilespmem:s14], [sflag:$0x11], $0x2000, $0x38;
	[tilespmem:$0x1F000] =	vst v63  }
0x30: {  	_ =	swait.ge [sflag:s15], $0x2000  }
0x31: {  	[sflag:s15] =	ssyncset.done $0x0  }
0x32: {  	s5 =	rddreg [dreg:$0xc];
	[sflag:s15] =	ssyncadd.s32 $0xFFFFE000  }
0x33: {  	[spmem:s5] =	stream.linear.scatter [tilespmem:s14], [sflag:$0x11], $0x2000, $0x38;
	[tilespmem:$0x1F000] =	vst v63  }
0x34: {  	_ =	swait.ge [sflag:s15], $0x2000  }
0x35: {  	[sflag:s15] =	ssyncset.done $0x0  }
0x36: {  	s3 =	simm.s32 $0x0;
	s25 =	rddreg [dreg:$0x5];
	[sflag:s15] =	ssyncadd.s32 $0xFFFFE000  }
0x37: {  	[tilespmem:s3], [sflag:$0x11] =	stream.linear.gather [hbm4b:s25+s3], $0x2800, $0x38;
	[tilespmem:$0x1F000] =	vst v63  }
0x38: {  	_ =	swait.ge [sflag:s15], $0x2800  }
0x39: {  	[sflag:s15] =	ssyncset.done $0x0  }
0x3a: {  	s25 =	simm.s32 $0x2800;
	s5 =	rddreg [dreg:$0x6];
	[sflag:s15] =	ssyncadd.s32 $0xFFFFD800  }
0x3b: {  	[tilespmem:s25], [sflag:$0x11] =	stream.linear.gather [hbm4b:s5+s3], $0x2800, $0x38;
	[tilespmem:$0x1F000] =	vst v63  }
0x3c: {  	_ =	swait.ge [sflag:s15], $0x2800  }
0x3d: {  	[sflag:s15] =	ssyncset.done $0x0  }
0x3e: {  	[sflag:s15] =	ssyncadd.s32 $0xFFFFD800  }
0x3f: {  	[bflag:$0x0] =	sbarrier.arrive $0xFFFF  }
0x40: {  	[tilespmem:s14], [sflag:$0x1] =	stream.indirect.gather [hbm4b:s4+s17], $0x40, s3, s17, $0xb8;
	[tilespmem:$0x1F000] =	vst v63  }
0x41: {  	_ = 	snop  }
0x42: {  	[tilespmem:s18], [sflag:$0x2] =	stream.indirect.gather [hbm4b:s4+s17], $0x40, s17, s17, $0xb8;
	[tilespmem:$0x1F000] =	vst v63  }
0x43: {  	s25 =	simm.s32 $0x100  }
0x44: {  	[tilespmem:s20], [sflag:$0x3] =	stream.indirect.gather [hbm4b:s4+s17], $0x40, s25, s17, $0xb8;
	[tilespmem:$0x1F000] =	vst v63  }
0x45: {  	s5 =	simm.s32 $0x180  }
0x46: {  	[tilespmem:s22], [sflag:$0x4] =	stream.indirect.gather [hbm4b:s4+s17], $0x40, s5, s17, $0xb8;
	[tilespmem:$0x1F000] =	vst v63  }
0x47: {  	s25 =	simm.s32 $0x200  }
0x48: {  	[tilespmem:s24], [sflag:$0x5] =	stream.indirect.gather [hbm4b:s4+s17], $0x40, s25, s17, $0xb8;
	[tilespmem:$0x1F000] =	vst v63  }
0x49: {  	s5 =	simm.s32 $0x280  }
0x4a: {  	[tilespmem:s28], [sflag:$0x6] =	stream.indirect.gather [hbm4b:s4+s17], $0x40, s5, s17, $0xb8;
	[tilespmem:$0x1F000] =	vst v63  }
0x4b: {  	s25 =	simm.s32 $0x300  }
0x4c: {  	[tilespmem:s30], [sflag:$0x7] =	stream.indirect.gather [hbm4b:s4+s17], $0x40, s25, s17, $0xb8;
	[tilespmem:$0x1F000] =	vst v63  }
0x4d: {  	s5 =	simm.s32 $0x380  }
0x4e: {  	[tilespmem:s1], [sflag:$0x8] =	stream.indirect.gather [hbm4b:s4+s17], $0x40, s5, s17, $0xb8;
	[tilespmem:$0x1F000] =	vst v63  }
0x4f: {  	_ =	swait.ge [sflag:s16], $0x2000  }
0x50: {  	[sflag:s16] =	ssyncset.done $0x0  }
0x51: {  	s25 =	simm.s32 $0x2800;
	[sflag:s16] =	ssyncadd.s32 $0xFFFFE000  }
0x52: {  	[spmem:s2] =	stream.indirect.scatter.add.f32 [tilespmem:s14], [sflag:$0x9], $0x40, s25, s17, $0xb8;
	[tilespmem:$0x1F000] =	vst v63  }
0x53: {  	_ =	swait.ge [sflag:s19], $0x2000  }
0x54: {  	[sflag:s19] =	ssyncset.done $0x0  }
0x55: {  	s5 =	simm.s32 $0x2880;
	[sflag:s19] =	ssyncadd.s32 $0xFFFFE000  }
0x56: {  	[spmem:s2] =	stream.indirect.scatter.add.f32 [tilespmem:s18], [sflag:$0xA], $0x40, s5, s17, $0xb8;
	[tilespmem:$0x1F000] =	vst v63  }
0x57: {  	_ =	swait.ge [sflag:s21], $0x2000  }
0x58: {  	[sflag:s21] =	ssyncset.done $0x0  }
0x59: {  	s25 =	simm.s32 $0x2900;
	[sflag:s21] =	ssyncadd.s32 $0xFFFFE000  }
0x5a: {  	[spmem:s2] =	stream.indirect.scatter.add.f32 [tilespmem:s20], [sflag:$0xB], $0x40, s25, s17, $0xb8;
	[tilespmem:$0x1F000] =	vst v63  }
0x5b: {  	_ =	swait.ge [sflag:s23], $0x2000  }
0x5c: {  	[sflag:s23] =	ssyncset.done $0x0  }
0x5d: {  	s5 =	simm.s32 $0x2980;
	[sflag:s23] =	ssyncadd.s32 $0xFFFFE000  }
0x5e: {  	[spmem:s2] =	stream.indirect.scatter.add.f32 [tilespmem:s22], [sflag:$0xC], $0x40, s5, s17, $0xb8;
	[tilespmem:$0x1F000] =	vst v63  }
0x5f: {  	_ =	swait.ge [sflag:s26], $0x2000  }
0x60: {  	[sflag:s26] =	ssyncset.done $0x0  }
0x61: {  	s25 =	simm.s32 $0x2A00;
	[sflag:s26] =	ssyncadd.s32 $0xFFFFE000  }
0x62: {  	[spmem:s2] =	stream.indirect.scatter.add.f32 [tilespmem:s24], [sflag:$0xD], $0x40, s25, s17, $0xb8;
	[tilespmem:$0x1F000] =	vst v63  }
0x63: {  	_ =	swait.ge [sflag:s29], $0x2000  }
0x64: {  	[sflag:s29] =	ssyncset.done $0x0  }
0x65: {  	s5 =	simm.s32 $0x2A80;
	[sflag:s29] =	ssyncadd.s32 $0xFFFFE000  }
0x66: {  	[spmem:s2] =	stream.indirect.scatter.add.f32 [tilespmem:s28], [sflag:$0xE], $0x40, s5, s17, $0xb8;
	[tilespmem:$0x1F000] =	vst v63  }
0x67: {  	_ =	swait.ge [sflag:s0], $0x2000  }
0x68: {  	[sflag:s0] =	ssyncset.done $0x0  }
0x69: {  	s25 =	simm.s32 $0x2B00;
	[sflag:s0] =	ssyncadd.s32 $0xFFFFE000  }
0x6a: {  	[spmem:s2] =	stream.indirect.scatter.add.f32 [tilespmem:s30], [sflag:$0xF], $0x40, s25, s17, $0xb8;
	[tilespmem:$0x1F000] =	vst v63  }
0x6b: {  	_ =	swait.ge [sflag:s31], $0x2000  }
0x6c: {  	[sflag:s31] =	ssyncset.done $0x0  }
0x6d: {  	s5 =	simm.s32 $0x2B80;
	[sflag:s31] =	ssyncadd.s32 $0xFFFFE000  }
0x6e: {  	[spmem:s2] =	stream.indirect.scatter.add.f32 [tilespmem:s1], [sflag:$0x10], $0x40, s5, s17, $0xb8;
	[tilespmem:$0x1F000] =	vst v63  }
0x6f: {  	_ =	swait.ge [sflag:s6], $0x2000  }
0x70: {  	[sflag:s6] =	ssyncset.done $0x0  }
0x71: {  	s25 =	simm.s32 $0x400;
	[sflag:s6] =	ssyncadd.s32 $0xFFFFE000  }
0x72: {  	[tilespmem:s14], [sflag:$0x1] =	stream.indirect.gather [hbm4b:s4+s17], $0x40, s25, s17, $0xb8;
	[tilespmem:$0x1F000] =	vst v63  }
0x73: {  	_ =	swait.ge [sflag:s7], $0x2000  }
0x74: {  	[sflag:s7] =	ssyncset.done $0x0  }
0x75: {  	s5 =	simm.s32 $0x480;
	[sflag:s7] =	ssyncadd.s32 $0xFFFFE000  }
0x76: {  	[tilespmem:s18], [sflag:$0x2] =	stream.indirect.gather [hbm4b:s4+s17], $0x40, s5, s17, $0xb8;
	[tilespmem:$0x1F000] =	vst v63  }
0x77: {  	_ =	swait.ge [sflag:s8], $0x2000  }
0x78: {  	[sflag:s8] =	ssyncset.done $0x0  }
0x79: {  	s25 =	simm.s32 $0x500;
	[sflag:s8] =	ssyncadd.s32 $0xFFFFE000  }
0x7a: {  	[tilespmem:s20], [sflag:$0x3] =	stream.indirect.gather [hbm4b:s4+s17], $0x40, s25, s17, $0xb8;
	[tilespmem:$0x1F000] =	vst v63  }
0x7b: {  	_ =	swait.ge [sflag:s9], $0x2000  }
0x7c: {  	[sflag:s9] =	ssyncset.done $0x0  }
0x7d: {  	s5 =	simm.s32 $0x580;
	[sflag:s9] =	ssyncadd.s32 $0xFFFFE000  }
0x7e: {  	[tilespmem:s22], [sflag:$0x4] =	stream.indirect.gather [hbm4b:s4+s17], $0x40, s5, s17, $0xb8;
	[tilespmem:$0x1F000] =	vst v63  }
0x7f: {  	_ =	swait.ge [sflag:s10], $0x2000  }
0x80: {  	[sflag:s10] =	ssyncset.done $0x0  }
0x81: {  	s25 =	simm.s32 $0x600;
	[sflag:s10] =	ssyncadd.s32 $0xFFFFE000  }
0x82: {  	[tilespmem:s24], [sflag:$0x5] =	stream.indirect.gather [hbm4b:s4+s17], $0x40, s25, s17, $0xb8;
	[tilespmem:$0x1F000] =	vst v63  }
0x83: {  	_ =	swait.ge [sflag:s11], $0x2000  }
0x84: {  	[sflag:s11] =	ssyncset.done $0x0  }
0x85: {  	s5 =	simm.s32 $0x680;
	[sflag:s11] =	ssyncadd.s32 $0xFFFFE000  }
0x86: {  	[tilespmem:s28], [sflag:$0x6] =	stream.indirect.gather [hbm4b:s4+s17], $0x40, s5, s17, $0xb8;
	[tilespmem:$0x1F000] =	vst v63  }
0x87: {  	_ =	swait.ge [sflag:s12], $0x2000  }
0x88: {  	[sflag:s12] =	ssyncset.done $0x0  }
0x89: {  	s25 =	simm.s32 $0x700;
	[sflag:s12] =	ssyncadd.s32 $0xFFFFE000  }
0x8a: {  	[tilespmem:s30], [sflag:$0x7] =	stream.indirect.gather [hbm4b:s4+s17], $0x40, s25, s17, $0xb8;
	[tilespmem:$0x1F000] =	vst v63  }
0x8b: {  	_ =	swait.ge [sflag:s13], $0x2000  }
0x8c: {  	[sflag:s13] =	ssyncset.done $0x0  }
0x8d: {  	s5 =	simm.s32 $0x780;
	s25 =	simm.s32 $0x1000;
	[sflag:s13] =	ssyncadd.s32 $0xFFFFE000  }
.LBB2_4:
0x8e: {  	[tilespmem:s1], [sflag:$0x8] =	stream.indirect.gather [hbm4b:s4+s17], $0x40, s5, s17, $0xb8;
	[tilespmem:$0x1F000] =	vst v63  }
0x8f: {  	s3 =	smov.u32 s25  }
0x90: {  	p0 =	sne.s32 s25, $0x8000;
	s25 =	sadd.s32 $0x1000, s25;
	_ =	swait.ge [sflag:s16], $0x2000  }
0x91: {  	s5 =	sshra.s32 s3, $0x2;
	[sflag:s16] =	ssyncset.done $0x0  }
0x92: {  	s3 =	sadd.s32 $0x2800, s5;
	[sflag:s16] =	ssyncadd.s32 $0xFFFFE000  }
0x93: {  	[spmem:s2] =	stream.indirect.scatter.add.f32 [tilespmem:s14], [sflag:$0x9], $0x40, s3, s17, $0xb8;
	[tilespmem:$0x1F000] =	vst v63  }
0x94: {  	_ =	swait.ge [sflag:s19], $0x2000  }
0x95: {  	[sflag:s19] =	ssyncset.done $0x0  }
0x96: {  	s3 =	sadd.s32 $0x2880, s5;
	[sflag:s19] =	ssyncadd.s32 $0xFFFFE000  }
0x97: {  	[spmem:s2] =	stream.indirect.scatter.add.f32 [tilespmem:s18], [sflag:$0xA], $0x40, s3, s17, $0xb8;
	[tilespmem:$0x1F000] =	vst v63  }
0x98: {  	_ =	swait.ge [sflag:s21], $0x2000  }
0x99: {  	[sflag:s21] =	ssyncset.done $0x0  }
0x9a: {  	s3 =	sadd.s32 $0x2900, s5;
	[sflag:s21] =	ssyncadd.s32 $0xFFFFE000  }
0x9b: {  	[spmem:s2] =	stream.indirect.scatter.add.f32 [tilespmem:s20], [sflag:$0xB], $0x40, s3, s17, $0xb8;
	[tilespmem:$0x1F000] =	vst v63  }
0x9c: {  	_ =	swait.ge [sflag:s23], $0x2000  }
0x9d: {  	[sflag:s23] =	ssyncset.done $0x0  }
0x9e: {  	s3 =	sadd.s32 $0x2980, s5;
	[sflag:s23] =	ssyncadd.s32 $0xFFFFE000  }
0x9f: {  	[spmem:s2] =	stream.indirect.scatter.add.f32 [tilespmem:s22], [sflag:$0xC], $0x40, s3, s17, $0xb8;
	[tilespmem:$0x1F000] =	vst v63  }
0xa0: {  	_ =	swait.ge [sflag:s26], $0x2000  }
0xa1: {  	[sflag:s26] =	ssyncset.done $0x0  }
0xa2: {  	s3 =	sadd.s32 $0x2A00, s5;
	[sflag:s26] =	ssyncadd.s32 $0xFFFFE000  }
0xa3: {  	[spmem:s2] =	stream.indirect.scatter.add.f32 [tilespmem:s24], [sflag:$0xD], $0x40, s3, s17, $0xb8;
	[tilespmem:$0x1F000] =	vst v63  }
0xa4: {  	_ =	swait.ge [sflag:s29], $0x2000  }
0xa5: {  	[sflag:s29] =	ssyncset.done $0x0  }
0xa6: {  	s3 =	sadd.s32 $0x2A80, s5;
	[sflag:s29] =	ssyncadd.s32 $0xFFFFE000  }
0xa7: {  	[spmem:s2] =	stream.indirect.scatter.add.f32 [tilespmem:s28], [sflag:$0xE], $0x40, s3, s17, $0xb8;
	[tilespmem:$0x1F000] =	vst v63  }
0xa8: {  	_ =	swait.ge [sflag:s0], $0x2000  }
0xa9: {  	[sflag:s0] =	ssyncset.done $0x0  }
0xaa: {  	s3 =	sadd.s32 $0x2B00, s5;
	[sflag:s0] =	ssyncadd.s32 $0xFFFFE000  }
0xab: {  	[spmem:s2] =	stream.indirect.scatter.add.f32 [tilespmem:s30], [sflag:$0xF], $0x40, s3, s17, $0xb8;
	[tilespmem:$0x1F000] =	vst v63  }
0xac: {  	_ =	swait.ge [sflag:s31], $0x2000  }
0xad: {  	[sflag:s31] =	ssyncset.done $0x0  }
0xae: {  	s3 =	sadd.s32 $0x2B80, s5;
	[sflag:s31] =	ssyncadd.s32 $0xFFFFE000  }
0xaf: {  	[spmem:s2] =	stream.indirect.scatter.add.f32 [tilespmem:s1], [sflag:$0x10], $0x40, s3, s17, $0xb8;
	[tilespmem:$0x1F000] =	vst v63  }
0xb0: {  	_ =	swait.ge [sflag:s6], $0x2000  }
0xb1: {  	[sflag:s6] =	ssyncset.done $0x0  }
0xb2: {  	s3 =	sadd.s32 $0x400, s5;
	[sflag:s6] =	ssyncadd.s32 $0xFFFFE000  }
0xb3: {  	[tilespmem:s14], [sflag:$0x1] =	stream.indirect.gather [hbm4b:s4+s17], $0x40, s3, s17, $0xb8;
	[tilespmem:$0x1F000] =	vst v63  }
0xb4: {  	_ =	swait.ge [sflag:s7], $0x2000  }
0xb5: {  	[sflag:s7] =	ssyncset.done $0x0  }
0xb6: {  	s3 =	sadd.s32 $0x480, s5;
	[sflag:s7] =	ssyncadd.s32 $0xFFFFE000  }
0xb7: {  	[tilespmem:s18], [sflag:$0x2] =	stream.indirect.gather [hbm4b:s4+s17], $0x40, s3, s17, $0xb8;
	[tilespmem:$0x1F000] =	vst v63  }
0xb8: {  	_ =	swait.ge [sflag:s8], $0x2000  }
0xb9: {  	[sflag:s8] =	ssyncset.done $0x0  }
0xba: {  	s3 =	sadd.s32 $0x500, s5;
	[sflag:s8] =	ssyncadd.s32 $0xFFFFE000  }
0xbb: {  	[tilespmem:s20], [sflag:$0x3] =	stream.indirect.gather [hbm4b:s4+s17], $0x40, s3, s17, $0xb8;
	[tilespmem:$0x1F000] =	vst v63  }
0xbc: {  	_ =	swait.ge [sflag:s9], $0x2000  }
0xbd: {  	[sflag:s9] =	ssyncset.done $0x0  }
0xbe: {  	s3 =	sadd.s32 $0x580, s5;
	[sflag:s9] =	ssyncadd.s32 $0xFFFFE000  }
0xbf: {  	[tilespmem:s22], [sflag:$0x4] =	stream.indirect.gather [hbm4b:s4+s17], $0x40, s3, s17, $0xb8;
	[tilespmem:$0x1F000] =	vst v63  }
0xc0: {  	_ =	swait.ge [sflag:s10], $0x2000  }
0xc1: {  	[sflag:s10] =	ssyncset.done $0x0  }
0xc2: {  	s3 =	sadd.s32 $0x600, s5;
	[sflag:s10] =	ssyncadd.s32 $0xFFFFE000  }
0xc3: {  	[tilespmem:s24], [sflag:$0x5] =	stream.indirect.gather [hbm4b:s4+s17], $0x40, s3, s17, $0xb8;
	[tilespmem:$0x1F000] =	vst v63  }
0xc4: {  	_ =	swait.ge [sflag:s11], $0x2000  }
0xc5: {  	[sflag:s11] =	ssyncset.done $0x0  }
0xc6: {  	s3 =	sadd.s32 $0x680, s5;
	[sflag:s11] =	ssyncadd.s32 $0xFFFFE000  }
0xc7: {  	[tilespmem:s28], [sflag:$0x6] =	stream.indirect.gather [hbm4b:s4+s17], $0x40, s3, s17, $0xb8;
	[tilespmem:$0x1F000] =	vst v63  }
0xc8: {  	_ =	swait.ge [sflag:s12], $0x2000  }
0xc9: {  	[sflag:s12] =	ssyncset.done $0x0  }
.Ltmp1:
0xca: {  	s3 =	sadd.s32 $0x700, s5;
	[sflag:s12] =	ssyncadd.s32 $0xFFFFE000;
	(pc) =	sbr.rel @p0 .LBB2_4-.Ltmp1, $4  }
0xcb: {  	[tilespmem:s30], [sflag:$0x7] =	stream.indirect.gather [hbm4b:s4+s17], $0x40, s3, s17, $0xb8;
	[tilespmem:$0x1F000] =	vst v63  }
0xcc: {  	_ =	swait.ge [sflag:s13], $0x2000  }
0xcd: {  	[sflag:s13] =	ssyncset.done $0x0  }
0xce: {  	s5 =	sadd.s32 $0x780, s5;
	[sflag:s13] =	ssyncadd.s32 $0xFFFFE000  }
0xcf: {  	[tilespmem:s1], [sflag:$0x8] =	stream.indirect.gather [hbm4b:s4+s17], $0x40, s5, s17, $0xb8;
	[tilespmem:$0x1F000] =	vst v63  }
0xd0: {  	_ =	swait.ge [sflag:s16], $0x2000  }
0xd1: {  	[sflag:s16] =	ssyncset.done $0x0  }
0xd2: {  	s3 =	simm.s32 $0x4C00;
	[sflag:s16] =	ssyncadd.s32 $0xFFFFE000  }
0xd3: {  	[spmem:s2] =	stream.indirect.scatter.add.f32 [tilespmem:s14], [sflag:$0x9], $0x40, s3, s17, $0xb8;
	[tilespmem:$0x1F000] =	vst v63  }
0xd4: {  	_ =	swait.ge [sflag:s19], $0x2000  }
0xd5: {  	[sflag:s19] =	ssyncset.done $0x0  }
0xd6: {  	s5 =	simm.s32 $0x4C80;
	[sflag:s19] =	ssyncadd.s32 $0xFFFFE000  }
0xd7: {  	[spmem:s2] =	stream.indirect.scatter.add.f32 [tilespmem:s18], [sflag:$0xA], $0x40, s5, s17, $0xb8;
	[tilespmem:$0x1F000] =	vst v63  }
0xd8: {  	_ =	swait.ge [sflag:s21], $0x2000  }
0xd9: {  	[sflag:s21] =	ssyncset.done $0x0  }
0xda: {  	s25 =	simm.s32 $0x4D00;
	[sflag:s21] =	ssyncadd.s32 $0xFFFFE000  }
0xdb: {  	[spmem:s2] =	stream.indirect.scatter.add.f32 [tilespmem:s20], [sflag:$0xB], $0x40, s25, s17, $0xb8;
	[tilespmem:$0x1F000] =	vst v63  }
0xdc: {  	_ =	swait.ge [sflag:s23], $0x2000  }
0xdd: {  	[sflag:s23] =	ssyncset.done $0x0  }
0xde: {  	s5 =	simm.s32 $0x4D80;
	[sflag:s23] =	ssyncadd.s32 $0xFFFFE000  }
0xdf: {  	[spmem:s2] =	stream.indirect.scatter.add.f32 [tilespmem:s22], [sflag:$0xC], $0x40, s5, s17, $0xb8;
	[tilespmem:$0x1F000] =	vst v63  }
0xe0: {  	_ =	swait.ge [sflag:s26], $0x2000  }
0xe1: {  	[sflag:s26] =	ssyncset.done $0x0  }
0xe2: {  	s25 =	simm.s32 $0x4E00;
	[sflag:s26] =	ssyncadd.s32 $0xFFFFE000  }
0xe3: {  	[spmem:s2] =	stream.indirect.scatter.add.f32 [tilespmem:s24], [sflag:$0xD], $0x40, s25, s17, $0xb8;
	[tilespmem:$0x1F000] =	vst v63  }
0xe4: {  	_ =	swait.ge [sflag:s29], $0x2000  }
0xe5: {  	[sflag:s29] =	ssyncset.done $0x0  }
0xe6: {  	s5 =	simm.s32 $0x4E80;
	[sflag:s29] =	ssyncadd.s32 $0xFFFFE000  }
0xe7: {  	[spmem:s2] =	stream.indirect.scatter.add.f32 [tilespmem:s28], [sflag:$0xE], $0x40, s5, s17, $0xb8;
	[tilespmem:$0x1F000] =	vst v63  }
0xe8: {  	_ =	swait.ge [sflag:s0], $0x2000  }
0xe9: {  	[sflag:s0] =	ssyncset.done $0x0  }
0xea: {  	s25 =	simm.s32 $0x4F00;
	[sflag:s0] =	ssyncadd.s32 $0xFFFFE000  }
0xeb: {  	[spmem:s2] =	stream.indirect.scatter.add.f32 [tilespmem:s30], [sflag:$0xF], $0x40, s25, s17, $0xb8;
	[tilespmem:$0x1F000] =	vst v63  }
0xec: {  	_ =	swait.ge [sflag:s31], $0x2000  }
0xed: {  	[sflag:s31] =	ssyncset.done $0x0  }
0xee: {  	s5 =	simm.s32 $0x4F80;
	[sflag:s31] =	ssyncadd.s32 $0xFFFFE000  }
0xef: {  	[spmem:s2] =	stream.indirect.scatter.add.f32 [tilespmem:s1], [sflag:$0x10], $0x40, s5, s17, $0xb8;
	[tilespmem:$0x1F000] =	vst v63  }
0xf0: {  	_ =	swait.ge [sflag:s6], $0x2000  }
0xf1: {  	[sflag:s6] =	ssyncset.done $0x0  }
0xf2: {  	[sflag:s6] =	ssyncadd.s32 $0xFFFFE000  }
0xf3: {  	_ =	swait.ge [sflag:s7], $0x2000  }
0xf4: {  	[sflag:s7] =	ssyncset.done $0x0  }
0xf5: {  	[sflag:s7] =	ssyncadd.s32 $0xFFFFE000  }
0xf6: {  	_ =	swait.ge [sflag:s8], $0x2000  }
0xf7: {  	[sflag:s8] =	ssyncset.done $0x0  }
0xf8: {  	[sflag:s8] =	ssyncadd.s32 $0xFFFFE000  }
0xf9: {  	_ =	swait.ge [sflag:s9], $0x2000  }
0xfa: {  	[sflag:s9] =	ssyncset.done $0x0  }
0xfb: {  	[sflag:s9] =	ssyncadd.s32 $0xFFFFE000  }
0xfc: {  	_ =	swait.ge [sflag:s10], $0x2000  }
0xfd: {  	[sflag:s10] =	ssyncset.done $0x0  }
0xfe: {  	[sflag:s10] =	ssyncadd.s32 $0xFFFFE000  }
0xff: {  	_ =	swait.ge [sflag:s11], $0x2000  }
0x100: {  	[sflag:s11] =	ssyncset.done $0x0  }
0x101: {  	[sflag:s11] =	ssyncadd.s32 $0xFFFFE000  }
0x102: {  	_ =	swait.ge [sflag:s12], $0x2000  }
0x103: {  	[sflag:s12] =	ssyncset.done $0x0  }
0x104: {  	[sflag:s12] =	ssyncadd.s32 $0xFFFFE000  }
0x105: {  	_ =	swait.ge [sflag:s13], $0x2000  }
0x106: {  	[sflag:s13] =	ssyncset.done $0x0  }
0x107: {  	[sflag:s13] =	ssyncadd.s32 $0xFFFFE000  }
0x108: {  	s25 =	stileid.u32;
	[bflag:$0x0] =	sbarrier.arrive $0xFFFF  }
0x109: {  	s3 =	sshll.u32 s25, $0x6;
	s5 =	rddreg [dreg:$0x7]  }
0x10a: {  	s3 =	sor.u32 $0x1C11, s3;
	s25 =	rddreg [dreg:$0xd]  }
0x10b: {  	[hbm:s5], [sflag:s3] =	dma.local [spmem:s25], $0x1400  }
0x10c: {  	_ =	swait.ge [sflag:s15], $0x1400  }
0x10d: {  	s3 =	rddreg [dreg:$0x3]  }
0x10e: {  	s5 =	rddreg [dreg:$0x8];
	s25 =	sadd.s32 $0x1, s3  }
0x10f: {  	p0 =	sne.s32 s25, s5  }
.Ltmp2:
0x110: {  	_ = 	snop;
	(pc) =	sbr.rel @p0 .LBB2_1-.Ltmp2, $3  }
0x111: {  	_ =	sdelay $0x1  }
0x112: {  	[sflag:s15] =	ssyncset.done $0x0  }
0x113: {  	[sflag:s15] =	ssyncadd.s32 $0xFFFFEC00  }
0x114: {  	_ =	sfence.sel $0x180000  }
0x115: {  	[bflag:$0x0] =	sbarrier.arrive $0xFFFF  }
0x116: {  	_ =	strace $0x9000004D  }
0x117: {  	s0 =	stileid.u32;
	[bflag:$0x2] =	sbarrier.arrive $0xFFFF  }
0x118: {  	p0 =	sne.s32 s0, $0x0;
	s0 =	rddreg [dreg:$0x2]  }
0x119: {  	s0 =	sadd.s32 @!p0 $0x100000, s0  }
0x11a: {  	[sflag:s0] =	ssyncadd.tile.s32 @!p0 $0x1;
	_ =	shalt  }
.Lfunc_end2:
_tile_overlayer_lowered:
.L_overlay_start_2:
0x11b: {  	(tag) =	ssettag $0x2  }
0x11c: {  	s0 =	rddreg [dreg:$0x0];
	s2 =	stileid.u32  }
0x11d: {  	s1 =	rddreg [dreg:$0x1];
	p0 =	sne.s32 s2, $0x0  }
0x11e: {  	s3 =	rddreg [dreg:$0x2];
	[bflag:$0x3] =	sbarrier.arrive $0xFFFF;
	s2 =	simm.s32 @!p0 $0x1C11  }
0x11f: {  	[timem:s3], [sflag:s2] =	dma.local @!p0 [hbm:s0], s1  }
0x120: {  	s0 =	simm.s32 @!p0 $0x11  }
0x121: {  	_ =	swait.ge @!p0 [sflag:s0], s1  }
0x122: {  	s1 =	ssub.s32 @!p0 $0x0, s1;
	[sflag:s0] =	ssyncset.done @!p0 $0x0  }
0x123: {  	[sflag:s0] =	ssyncadd.s32 @!p0 s1  }
0x124: {  	[bflag:$0x3] =	sbarrier.arrive $0xFFFF  }
0x125: {  	_ =	shalt  }

// kernel: kernel.8.cloned.1.call-start
scs
__scs_entry_jumppad:
0x0: {  	(pc) =	sbr.rel $0x88, $3  }
0x1: {  	(tag) =	ssettag $0x0;
	lr =	simm.s32 $0x1  }
0x2: {  	[smem:$0x3F9B] =	sst lr;
	_ =	strace $0xD0000000  }
0x3: {  	_ = 	snop  }
0x4: {  	_ = 	snop  }
0x5: {  	_ = 	snop  }
0x6: {  	_ = 	snop  }
0x7: {  	_ = 	snop  }
__scs_overlays_trampoline_lowered:
0x8: {  	[smem:$0x3FAA] =	sst s0  }
0x9: {  	[smem:$0x3FAB] =	sst s1  }
0xa: {  	[smem:$0x3FAC] =	sst s2  }
0xb: {  	[smem:$0x3FAD] =	sst s3  }
0xc: {  	[smem:$0x3FAE] =	sst s4  }
0xd: {  	[smem:$0x3FAF] =	sst s5  }
0xe: {  	[smem:$0x3FB0] =	sst s6  }
0xf: {  	[smem:$0x3FB1] =	sst s7  }
0x10: {  	[smem:$0x3FB2] =	sst s8  }
0x11: {  	[smem:$0x3FB3] =	sst s9;
	s0 =	simm.s32 @!p0 $0x0  }
0x12: {  	s1 =	sld [smem:$0x3F99];
	s0 =	simm.s32 @p0 $0x1  }
0x13: {  	[smem:$0x3FB4] =	sst s0;
	s0 =	simm.s32 @!p1 $0x0  }
0x14: {  	s2 =	sld [smem:$0x3F98];
	s0 =	simm.s32 @p1 $0x1  }
0x15: {  	[smem:$0x3FB5] =	sst s0;
	s0 =	simm.s32 @!p2 $0x0  }
0x16: {  	s3 =	sld [smem:$0x3FDB];
	s0 =	simm.s32 @p2 $0x1  }
0x17: {  	s4 =	simm.s32 $0x1BF5;
	[smem:$0x3FB7] =	sst s0  }
0x18: {  	s0 =	sld [smem:$0x3F9A];
	_ =	swait.ge [sflag:s4], $0x0  }
0x19: {  	s7 =	sld [smem:$0x3F9B]  }
0x1a: {  	s8 =	sadd.s32 $0xFFFFE003, lr  }
0x1b: {  	s9 =	sadd.s32 $0xFFFFFEF7, lr;
	s5 =	simm.s32 $0xFFFFFFFF;
	p2 =	slt.u32 s8, $0xFFFFF086  }
0x1c: {  	p1 =	slt.u32 s9, $0xF7A;
	s5 =	simm.s32 @!p2 $0x0  }
0x1d: {  	s5 =	simm.s32 @p1 $0x1;
	p0 =	seq.s32 s7, s2  }
0x1e: {  	s7 =	smul.u32 @!p0 $0xF7A, s2;
	p2 =	seq.s32 @!p0 s5, $0x0  }
0x1f: {  	s9 =	smul.u32 $0xF7A, s1;
	s8 =	simm.s32 @!p0 $0x1BF5;
	p2 =	por !p2, p0  }
0x20: {  	[sflag:s8] =	ssyncset.s32 @!p0 $0xFFFFF086;
	s6 =	sadd.s32 @!p0 s3, s7;
	s7 =	simm.s32 @!p0 $0x108  }
0x21: {  	s3 =	sadd.s32 s3, s9;
	s6 =	sadd.s32 @!p0 $0x88, s6;
	s7 =	simm.s32 @p2 $0x1082  }
0x22: {  	[simem:s7], [sflag:s8] =	dma.local @!p0 [hbm:s6], $0xF7A  }
0x23: {  	s9 =	sor.u32 $0xD0000000, s2;
	s6 =	simm.s32 $0x108;
	_ =	swait.ge @!p0 [sflag:s8], $0x0  }
0x24: {  	s3 =	sadd.s32 $0x88, s3;
	s6 =	simm.s32 @!p1 $0x1082;
	[sflag:s4] =	ssyncset.s32 $0xFFFFF086  }
0x25: {  	[simem:s6], [sflag:s4] =	dma.local [hbm:s3], $0xF7A  }
0x26: {  	[smem:$0x3F9B] =	sst s1;
	(tag) =	ssettag s2;
	_ =	strace s9  }
0x27: {  	s1 =	sld [smem:$0x3FAB]  }
0x28: {  	s2 =	sld [smem:$0x3FAC]  }
0x29: {  	s4 =	sld [smem:$0x3FAE]  }
0x2a: {  	p0 =	seq.s32 s5, $0x0;
	s5 =	sld [smem:$0x3FAF]  }
0x2b: {  	s6 =	sld [smem:$0x3FB0]  }
0x2c: {  	s7 =	sld [smem:$0x3FB1]  }
0x2d: {  	s3 =	simm.s32 $0x108;
	s8 =	sld [smem:$0x3FB2]  }
0x2e: {  	s3 =	simm.s32 @!p0 $0x1082;
	s9 =	sld [smem:$0x3FB3]  }
0x2f: {  	lr =	sadd.s32 s0, s3;
	s0 =	sld [smem:$0x3FAA]  }
0x30: {  	s3 =	sld [smem:$0x3FAD]  }
0x31: {  	[smem:$0x3FB6] =	sst s10  }
0x32: {  	s10 =	sld [smem:$0x3FB4];
	_ =	sdelay $0x3  }
0x33: {  	p0 =	seq.s32 s10, $0x1;
	s10 =	sld [smem:$0x3FB6];
	_ =	sdelay $0x3  }
0x34: {  	[smem:$0x3FB6] =	sst s10  }
0x35: {  	s10 =	sld [smem:$0x3FB5];
	_ =	sdelay $0x3  }
0x36: {  	p1 =	seq.s32 s10, $0x1;
	s10 =	sld [smem:$0x3FB6];
	_ =	sdelay $0x3  }
0x37: {  	[smem:$0x3FB6] =	sst s10  }
0x38: {  	s10 =	sld [smem:$0x3FB7]  }
0x39: {  	_ = 	snop;
	(pc) =	sbr.ind lr, $3  }
0x3a: {  	_ = 	snop  }
0x3b: {  	_ = 	snop  }
0x3c: {  	p2 =	seq.s32 s10, $0x1;
	s10 =	sld [smem:$0x3FB6]  }
0x3d: {  	_ =	shalt  }
0x3e: {  	_ =	shalt  }
0x3f: {  	_ =	shalt  }
0x40: {  	_ =	shalt  }
0x41: {  	_ =	shalt  }
0x42: {  	_ =	shalt  }
0x43: {  	_ =	shalt  }
0x44: {  	_ =	shalt  }
0x45: {  	_ =	shalt  }
0x46: {  	_ =	shalt  }
0x47: {  	_ =	shalt  }
0x48: {  	_ =	shalt  }
0x49: {  	_ =	shalt  }
0x4a: {  	_ =	shalt  }
0x4b: {  	_ =	shalt  }
0x4c: {  	_ =	shalt  }
0x4d: {  	_ =	shalt  }
0x4e: {  	_ =	shalt  }
0x4f: {  	_ =	shalt  }
0x50: {  	_ =	shalt  }
0x51: {  	_ =	shalt  }
0x52: {  	_ =	shalt  }
0x53: {  	_ =	shalt  }
0x54: {  	_ =	shalt  }
0x55: {  	_ =	shalt  }
0x56: {  	_ =	shalt  }
0x57: {  	_ =	shalt  }
0x58: {  	_ =	shalt  }
0x59: {  	_ =	shalt  }
0x5a: {  	_ =	shalt  }
0x5b: {  	_ =	shalt  }
0x5c: {  	_ =	shalt  }
0x5d: {  	_ =	shalt  }
0x5e: {  	_ =	shalt  }
0x5f: {  	_ =	shalt  }
0x60: {  	_ =	shalt  }
0x61: {  	_ =	shalt  }
0x62: {  	_ =	shalt  }
0x63: {  	_ =	shalt  }
0x64: {  	_ =	shalt  }
0x65: {  	_ =	shalt  }
0x66: {  	_ =	shalt  }
0x67: {  	_ =	shalt  }
0x68: {  	_ =	shalt  }
0x69: {  	_ =	shalt  }
0x6a: {  	_ =	shalt  }
0x6b: {  	_ =	shalt  }
0x6c: {  	_ =	shalt  }
0x6d: {  	_ =	shalt  }
0x6e: {  	_ =	shalt  }
0x6f: {  	_ =	shalt  }
0x70: {  	_ =	shalt  }
0x71: {  	_ =	shalt  }
0x72: {  	_ =	shalt  }
0x73: {  	_ =	shalt  }
0x74: {  	_ =	shalt  }
0x75: {  	_ =	shalt  }
0x76: {  	_ =	shalt  }
0x77: {  	_ =	shalt  }
0x78: {  	_ =	shalt  }
0x79: {  	_ =	shalt  }
0x7a: {  	_ =	shalt  }
0x7b: {  	_ =	shalt  }
0x7c: {  	_ =	shalt  }
0x7d: {  	_ =	shalt  }
0x7e: {  	_ =	shalt  }
0x7f: {  	_ =	shalt  }
0x80: {  	_ =	shalt  }
0x81: {  	_ =	shalt  }
0x82: {  	_ =	shalt  }
0x83: {  	_ =	shalt  }
0x84: {  	_ =	shalt  }
0x85: {  	_ =	shalt  }
0x86: {  	_ =	shalt  }
0x87: {  	_ =	shalt  }
.Lfunc_end0:
.L_simem_size_0:
called_computation_lowered:
.L_overlay_start_0:
0x88: {  	s2 =	sld [smem:$0x3FD9]  }
0x89: {  	s3 =	sld [smem:$0x3FFE];
	_ =	sdelay $0x1  }
0x8a: {  	s1 =	srdreg.scid  }
0x8b: {  	s0 =	sand.u32 $0x1, s1  }
0x8c: {  	s17 =	sshll.u32 s0, $0xA;
	s2 =	sadd.s32 s3, s2  }
0x8d: {  	s2 =	sadd.s32 s2, s17  }
0x8e: {  	[smem:$0x3FC2] =	sst s2  }
0x8f: {  	_ = 	snop  }
0x90: {  	s2 =	sld [smem:$0x3FD0];
	(tm) =	ssettm $0x1  }
0x91: {  	s18 =	sld [smem:$0x3FFB];
	_ =	sdelay $0x3  }
0x92: {  	_ =	strace s18  }
0x93: {  	s3 =	sld [smem:$0x3FFC];
	_ =	sdelay $0x3  }
0x94: {  	_ =	strace s3  }
0x95: {  	s3 =	sld [smem:$0x3FFD];
	_ =	sdelay $0x3  }
0x96: {  	_ =	strace s3  }
0x97: {  	_ =	strace $0x8FFFFFFF  }
0x98: {  	s19 =	sld [smem:$0x3FDB];
	_ =	sdelay $0x1  }
0x99: {  	s4 =	simm.s32 $_scs_section_size  }
0x9a: {  	s5 =	simm.s32 $_size__tile_overlayer_lowered;
	s6 =	simm.s32 $_tile_overlayer_lowered  }
0x9b: {  	s22 =	simm.s32 $0x1BFF;
	s21 =	sshll.u32 s6, $0x1;
	s3 =	sadd.s32 s4, s19  }
0x9c: {  	s7 =	simm.s32 $0x0;
	s20 =	sshll.u32 s5, $0x1;
	s5 =	sadd.s32 s21, s3  }
0x9d: {  	[timem:s7], [sflag:s22] =	dma.local [hbm:s5], s20  }
0x9e: {  	_ =	swait.ge [sflag:s22], s20  }
0x9f: {  	s4 =	ssub.s32 $0x0, s20;
	[sflag:s22] =	ssyncset.done $0x0  }
0xa0: {  	[sflag:s22] =	ssyncadd.s32 s4;
	_ =	sdelay $0x1  }
0xa1: {  	s23 =	simm.s32 $0x1B8B  }
0xa2: {  	_ =	swait.ge [sflag:s23], $0x1  }
0xa3: {  	[sflag:s23] =	ssyncset.done $0x0  }
0xa4: {  	s25 =	simm.s32 $0x1B8E;
	s24 =	sld [smem:$0x3FFE];
	[sflag:s23] =	ssyncadd.s32 $0xFFFFFFFF  }
0xa5: {  	s26 =	simm.s32 $execute0_lowered;
	[smem:$0x3FD2] =	sst s25  }
0xa6: {  	s5 =	sshll.u32 s26, $0x1;
	_ =	strace $0x80000046;
	[dreg:$0x1] =	wrdreg $0xFFFFFFFF  }
0xa7: {  	s28 =	simm.s32 $_size_execute0_lowered;
	s3 =	sadd.s32 s3, s5;
	[dreg:$0x0] =	wrdreg $0x0  }
0xa8: {  	s5 =	sshll.u32 s28, $0x1;
	[dreg:$0x2] =	wrdreg s3  }
0xa9: {  	[dreg:$0x3] =	wrdreg s5  }
0xaa: {  	[dreg:$0x4] =	wrdreg $0xC0  }
0xab: {  	_ =	task [dreg:s7], $0x5FFFF  }
0xac: {  	[dreg:$0x1] =	wrdreg $0xFFFFFFFF  }
0xad: {  	[dreg:$0x0] =	wrdreg $0x60  }
0xae: {  	[dreg:$0x2] =	wrdreg s2  }
0xaf: {  	[dreg:$0x3] =	wrdreg s24  }
0xb0: {  	[dreg:$0x4] =	wrdreg $0x2B000  }
0xb1: {  	[dreg:$0x5] =	wrdreg $0x9  }
0xb2: {  	_ =	task.clear_ibuf [dreg:s7], $0x6FFFF;
	_ =	strace $0x90000046  }
0xb3: {  	s29 =	simm.s32 $0x9;
	_ =	strace $0x80000048  }
0xb4: {  	_ =	swait.ge [sflag:s29], $0x1  }
0xb5: {  	[sflag:s29] =	ssyncadd.s32 $0xFFFFFFFF  }
0xb6: {  	_ =	strace $0x90000048  }
0xb7: {  	_ =	sfence  }
0xb8: {  	s30 =	sld [smem:$0x0];
	_ =	sdelay $0x2  }
0xb9: {  	s31 =	sshll.u32 s1, $0xD;
	s1 =	sshrl.u32 s1, $0x2  }
0xba: {  	s3 =	sand.u32 $0x4000, s31;
	s1 =	sadd.s32 s1, s30  }
0xbb: {  	s0 =	sor.u32 s3, s0;
	s1 =	sshll.u32 s1, $0x11  }
0xbc: {  	s0 =	sor.u32 s1, s0  }
0xbd: {  	s0 =	sadd.s32 $0x8F2B, s0  }
0xbe: {  	[sflag:s0] =	ssyncadd.remote.s32 $0x1  }
0xbf: {  	_ =	sfence.sel $0xFFFF  }
0xc0: {  	[dreg:$0x0] =	wrdreg $0xFFFFFFFF;
	(pc) =	sbr.abs _section_cstart, $3  }
0xc1: {  	[dreg:$0x1] =	wrdreg $0xFFFFFFFF  }
0xc2: {  	_ =	task.clear_ibuf [dreg:s7], $0x2FFFF;
	_ =	strace $0x9FFFFFFF  }
0xc3: {  	(tm) =	ssettm $0x7FFFFFFF  }
tec
execute0_lowered:
.L_overlay_start_1:
0x0: {  	(tag) =	ssettag $0x1  }
0x1: {  	s4 =	rddreg [dreg:$0x0]  }
0x2: {  	s5 =	rddreg [dreg:$0x1];
	s1 =	srdreg.scid  }
0x3: {  	s0 =	stileid.u32;
	s2 =	rddreg [dreg:$0x2];
	s3 =	simm.s32 $0x0  }
0x4: {  	s11 =	simm.s32 $0x2800;
	s12 =	simm.s32 $0x100;
	s13 =	simm.s32 $0x180  }
0x5: {  	s14 =	simm.s32 $0x200;
	s15 =	simm.s32 $0x280;
	s16 =	simm.s32 $0x1  }
0x6: {  	s17 =	simm.s32 $0x2;
	s18 =	simm.s32 $0x3;
	s19 =	simm.s32 $0x4  }
0x7: {  	s20 =	simm.s32 $0x5;
	s21 =	simm.s32 $0x6;
	s22 =	simm.s32 $0x2700  }
0x8: {  	s23 =	simm.s32 $0x2780;
	s6 =	sand.u32 $0x1, s1;
	s1 =	rddreg [dreg:$0x3]  }
0x9: {  	s26 =	simm.s32 $0x0;
	s7 =	smul.u32 $0x280, s0;
	[smem:$0x7FF] =	sst s3  }
0xa: {  	s24 =	sshll.u32 s0, $0x6;
	s8 =	smul.u32 $0x2800, s6;
	s9 =	sshll.u32 s6, $0x4  }
0xb: {  	s6 =	ssub.s32 $0x2, s6;
	_ =	strace $0x80000047;
	s9 =	sor.u32 s0, s9  }
0xc: {  	s10 =	sshrl.u32 s6, $0x1;
	s8 =	sadd.s32 s7, s8;
	s9 =	smul.u32 $0x500, s9  }
0xd: {  	s24 =	sor.u32 $0x1C07, s24;
	s10 =	ssub.s32 s6, s10;
	s8 =	sshrl.u32 s8, $0x3  }
0xe: {  	s8 =	sadd.s32 s8, s5;
	s4 =	sadd.s32 s4, s9;
	s5 =	sadd.s32 s7, s2  }
0xf: {  	s7 =	smax.u32 s10, $0x1;
	s9 =	simm.s32 $0x2880;
	s10 =	simm.s32 $0x80  }
0x10: {  	v0 =	vimm.f32 $0.0e+00;
	v1 =	vimm.f32 $1.000000000e+00;
	s6 =	sadd.s32 $0x2E00, s8;
	s8 =	simm.s32 $0x7;
	s25 =	sshrl.u32 s5, $0x3  }
.LBB2_1:
0x11: {  	[tilespmem:$0x2880] =	vst v0  }
0x12: {  	[tilespmem:$0x2890] =	vst v0  }
0x13: {  	[tilespmem:$0x28A0] =	vst v0  }
0x14: {  	[tilespmem:$0x28B0] =	vst v0  }
0x15: {  	[tilespmem:$0x28C0] =	vst v0  }
0x16: {  	[tilespmem:$0x28D0] =	vst v0  }
0x17: {  	[tilespmem:$0x28E0] =	vst v0  }
0x18: {  	[tilespmem:$0x28F0] =	vst v0  }
0x19: {  	[tilespmem:$0x2900] =	vst v0  }
0x1a: {  	[tilespmem:$0x2910] =	vst v0  }
0x1b: {  	[tilespmem:$0x2920] =	vst v0  }
0x1c: {  	[tilespmem:$0x2930] =	vst v0  }
0x1d: {  	[tilespmem:$0x2940] =	vst v0  }
0x1e: {  	[tilespmem:$0x2950] =	vst v0  }
0x1f: {  	[tilespmem:$0x2960] =	vst v0  }
0x20: {  	[tilespmem:$0x2970] =	vst v0  }
0x21: {  	[tilespmem:$0x2980] =	vst v0  }
0x22: {  	[tilespmem:$0x2990] =	vst v0  }
0x23: {  	[tilespmem:$0x29A0] =	vst v0  }
0x24: {  	[tilespmem:$0x29B0] =	vst v0  }
0x25: {  	[tilespmem:$0x29C0] =	vst v0  }
0x26: {  	[tilespmem:$0x29D0] =	vst v0  }
0x27: {  	[tilespmem:$0x29E0] =	vst v0  }
0x28: {  	[tilespmem:$0x29F0] =	vst v0  }
0x29: {  	[tilespmem:$0x2A00] =	vst v0  }
0x2a: {  	[tilespmem:$0x2A10] =	vst v0  }
0x2b: {  	[tilespmem:$0x2A20] =	vst v0  }
0x2c: {  	[tilespmem:$0x2A30] =	vst v0  }
0x2d: {  	[tilespmem:$0x2A40] =	vst v0  }
0x2e: {  	[tilespmem:$0x2A50] =	vst v0  }
0x2f: {  	[tilespmem:$0x2A60] =	vst v0  }
0x30: {  	[tilespmem:$0x2A70] =	vst v0  }
0x31: {  	[tilespmem:$0x2A80] =	vst v0  }
0x32: {  	[tilespmem:$0x2A90] =	vst v0  }
0x33: {  	[tilespmem:$0x2AA0] =	vst v0  }
0x34: {  	[tilespmem:$0x2AB0] =	vst v0  }
0x35: {  	[tilespmem:$0x2AC0] =	vst v0  }
0x36: {  	[tilespmem:$0x2AD0] =	vst v0  }
0x37: {  	[tilespmem:$0x2AE0] =	vst v0  }
0x38: {  	[tilespmem:$0x2AF0] =	vst v0  }
0x39: {  	[tilespmem:$0x2800] =	vst v1  }
0x3a: {  	[tilespmem:$0x2810] =	vst v1  }
0x3b: {  	[tilespmem:$0x2820] =	vst v1  }
0x3c: {  	[tilespmem:$0x2830] =	vst v1  }
0x3d: {  	[tilespmem:$0x2840] =	vst v1  }
0x3e: {  	[tilespmem:$0x2850] =	vst v1  }
0x3f: {  	[tilespmem:$0x2860] =	vst v1  }
0x40: {  	[tilespmem:$0x2870] =	vst v1  }
0x41: {  	[tilespmem:s3], [sflag:$0x7] =	stream.linear.gather [hbm4b:s4+s3], $0x2800, $0x38;
	[tilespmem:$0x2D80] =	vst v63  }
0x42: {  	_ =	swait.ge [sflag:s8], $0x2800  }
0x43: {  	[sflag:s8] =	ssyncset.done $0x0  }
0x44: {  	[sflag:s8] =	ssyncadd.s32 $0xFFFFD800  }
0x45: {  	[spmem:s5] =	stream.linear.scatter [tilespmem:s9], [sflag:$0x7], $0x280, $0x38;
	[tilespmem:$0x2D80] =	vst v63  }
0x46: {  	_ =	swait.ge [sflag:s8], $0x280  }
0x47: {  	[sflag:s8] =	ssyncset.done $0x0  }
0x48: {  	[sflag:s8] =	ssyncadd.s32 $0xFFFFFD80  }
0x49: {  	[bflag:$0x0] =	sbarrier.arrive $0xFFFF  }
0x4a: {  	[spmem:s2] =	stream.indirect.scatter.add.f32 [tilespmem:s11], [sflag:$0x1], $0x1, s3, s10, $0xb8;
	[tilespmem:$0x2D80] =	vst v63  }
0x4b: {  	_ = 	snop  }
0x4c: {  	[spmem:s2] =	stream.indirect.scatter.add.f32 [tilespmem:s11], [sflag:$0x2], $0x1, s10, s10, $0xb8;
	[tilespmem:$0x2D80] =	vst v63  }
0x4d: {  	_ = 	snop  }
0x4e: {  	[spmem:s2] =	stream.indirect.scatter.add.f32 [tilespmem:s11], [sflag:$0x3], $0x1, s12, s10, $0xb8;
	[tilespmem:$0x2D80] =	vst v63  }
0x4f: {  	_ = 	snop  }
0x50: {  	[spmem:s2] =	stream.indirect.scatter.add.f32 [tilespmem:s11], [sflag:$0x4], $0x1, s13, s10, $0xb8;
	[tilespmem:$0x2D80] =	vst v63  }
0x51: {  	_ = 	snop  }
0x52: {  	[spmem:s2] =	stream.indirect.scatter.add.f32 [tilespmem:s11], [sflag:$0x5], $0x1, s14, s10, $0xb8;
	[tilespmem:$0x2D80] =	vst v63  }
0x53: {  	_ = 	snop  }
0x54: {  	[spmem:s2] =	stream.indirect.scatter.add.f32 [tilespmem:s11], [sflag:$0x6], $0x1, s15, s10, $0xb8;
	[tilespmem:$0x2D80] =	vst v63  }
0x55: {  	_ =	swait.ge [sflag:s16], $0x80  }
0x56: {  	[sflag:s16] =	ssyncset.done $0x0  }
0x57: {  	s28 =	simm.s32 $0x300;
	[sflag:s16] =	ssyncadd.s32 $0xFFFFFF80  }
0x58: {  	[spmem:s2] =	stream.indirect.scatter.add.f32 [tilespmem:s11], [sflag:$0x1], $0x1, s28, s10, $0xb8;
	[tilespmem:$0x2D80] =	vst v63  }
0x59: {  	_ =	swait.ge [sflag:s17], $0x80  }
0x5a: {  	[sflag:s17] =	ssyncset.done $0x0  }
0x5b: {  	s28 =	simm.s32 $0x380;
	[sflag:s17] =	ssyncadd.s32 $0xFFFFFF80  }
0x5c: {  	[spmem:s2] =	stream.indirect.scatter.add.f32 [tilespmem:s11], [sflag:$0x2], $0x1, s28, s10, $0xb8;
	[tilespmem:$0x2D80] =	vst v63  }
0x5d: {  	_ =	swait.ge [sflag:s18], $0x80  }
0x5e: {  	[sflag:s18] =	ssyncset.done $0x0  }
0x5f: {  	s28 =	simm.s32 $0x400;
	[sflag:s18] =	ssyncadd.s32 $0xFFFFFF80  }
0x60: {  	[spmem:s2] =	stream.indirect.scatter.add.f32 [tilespmem:s11], [sflag:$0x3], $0x1, s28, s10, $0xb8;
	[tilespmem:$0x2D80] =	vst v63  }
0x61: {  	_ =	swait.ge [sflag:s19], $0x80  }
0x62: {  	[sflag:s19] =	ssyncset.done $0x0  }
0x63: {  	s28 =	simm.s32 $0x480;
	[sflag:s19] =	ssyncadd.s32 $0xFFFFFF80  }
0x64: {  	[spmem:s2] =	stream.indirect.scatter.add.f32 [tilespmem:s11], [sflag:$0x4], $0x1, s28, s10, $0xb8;
	[tilespmem:$0x2D80] =	vst v63  }
0x65: {  	_ =	swait.ge [sflag:s20], $0x80  }
0x66: {  	[sflag:s20] =	ssyncset.done $0x0  }
0x67: {  	s28 =	simm.s32 $0x500;
	[sflag:s20] =	ssyncadd.s32 $0xFFFFFF80  }
0x68: {  	[spmem:s2] =	stream.indirect.scatter.add.f32 [tilespmem:s11], [sflag:$0x5], $0x1, s28, s10, $0xb8;
	[tilespmem:$0x2D80] =	vst v63  }
0x69: {  	_ =	swait.ge [sflag:s21], $0x80  }
0x6a: {  	[sflag:s21] =	ssyncset.done $0x0  }
0x6b: {  	s29 =	simm.s32 $0x580;
	s28 =	simm.s32 $0xC00;
	[sflag:s21] =	ssyncadd.s32 $0xFFFFFF80  }
.LBB2_2:
0x6c: {  	[spmem:s2] =	stream.indirect.scatter.add.f32 [tilespmem:s11], [sflag:$0x6], $0x1, s29, s10, $0xb8;
	[tilespmem:$0x2D80] =	vst v63  }
0x6d: {  	s29 =	smov.u32 s28  }
0x6e: {  	p0 =	sne.s32 s28, $0x8400;
	s28 =	sadd.s32 $0xC00, s28;
	_ =	swait.ge [sflag:s16], $0x80  }
0x6f: {  	s29 =	sshra.s32 s29, $0x2;
	[sflag:s16] =	ssyncset.done $0x0  }
0x70: {  	s30 =	sadd.s32 $0x300, s29;
	[sflag:s16] =	ssyncadd.s32 $0xFFFFFF80  }
0x71: {  	[spmem:s2] =	stream.indirect.scatter.add.f32 [tilespmem:s11], [sflag:$0x1], $0x1, s30, s10, $0xb8;
	[tilespmem:$0x2D80] =	vst v63  }
0x72: {  	_ =	swait.ge [sflag:s17], $0x80  }
0x73: {  	[sflag:s17] =	ssyncset.done $0x0  }
0x74: {  	s30 =	sadd.s32 $0x380, s29;
	[sflag:s17] =	ssyncadd.s32 $0xFFFFFF80  }
0x75: {  	[spmem:s2] =	stream.indirect.scatter.add.f32 [tilespmem:s11], [sflag:$0x2], $0x1, s30, s10, $0xb8;
	[tilespmem:$0x2D80] =	vst v63  }
0x76: {  	_ =	swait.ge [sflag:s18], $0x80  }
0x77: {  	[sflag:s18] =	ssyncset.done $0x0  }
0x78: {  	s30 =	sadd.s32 $0x400, s29;
	[sflag:s18] =	ssyncadd.s32 $0xFFFFFF80  }
0x79: {  	[spmem:s2] =	stream.indirect.scatter.add.f32 [tilespmem:s11], [sflag:$0x3], $0x1, s30, s10, $0xb8;
	[tilespmem:$0x2D80] =	vst v63  }
0x7a: {  	_ =	swait.ge [sflag:s19], $0x80  }
0x7b: {  	[sflag:s19] =	ssyncset.done $0x0  }
0x7c: {  	s30 =	sadd.s32 $0x480, s29;
	[sflag:s19] =	ssyncadd.s32 $0xFFFFFF80  }
0x7d: {  	[spmem:s2] =	stream.indirect.scatter.add.f32 [tilespmem:s11], [sflag:$0x4], $0x1, s30, s10, $0xb8;
	[tilespmem:$0x2D80] =	vst v63  }
0x7e: {  	_ =	swait.ge [sflag:s20], $0x80  }
0x7f: {  	[sflag:s20] =	ssyncset.done $0x0  }
.Ltmp0:
0x80: {  	s30 =	sadd.s32 $0x500, s29;
	[sflag:s20] =	ssyncadd.s32 $0xFFFFFF80;
	(pc) =	sbr.rel @p0 .LBB2_2-.Ltmp0, $4  }
0x81: {  	[spmem:s2] =	stream.indirect.scatter.add.f32 [tilespmem:s11], [sflag:$0x5], $0x1, s30, s10, $0xb8;
	[tilespmem:$0x2D80] =	vst v63  }
0x82: {  	_ =	swait.ge [sflag:s21], $0x80  }
0x83: {  	[sflag:s21] =	ssyncset.done $0x0  }
0x84: {  	s29 =	sadd.s32 $0x580, s29;
	[sflag:s21] =	ssyncadd.s32 $0xFFFFFF80  }
0x85: {  	[spmem:s2] =	stream.indirect.scatter.add.f32 [tilespmem:s11], [sflag:$0x6], $0x1, s29, s10, $0xb8;
	[tilespmem:$0x2D80] =	vst v63  }
0x86: {  	_ =	swait.ge [sflag:s16], $0x80  }
0x87: {  	[sflag:s16] =	ssyncset.done $0x0  }
0x88: {  	[sflag:s16] =	ssyncadd.s32 $0xFFFFFF80  }
0x89: {  	[spmem:s2] =	stream.indirect.scatter.add.f32 [tilespmem:s11], [sflag:$0x1], $0x1, s22, s10, $0xb8;
	[tilespmem:$0x2D80] =	vst v63  }
0x8a: {  	_ =	swait.ge [sflag:s17], $0x80  }
0x8b: {  	[sflag:s17] =	ssyncset.done $0x0  }
0x8c: {  	[sflag:s17] =	ssyncadd.s32 $0xFFFFFF80  }
0x8d: {  	[spmem:s2] =	stream.indirect.scatter.add.f32 [tilespmem:s11], [sflag:$0x2], $0x1, s23, s10, $0xb8;
	[tilespmem:$0x2D80] =	vst v63  }
0x8e: {  	_ =	swait.ge [sflag:s16], $0x80  }
0x8f: {  	[sflag:s16] =	ssyncset.done $0x0  }
0x90: {  	[sflag:s16] =	ssyncadd.s32 $0xFFFFFF80  }
0x91: {  	_ =	swait.ge [sflag:s17], $0x80  }
0x92: {  	[sflag:s17] =	ssyncset.done $0x0  }
0x93: {  	[sflag:s17] =	ssyncadd.s32 $0xFFFFFF80  }
0x94: {  	_ =	swait.ge [sflag:s18], $0x80  }
0x95: {  	[sflag:s18] =	ssyncset.done $0x0  }
0x96: {  	[sflag:s18] =	ssyncadd.s32 $0xFFFFFF80  }
0x97: {  	_ =	swait.ge [sflag:s19], $0x80  }
0x98: {  	[sflag:s19] =	ssyncset.done $0x0  }
0x99: {  	[sflag:s19] =	ssyncadd.s32 $0xFFFFFF80  }
0x9a: {  	_ =	swait.ge [sflag:s20], $0x80  }
0x9b: {  	[sflag:s20] =	ssyncset.done $0x0  }
0x9c: {  	[sflag:s20] =	ssyncadd.s32 $0xFFFFFF80  }
0x9d: {  	_ =	swait.ge [sflag:s21], $0x80  }
0x9e: {  	s26 =	sadd.s32 $0x1, s26;
	[sflag:s21] =	ssyncset.done $0x0  }
0x9f: {  	p0 =	sne.s32 s26, s7;
	[sflag:s21] =	ssyncadd.s32 $0xFFFFFF80  }
.Ltmp1:
0xa0: {  	[bflag:$0x0] =	sbarrier.arrive $0xFFFF;
	(pc) =	sbr.rel @p0 .LBB2_1-.Ltmp1, $4  }
0xa1: {  	[hbm:s6], [sflag:s24] =	dma.local [spmem:s25], $0x50  }
0xa2: {  	_ =	swait.ge [sflag:s8], $0x50  }
0xa3: {  	[sflag:s8] =	ssyncset.done $0x0  }
0xa4: {  	[sflag:s8] =	ssyncadd.s32 $0xFFFFFFB0  }
0xa5: {  	_ =	sfence.sel $0x180000  }
0xa6: {  	[bflag:$0x0] =	sbarrier.arrive $0xFFFF  }
0xa7: {  	p0 =	sne.s32 s0, $0x0;
	_ =	strace $0x90000047  }
0xa8: {  	s0 =	sadd.s32 @!p0 $0x100000, s1;
	[bflag:$0x2] =	sbarrier.arrive $0xFFFF  }
0xa9: {  	[sflag:s0] =	ssyncadd.tile.s32 @!p0 $0x1;
	_ =	shalt  }
.Lfunc_end2:
_tile_overlayer_lowered:
.L_overlay_start_2:
0xaa: {  	(tag) =	ssettag $0x2  }
0xab: {  	s0 =	rddreg [dreg:$0x0];
	s2 =	stileid.u32  }
0xac: {  	s1 =	rddreg [dreg:$0x1];
	p0 =	sne.s32 s2, $0x0  }
0xad: {  	s3 =	rddreg [dreg:$0x2];
	[bflag:$0x3] =	sbarrier.arrive $0xFFFF;
	s2 =	simm.s32 @!p0 $0x1C07  }
0xae: {  	[timem:s3], [sflag:s2] =	dma.local @!p0 [hbm:s0], s1  }
0xaf: {  	s0 =	simm.s32 @!p0 $0x7  }
0xb0: {  	_ =	swait.ge @!p0 [sflag:s0], s1  }
0xb1: {  	s1 =	ssub.s32 @!p0 $0x0, s1;
	[sflag:s0] =	ssyncset.done @!p0 $0x0  }
0xb2: {  	[sflag:s0] =	ssyncadd.s32 @!p0 s1  }
0xb3: {  	[bflag:$0x3] =	sbarrier.arrive $0xFFFF  }
0xb4: {  	_ =	shalt  }

</sc_bundles>
